<compile_context>
chip_gen: v7x
topology: tpu7x:2x2x1
jax: 0.10.2.dev20260603
libtpu: 0.0.44.dev20260713+nightly
codegen_flags: <defaults>
</compile_context>

<pallas_src>
import functools

import numpy as np
import jax
import jax.numpy as jnp
from jax import lax
from jax.experimental import pallas as pl
from jax.experimental.pallas import tpu as pltpu
from jax.experimental.pallas import tpu_sc as plsc

B = 2
N = 4096
C_IN = 256
D = 256
V = 3
K = 10
H = 4
DH = D // H
DFF = 1024
M = N // 14
S = B * M
GROWS = S + S * K
GP = 6656
NW = 32
PER_W = GP // NW
CHUNK = PER_W // 2

_f32 = jnp.float32
_i32 = jnp.int32
_BIG = np.int32(2**30)

_SEL = np.zeros((D, H), np.float32)
for _d in range(D):
    _SEL[_d, _d // DH] = 1.0
_EXPAND = np.ascontiguousarray(_SEL.T)
_SELG = np.zeros((4 * 16, H), np.float32)
for _c in range(64):
    _SELG[_c, _c // 16] = 1.0
GEO_W = 128
_TILEC = np.zeros((GEO_W, 64), np.float32)
for _h in range(H):
    for _e in range(3):
        _TILEC[_e, _h * 16 + _e] = 1.0
_AMT = np.zeros((GEO_W, 3, 3), np.float32)
for _v in range(3):
    for _e in range(3):
        _AMT[3 + 3 * _v + _e, _v, _e] = 1.0


def _rmin2(x):
    return jnp.min(jnp.min(x, axis=1, keepdims=True), axis=0, keepdims=True)


def _rmax2(x):
    return jnp.max(jnp.max(x, axis=1, keepdims=True), axis=0, keepdims=True)


def _rsum2(x):
    return jnp.sum(jnp.sum(x, axis=1, keepdims=True), axis=0, keepdims=True)


def _fps_knn_body(cxs, cys, czs, cxt, cyt, czt, oidx, knn, qcxo, qcyo, qczo):
    X = cxs[:, :]
    Y = cys[:, :]
    Z = czs[:, :]
    row = lax.broadcasted_iota(_i32, (2 * 32, 128), 0)
    col = lax.broadcasted_iota(_i32, (2 * 32, 128), 1)
    lflat = (row - 32 * (row // 32)) * 128 + col
    blo = row < 32
    lane = lax.broadcasted_iota(_i32, (B, M), 1)
    INF = _f32(jnp.inf)
    NEG = _f32(-jnp.inf)

    def step(i, carry):
        dists, far0, far1, idxs, qcx, qcy, qcz = carry
        farcat = jnp.concatenate([far0, far1], axis=0)
        idxs = jnp.where(lane == i, farcat, idxs)
        farmap = jnp.where(blo, far0, far1)
        msk = lflat == farmap
        m0 = jnp.logical_and(msk, blo)
        m1 = jnp.logical_and(msk, jnp.logical_not(blo))
        cx0 = _rsum2(jnp.where(m0, X, 0.0))
        cy0 = _rsum2(jnp.where(m0, Y, 0.0))
        cz0 = _rsum2(jnp.where(m0, Z, 0.0))
        cx1 = _rsum2(jnp.where(m1, X, 0.0))
        cy1 = _rsum2(jnp.where(m1, Y, 0.0))
        cz1 = _rsum2(jnp.where(m1, Z, 0.0))
        qcx = jnp.where(lane == i, jnp.concatenate([cx0, cx1], axis=0), qcx)
        qcy = jnp.where(lane == i, jnp.concatenate([cy0, cy1], axis=0), qcy)
        qcz = jnp.where(lane == i, jnp.concatenate([cz0, cz1], axis=0), qcz)
        dx = X - jnp.where(blo, cx0, cx1)
        dy = Y - jnp.where(blo, cy0, cy1)
        dz = Z - jnp.where(blo, cz0, cz1)
        d = dx * dx + dy * dy + dz * dz
        dists = jnp.minimum(dists, d)
        d0 = jnp.where(blo, dists, NEG)
        d1 = jnp.where(blo, NEG, dists)
        mx0 = _rmax2(d0)
        mx1 = _rmax2(d1)
        far0 = _rmin2(jnp.where(d0 == mx0, lflat, _BIG))
        far1 = _rmin2(jnp.where(d1 == mx1, lflat, _BIG))
        return dists, far0, far1, idxs, qcx, qcy, qcz

    init = (jnp.full((2 * 32, 128), INF, _f32),
            jnp.zeros((1, 1), _i32), jnp.zeros((1, 1), _i32),
            jnp.zeros((B, M), _i32),
            jnp.zeros((B, M), _f32), jnp.zeros((B, M), _f32),
            jnp.zeros((B, M), _f32))
    _, _, _, idxs, qcx, qcy, qcz = lax.fori_loop(0, M, step, init)
    oidx[:, :] = idxs
    qcxo[:, :] = qcx
    qcyo[:, :] = qcy
    qczo[:, :] = qcz

    niota = lax.broadcasted_iota(_i32, (N, M), 0)
    for b in range(B):
        qx = lax.slice(qcx, (b, 0), (b + 1, M))
        qy = lax.slice(qcy, (b, 0), (b + 1, M))
        qz = lax.slice(qcz, (b, 0), (b + 1, M))
        dx = cxt[b] - qx
        dy = cyt[b] - qy
        dz = czt[b] - qz
        d2 = dx * dx + dy * dy + dz * dz
        rows = []
        for _k in range(K):
            mn = jnp.min(d2, axis=0, keepdims=True)
            ik = jnp.min(jnp.where(d2 == mn, niota, _BIG), axis=0,
                         keepdims=True)
            rows.append(ik)
            d2 = jnp.where(niota == ik, INF, d2)
        knn[b, :, :] = jnp.concatenate(rows, axis=0)


def _fps_knn(centers):
    cx = centers[..., 0]
    cy = centers[..., 1]
    cz = centers[..., 2]
    out_shape = [
        jax.ShapeDtypeStruct((B, M), _i32),
        jax.ShapeDtypeStruct((B, K, M), _i32),
        jax.ShapeDtypeStruct((B, M), _f32),
        jax.ShapeDtypeStruct((B, M), _f32),
        jax.ShapeDtypeStruct((B, M), _f32),
    ]
    return pl.pallas_call(_fps_knn_body, out_shape=out_shape)(
        cx.reshape(B * 32, 128), cy.reshape(B * 32, 128),
        cz.reshape(B * 32, 128),
        cx.reshape(B, N, 1), cy.reshape(B, N, 1), cz.reshape(B, N, 1))


def _sc_gather(all_idx, tgt_flat, geo):
    mesh = plsc.VectorSubcoreMesh(core_axis_name="c", subcore_axis_name="s")

    @functools.partial(
        pl.kernel, mesh=mesh,
        out_type=[jax.ShapeDtypeStruct((GP, C_IN), _f32),
                  jax.ShapeDtypeStruct((GP, GEO_W), _f32)],
        scratch_types=[pltpu.VMEM((CHUNK,), _i32),
                       pltpu.VMEM((CHUNK, C_IN), _f32),
                       pltpu.VMEM((CHUNK, GEO_W), _f32),
                       pltpu.SemaphoreType.DMA,
                       pltpu.SemaphoreType.DMA],
    )
    def gk(idx_hbm, tgt_hbm, geo_hbm, feat_out, geo_out,
           idx_v, feat_v, geo_v, semf, semg):
        wid = lax.axis_index("s") * 2 + lax.axis_index("c")
        for r in range(PER_W // CHUNK):
            base = wid * PER_W + r * CHUNK
            pltpu.sync_copy(idx_hbm.at[pl.ds(base, CHUNK)], idx_v)
            cf = pltpu.async_copy(tgt_hbm.at[idx_v], feat_v, semf)
            cg = pltpu.async_copy(geo_hbm.at[idx_v], geo_v, semg)
            cf.wait()
            cg.wait()
            pltpu.sync_copy(feat_v, feat_out.at[pl.ds(base, CHUNK)])
            pltpu.sync_copy(geo_v, geo_out.at[pl.ds(base, CHUNK)])

    return gk(all_idx, tgt_flat, geo)


def _layer_norm(x, s, b):
    mu = jnp.mean(x, axis=1, keepdims=True)
    var = jnp.mean((x - mu) * (x - mu), axis=1, keepdims=True)
    return (x - mu) / jnp.sqrt(var + 1e-5) * s + b


def _encoder_body(feat, geo, wlin, blin, sel, selg, tilec, expand, *rest):
    layer_refs, (out, kf, dif) = rest[:-3], rest[-3:]
    dot = functools.partial(jnp.dot, preferred_element_type=_f32)
    qraw = feat[pl.ds(0, S), :]
    x = dot(qraw, wlin[:, :]) + blin[:, :]
    for j in range(K):
        kf[pl.ds(j * S, S), :] = (
            dot(feat[pl.ds(S + j * S, S), :], wlin[:, :]) + blin[:, :])
    qgeo = geo[pl.ds(0, S), :]
    q64 = dot(qgeo, tilec[:, :])
    for j in range(K):
        dif[pl.ds(j * S, S), :] = (
            dot(geo[pl.ds(S + j * S, S), :], tilec[:, :]) - q64)
    for l in range(2):
        (Wq, bq, Wk, bk, Wv, bv, Wo, bo, MT,
         W1, b1, W2, b2, l1s, l1b, l2s, l2b) = layer_refs[l * 17:(l + 1) * 17]
        T = dot(qgeo, MT[:, :])
        q = dot(x, Wq[:, :]) + bq[:, :]
        scores = []
        for j in range(K):
            kp = dot(kf[pl.ds(j * S, S), :], Wk[:, :]) + bk[:, :]
            s1 = dot(q * kp, sel[:, :]) * _f32(0.125)
            s2 = dot(dif[pl.ds(j * S, S), :] * T, selg[:, :])
            scores.append(s1 + s2)
        mx = scores[0]
        for sc in scores[1:]:
            mx = jnp.maximum(mx, sc)
        es = [jnp.exp(sc - mx) for sc in scores]
        den = es[0]
        for e in es[1:]:
            den = den + e
        o = jnp.zeros((S, D), _f32)
        for j in range(K):
            w = dot(es[j] / den, expand[:, :])
            vp = dot(kf[pl.ds(j * S, S), :], Wv[:, :]) + bv[:, :]
            o = o + w * vp
        o = dot(o, Wo[:, :]) + bo[:, :]
        x = _layer_norm(x + o, l1s[:, :], l1b[:, :])
        ff = dot(jnp.maximum(dot(x, W1[:, :]) + b1[:, :], 0.0),
                 W2[:, :]) + b2[:, :]
        x = _layer_norm(x + ff, l2s[:, :], l2b[:, :])
    out[:, :] = x


def _encoder(feat, geo_g, W_lin, b_lin, layers):
    consts = (jnp.asarray(_SEL), jnp.asarray(_SELG), jnp.asarray(_TILEC),
              jnp.asarray(_EXPAND))
    amt = jnp.asarray(_AMT)
    layer_args = []
    for P in layers:
        MT = jnp.pad(jnp.einsum('cve,vh->che', amt, P['Wg']),
                     ((0, 0), (0, 0), (0, 13))).reshape(GEO_W, 64)
        layer_args += [
            P['Wq'], P['bq'].reshape(1, D), P['Wk'], P['bk'].reshape(1, D),
            P['Wv'], P['bv'].reshape(1, D), P['Wo'], P['bo'].reshape(1, D),
            MT, P['W1'], P['b1'].reshape(1, DFF), P['W2'],
            P['b2'].reshape(1, D),
            P['ln1s'].reshape(1, D), P['ln1b'].reshape(1, D),
            P['ln2s'].reshape(1, D), P['ln2b'].reshape(1, D),
        ]
    return pl.pallas_call(
        _encoder_body,
        out_shape=jax.ShapeDtypeStruct((S, D), _f32),
        scratch_shapes=[pltpu.VMEM((S * K, D), _f32),
                        pltpu.VMEM((S * K, 64), _f32)],
    )(feat, geo_g, W_lin, b_lin.reshape(1, D), *consts, *layer_args)


def kernel(tgt, centers, vectors, W_lin, b_lin, layers):
    oidx, knn, qcx, qcy, qcz = _fps_knn(centers)
    query_c = jnp.stack([qcx, qcy, qcz], axis=-1)

    boff = jnp.arange(B, dtype=_i32) * N
    flatq = (oidx + boff[:, None]).reshape(-1)
    flatn = (knn + boff[:, None, None]).transpose(1, 0, 2).reshape(-1)
    all_idx = jnp.concatenate(
        [flatq, flatn, jnp.zeros((GP - GROWS,), _i32)])
    tgt_flat = tgt.reshape(B * N, C_IN)
    geo = jnp.concatenate(
        [centers, vectors.reshape(B, N, V * 3),
         jnp.zeros((B, N, GEO_W - 12), _f32)], axis=-1).reshape(B * N, GEO_W)
    feat_g, geo_g = _sc_gather(all_idx, tgt_flat, geo)
    query_v = geo_g[:S, 3:12].reshape(B, M, V, 3)

    out = _encoder(feat_g, geo_g, W_lin, b_lin, layers)
    return out.reshape(B, M, D), query_c, query_v

# --- scband reference (transcript-rebuilt; emitter-appended) ---
"""Pipeline reference for scband-super-point-encoder-8409545966068 (READ-ONLY COPY).

The authoritative reference and input builder live on the scoring server;
editing this copy changes nothing except your own understanding.
"""

import jax, jax.numpy as jnp
import numpy as np

B = 2
N = 4096
C_IN = 256
D = 256
V = 3
FACTOR = 14
K = 10
H = 4
DFF = 1024
NUM_LAYERS = 2

def fps_indices(x, n_samples):
    Bb, Nn, _ = x.shape
    dists0 = jnp.full((Bb, Nn), jnp.inf, dtype=x.dtype)
    idxs0 = jnp.zeros((Bb, n_samples), dtype=jnp.int32)
    far0 = jnp.zeros((Bb,), dtype=jnp.int32)
    def body(i, state):
        dists, idxs, far = state
        idxs = idxs.at[:, i].set(far)
        centroid = x[jnp.arange(Bb), far][:, None, :]
        d = jnp.sum((x - centroid) ** 2, axis=-1)
        dists = jnp.minimum(dists, d)
        far = jnp.argmax(dists, axis=-1).astype(jnp.int32)
        return (dists, idxs, far)
    _, idxs, _ = jax.lax.fori_loop(0, n_samples, body, (dists0, idxs0, far0))
    return idxs

def knn_idx(q, p, k):
    d2 = jnp.sum((q[:, :, None, :] - p[:, None, :, :]) ** 2, axis=-1)
    _, idx = jax.lax.top_k(-d2, k)
    return idx

def layer_norm(x, s, b):
    mu = jnp.mean(x, axis=-1, keepdims=True)
    var = jnp.var(x, axis=-1, keepdims=True)
    return (x - mu) / jnp.sqrt(var + 1e-5) * s + b

def setup_inputs(seed: int = 0):
    key = jax.random.key(seed)
    ks = jax.random.split(key, 8)
    tgt = jax.random.normal(ks[0], (B, N, C_IN), dtype=jnp.float32)
    centers = jax.random.normal(ks[1], (B, N, 3), dtype=jnp.float32)
    vectors = jax.random.normal(ks[2], (B, N, V, 3), dtype=jnp.float32)
    W_lin = jax.random.normal(ks[3], (C_IN, D), dtype=jnp.float32) * (1.0 / np.sqrt(C_IN))
    b_lin = jnp.zeros((D,), dtype=jnp.float32)
    layers = []
    for li in range(NUM_LAYERS):
        kl = jax.random.fold_in(key, 100 + li)
        kk = jax.random.split(kl, 8)
        s = 1.0 / np.sqrt(D)
        layers.append({
            'Wq': jax.random.normal(kk[0], (D, D)) * s, 'bq': jnp.zeros((D,)),
            'Wk': jax.random.normal(kk[1], (D, D)) * s, 'bk': jnp.zeros((D,)),
            'Wv': jax.random.normal(kk[2], (D, D)) * s, 'bv': jnp.zeros((D,)),
            'Wo': jax.random.normal(kk[3], (D, D)) * s, 'bo': jnp.zeros((D,)),
            'Wg': jax.random.normal(kk[4], (V, H)) * 0.1,
            'W1': jax.random.normal(kk[5], (D, DFF)) * s, 'b1': jnp.zeros((DFF,)),
            'W2': jax.random.normal(kk[6], (DFF, D)) * (1.0 / np.sqrt(DFF)), 'b2': jnp.zeros((D,)),
            'ln1s': jnp.ones((D,)), 'ln1b': jnp.zeros((D,)),
            'ln2s': jnp.ones((D,)), 'ln2b': jnp.zeros((D,)),
        })
    return {'tgt': tgt, 'centers': centers, 'vectors': vectors, 'W_lin': W_lin, 'b_lin': b_lin, 'layers': layers}

def _forward(tgt, centers, vectors, W_lin, b_lin, layers):
    Bb, Nn, Cc = tgt.shape
    M = Nn // FACTOR
    out_idx = fps_indices(jax.lax.stop_gradient(centers), M)
    bi = jnp.arange(Bb)[:, None]
    bi2 = jnp.arange(Bb)[:, None, None]
    out_c = centers[bi, out_idx]
    idx = knn_idx(jax.lax.stop_gradient(out_c), jax.lax.stop_gradient(centers), K)
    knn_pcd = centers[bi2, idx]
    query_f = tgt[bi, out_idx]
    query_c = out_c
    query_v = vectors[bi, out_idx]
    key_f = tgt[bi2, idx]
    qf = (query_f.reshape(-1, Cc) @ W_lin + b_lin)[:, None, :]
    kf = key_f.reshape(-1, K, Cc) @ W_lin + b_lin
    qc = query_c.reshape(-1, 3)[:, None, :]
    kc = knn_pcd.reshape(-1, K, 3)
    qv = query_v.reshape(-1, V, 3)
    rel = kc - qc
    dots = jnp.einsum('bkd,bvd->bkv', rel, qv)
    x = qf
    dh = D // H
    for P in layers:
        q = (x @ P['Wq'] + P['bq']).reshape(-1, 1, H, dh).transpose(0, 2, 1, 3)
        kk = (kf @ P['Wk'] + P['bk']).reshape(-1, K, H, dh).transpose(0, 2, 1, 3)
        vv = (kf @ P['Wv'] + P['bv']).reshape(-1, K, H, dh).transpose(0, 2, 1, 3)
        bias = (dots @ P['Wg']).transpose(0, 2, 1)[:, :, None, :]
        att = jax.nn.softmax(jnp.einsum('bhqd,bhkd->bhqk', q, kk) / np.sqrt(dh) + bias, axis=-1)
        o = jnp.einsum('bhqk,bhkd->bhqd', att, vv).transpose(0, 2, 1, 3).reshape(-1, 1, D)
        o = o @ P['Wo'] + P['bo']
        x = layer_norm(x + o, P['ln1s'], P['ln1b'])
        ff = jax.nn.relu(x @ P['W1'] + P['b1']) @ P['W2'] + P['b2']
        x = layer_norm(x + ff, P['ln2s'], P['ln2b'])
    out = x.reshape(Bb, M, D)
    return out, query_c, query_v

def reference(tgt, centers, vectors, W_lin, b_lin, layers):
    return _forward(tgt, centers, vectors, W_lin, b_lin, layers)

if __name__ == "__main__":
    import jax
    _d = setup_inputs()
    print(jax.jit(kernel)(*tuple(_d.values())))

</pallas_src>

<mosaic_0001>
#map = affine_map<(d0, d1) -> (0)>
#map1 = affine_map<(d0, d1) -> (0, 0)>
module attributes {stable_mosaic.version = 14 : i64} {
  func.func @gk(%arg0: i32, %arg1: i32, %arg2: memref<6656xi32, #tpu.memory_space<hbm>>, %arg3: memref<8192x256xf32, #tpu.memory_space<hbm>>, %arg4: memref<8192x128xf32, #tpu.memory_space<hbm>>, %arg5: memref<6656x256xf32, #tpu.memory_space<hbm>>, %arg6: memref<6656x128xf32, #tpu.memory_space<hbm>>, %arg7: memref<104xi32, #tpu.memory_space<vmem>>, %arg8: memref<104x256xf32, #tpu.memory_space<vmem>>, %arg9: memref<104x128xf32, #tpu.memory_space<vmem>>, %arg10: memref<!tpu.dma_semaphore, #tpu.memory_space<semaphore_mem>>, %arg11: memref<!tpu.dma_semaphore, #tpu.memory_space<semaphore_mem>>) attributes {dimension_semantics = [#tpu.dimension_semantics<core_parallel>, #tpu.dimension_semantics<subcore_parallel>], iteration_bounds = array<i64: 2, 16>, scalar_prefetch = 0 : i64, scratch_operands = 5 : i64, tpu.core_type = #tpu.core_type<sc_vector_subcore>, window_params = [{transform_indices = #map}, {transform_indices = #map1}, {transform_indices = #map1}, {transform_indices = #map1}, {transform_indices = #map1}]} {
    %mul3A = arith.constant 2 : i32
    %mul3A_0 = arith.muli %arg1, %mul3A : i32
    %add3A = arith.addi %mul3A_0, %arg0 : i32
    %mul3A_1 = arith.constant 208 : i32
    %mul3A_2 = arith.muli %add3A, %mul3A_1 : i32
    %add3A_3 = arith.constant 0 : i32
    %add3A_4 = arith.addi %mul3A_2, %add3A_3 : i32
    "tpu.region"() ({
      %run_scoped3A = tpu.sem_alloc : memref<!tpu.dma_semaphore, #tpu.memory_space<semaphore_mem>>
      %dma_start3A_31 = tpu.memref_slice %arg2[%add3A_4] : memref<6656xi32, #tpu.memory_space<hbm>> -> memref<104xi32, #tpu.memory_space<hbm>>
      %dma_start3A_32 = tpu.memref_slice %arg2[%add3A_4] : memref<6656xi32, #tpu.memory_space<hbm>> -> memref<104xi32, #tpu.memory_space<hbm>>
      tpu.enqueue_dma source(%dma_start3A_32 : memref<104xi32, #tpu.memory_space<hbm>>) target(%arg7 : memref<104xi32, #tpu.memory_space<vmem>>) target_semaphore(%run_scoped3A : memref<!tpu.dma_semaphore, #tpu.memory_space<semaphore_mem>>)
      %dma_wait3A_33 = tpu.memref_slice %arg2[%add3A_4] : memref<6656xi32, #tpu.memory_space<hbm>> -> memref<104xi32, #tpu.memory_space<hbm>>
      %dma_wait3A_34 = tpu.memref_slice %arg2[%add3A_4] : memref<6656xi32, #tpu.memory_space<hbm>> -> memref<104xi32, #tpu.memory_space<hbm>>
      tpu.wait_dma2 semaphore(%run_scoped3A : memref<!tpu.dma_semaphore, #tpu.memory_space<semaphore_mem>>) src(%dma_wait3A_34 : memref<104xi32, #tpu.memory_space<hbm>>) dst(%arg7 : memref<104xi32, #tpu.memory_space<vmem>>)
      tpu.yield
    }) : () -> ()
    %dma_start3A = arith.constant 0 : i32
    %dma_start3A_5 = arith.constant 0 : i32
    %dma_start3A_6 = tpu.memref_slice %arg3[%dma_start3A, %dma_start3A_5] : memref<8192x256xf32, #tpu.memory_space<hbm>> -> memref<8192x256xf32, #tpu.memory_space<hbm>>
    tpu.enqueue_indirect_dma source(%dma_start3A_6 : memref<8192x256xf32, #tpu.memory_space<hbm>>) target(%arg8 : memref<104x256xf32, #tpu.memory_space<vmem>>) offsets(%arg7 : memref<104xi32, #tpu.memory_space<vmem>>) semaphore(%arg10 : memref<!tpu.dma_semaphore, #tpu.memory_space<semaphore_mem>>)
    %dma_start3A_7 = arith.constant 0 : i32
    %dma_start3A_8 = arith.constant 0 : i32
    %dma_start3A_9 = tpu.memref_slice %arg4[%dma_start3A_7, %dma_start3A_8] : memref<8192x128xf32, #tpu.memory_space<hbm>> -> memref<8192x128xf32, #tpu.memory_space<hbm>>
    tpu.enqueue_indirect_dma source(%dma_start3A_9 : memref<8192x128xf32, #tpu.memory_space<hbm>>) target(%arg9 : memref<104x128xf32, #tpu.memory_space<vmem>>) offsets(%arg7 : memref<104xi32, #tpu.memory_space<vmem>>) semaphore(%arg11 : memref<!tpu.dma_semaphore, #tpu.memory_space<semaphore_mem>>)
    %dma_wait3A = arith.constant 0 : i32
    %dma_wait3A_10 = arith.constant 0 : i32
    %dma_wait3A_11 = tpu.memref_slice %arg3[%dma_wait3A, %dma_wait3A_10] : memref<8192x256xf32, #tpu.memory_space<hbm>> -> memref<8192x256xf32, #tpu.memory_space<hbm>>
    tpu.wait_indirect_dma semaphore(%arg10 : memref<!tpu.dma_semaphore, #tpu.memory_space<semaphore_mem>>) src(%dma_wait3A_11 : memref<8192x256xf32, #tpu.memory_space<hbm>>) dst(%arg8 : memref<104x256xf32, #tpu.memory_space<vmem>>)
    %dma_wait3A_12 = arith.constant 0 : i32
    %dma_wait3A_13 = arith.constant 0 : i32
    %dma_wait3A_14 = tpu.memref_slice %arg4[%dma_wait3A_12, %dma_wait3A_13] : memref<8192x128xf32, #tpu.memory_space<hbm>> -> memref<8192x128xf32, #tpu.memory_space<hbm>>
    tpu.wait_indirect_dma semaphore(%arg11 : memref<!tpu.dma_semaphore, #tpu.memory_space<semaphore_mem>>) src(%dma_wait3A_14 : memref<8192x128xf32, #tpu.memory_space<hbm>>) dst(%arg9 : memref<104x128xf32, #tpu.memory_space<vmem>>)
    "tpu.region"() ({
      %run_scoped3A = tpu.sem_alloc : memref<!tpu.dma_semaphore, #tpu.memory_space<semaphore_mem>>
      %dma_start3A_31 = arith.constant 0 : i32
      %dma_start3A_32 = tpu.memref_slice %arg5[%add3A_4, %dma_start3A_31] : memref<6656x256xf32, #tpu.memory_space<hbm>> -> memref<104x256xf32, #tpu.memory_space<hbm>>
      %dma_start3A_33 = arith.constant 0 : i32
      %dma_start3A_34 = tpu.memref_slice %arg5[%add3A_4, %dma_start3A_33] : memref<6656x256xf32, #tpu.memory_space<hbm>> -> memref<104x256xf32, #tpu.memory_space<hbm>>
      tpu.enqueue_dma source(%arg8 : memref<104x256xf32, #tpu.memory_space<vmem>>) target(%dma_start3A_34 : memref<104x256xf32, #tpu.memory_space<hbm>>) target_semaphore(%run_scoped3A : memref<!tpu.dma_semaphore, #tpu.memory_space<semaphore_mem>>)
      %dma_wait3A_35 = arith.constant 0 : i32
      %dma_wait3A_36 = tpu.memref_slice %arg5[%add3A_4, %dma_wait3A_35] : memref<6656x256xf32, #tpu.memory_space<hbm>> -> memref<104x256xf32, #tpu.memory_space<hbm>>
      %dma_wait3A_37 = arith.constant 0 : i32
      %dma_wait3A_38 = tpu.memref_slice %arg5[%add3A_4, %dma_wait3A_37] : memref<6656x256xf32, #tpu.memory_space<hbm>> -> memref<104x256xf32, #tpu.memory_space<hbm>>
      tpu.wait_dma2 semaphore(%run_scoped3A : memref<!tpu.dma_semaphore, #tpu.memory_space<semaphore_mem>>) src(%arg8 : memref<104x256xf32, #tpu.memory_space<vmem>>) dst(%dma_wait3A_38 : memref<104x256xf32, #tpu.memory_space<hbm>>)
      tpu.yield
    }) : () -> ()
    "tpu.region"() ({
      %run_scoped3A = tpu.sem_alloc : memref<!tpu.dma_semaphore, #tpu.memory_space<semaphore_mem>>
      %dma_start3A_31 = arith.constant 0 : i32
      %dma_start3A_32 = tpu.memref_slice %arg6[%add3A_4, %dma_start3A_31] : memref<6656x128xf32, #tpu.memory_space<hbm>> -> memref<104x128xf32, #tpu.memory_space<hbm>>
      %dma_start3A_33 = arith.constant 0 : i32
      %dma_start3A_34 = tpu.memref_slice %arg6[%add3A_4, %dma_start3A_33] : memref<6656x128xf32, #tpu.memory_space<hbm>> -> memref<104x128xf32, #tpu.memory_space<hbm>>
      tpu.enqueue_dma source(%arg9 : memref<104x128xf32, #tpu.memory_space<vmem>>) target(%dma_start3A_34 : memref<104x128xf32, #tpu.memory_space<hbm>>) target_semaphore(%run_scoped3A : memref<!tpu.dma_semaphore, #tpu.memory_space<semaphore_mem>>)
      %dma_wait3A_35 = arith.constant 0 : i32
      %dma_wait3A_36 = tpu.memref_slice %arg6[%add3A_4, %dma_wait3A_35] : memref<6656x128xf32, #tpu.memory_space<hbm>> -> memref<104x128xf32, #tpu.memory_space<hbm>>
      %dma_wait3A_37 = arith.constant 0 : i32
      %dma_wait3A_38 = tpu.memref_slice %arg6[%add3A_4, %dma_wait3A_37] : memref<6656x128xf32, #tpu.memory_space<hbm>> -> memref<104x128xf32, #tpu.memory_space<hbm>>
      tpu.wait_dma2 semaphore(%run_scoped3A : memref<!tpu.dma_semaphore, #tpu.memory_space<semaphore_mem>>) src(%arg9 : memref<104x128xf32, #tpu.memory_space<vmem>>) dst(%dma_wait3A_38 : memref<104x128xf32, #tpu.memory_space<hbm>>)
      tpu.yield
    }) : () -> ()
    %mul3A_15 = arith.constant 208 : i32
    %mul3A_16 = arith.muli %add3A, %mul3A_15 : i32
    %add3A_17 = arith.constant 104 : i32
    %add3A_18 = arith.addi %mul3A_16, %add3A_17 : i32
    "tpu.region"() ({
      %run_scoped3A = tpu.sem_alloc : memref<!tpu.dma_semaphore, #tpu.memory_space<semaphore_mem>>
      %dma_start3A_31 = tpu.memref_slice %arg2[%add3A_18] : memref<6656xi32, #tpu.memory_space<hbm>> -> memref<104xi32, #tpu.memory_space<hbm>>
      %dma_start3A_32 = tpu.memref_slice %arg2[%add3A_18] : memref<6656xi32, #tpu.memory_space<hbm>> -> memref<104xi32, #tpu.memory_space<hbm>>
      tpu.enqueue_dma source(%dma_start3A_32 : memref<104xi32, #tpu.memory_space<hbm>>) target(%arg7 : memref<104xi32, #tpu.memory_space<vmem>>) target_semaphore(%run_scoped3A : memref<!tpu.dma_semaphore, #tpu.memory_space<semaphore_mem>>)
      %dma_wait3A_33 = tpu.memref_slice %arg2[%add3A_18] : memref<6656xi32, #tpu.memory_space<hbm>> -> memref<104xi32, #tpu.memory_space<hbm>>
      %dma_wait3A_34 = tpu.memref_slice %arg2[%add3A_18] : memref<6656xi32, #tpu.memory_space<hbm>> -> memref<104xi32, #tpu.memory_space<hbm>>
      tpu.wait_dma2 semaphore(%run_scoped3A : memref<!tpu.dma_semaphore, #tpu.memory_space<semaphore_mem>>) src(%dma_wait3A_34 : memref<104xi32, #tpu.memory_space<hbm>>) dst(%arg7 : memref<104xi32, #tpu.memory_space<vmem>>)
      tpu.yield
    }) : () -> ()
    %dma_start3A_19 = arith.constant 0 : i32
    %dma_start3A_20 = arith.constant 0 : i32
    %dma_start3A_21 = tpu.memref_slice %arg3[%dma_start3A_19, %dma_start3A_20] : memref<8192x256xf32, #tpu.memory_space<hbm>> -> memref<8192x256xf32, #tpu.memory_space<hbm>>
    tpu.enqueue_indirect_dma source(%dma_start3A_21 : memref<8192x256xf32, #tpu.memory_space<hbm>>) target(%arg8 : memref<104x256xf32, #tpu.memory_space<vmem>>) offsets(%arg7 : memref<104xi32, #tpu.memory_space<vmem>>) semaphore(%arg10 : memref<!tpu.dma_semaphore, #tpu.memory_space<semaphore_mem>>)
    %dma_start3A_22 = arith.constant 0 : i32
    %dma_start3A_23 = arith.constant 0 : i32
    %dma_start3A_24 = tpu.memref_slice %arg4[%dma_start3A_22, %dma_start3A_23] : memref<8192x128xf32, #tpu.memory_space<hbm>> -> memref<8192x128xf32, #tpu.memory_space<hbm>>
    tpu.enqueue_indirect_dma source(%dma_start3A_24 : memref<8192x128xf32, #tpu.memory_space<hbm>>) target(%arg9 : memref<104x128xf32, #tpu.memory_space<vmem>>) offsets(%arg7 : memref<104xi32, #tpu.memory_space<vmem>>) semaphore(%arg11 : memref<!tpu.dma_semaphore, #tpu.memory_space<semaphore_mem>>)
    %dma_wait3A_25 = arith.constant 0 : i32
    %dma_wait3A_26 = arith.constant 0 : i32
    %dma_wait3A_27 = tpu.memref_slice %arg3[%dma_wait3A_25, %dma_wait3A_26] : memref<8192x256xf32, #tpu.memory_space<hbm>> -> memref<8192x256xf32, #tpu.memory_space<hbm>>
    tpu.wait_indirect_dma semaphore(%arg10 : memref<!tpu.dma_semaphore, #tpu.memory_space<semaphore_mem>>) src(%dma_wait3A_27 : memref<8192x256xf32, #tpu.memory_space<hbm>>) dst(%arg8 : memref<104x256xf32, #tpu.memory_space<vmem>>)
    %dma_wait3A_28 = arith.constant 0 : i32
    %dma_wait3A_29 = arith.constant 0 : i32
    %dma_wait3A_30 = tpu.memref_slice %arg4[%dma_wait3A_28, %dma_wait3A_29] : memref<8192x128xf32, #tpu.memory_space<hbm>> -> memref<8192x128xf32, #tpu.memory_space<hbm>>
    tpu.wait_indirect_dma semaphore(%arg11 : memref<!tpu.dma_semaphore, #tpu.memory_space<semaphore_mem>>) src(%dma_wait3A_30 : memref<8192x128xf32, #tpu.memory_space<hbm>>) dst(%arg9 : memref<104x128xf32, #tpu.memory_space<vmem>>)
    "tpu.region"() ({
      %run_scoped3A = tpu.sem_alloc : memref<!tpu.dma_semaphore, #tpu.memory_space<semaphore_mem>>
      %dma_start3A_31 = arith.constant 0 : i32
      %dma_start3A_32 = tpu.memref_slice %arg5[%add3A_18, %dma_start3A_31] : memref<6656x256xf32, #tpu.memory_space<hbm>> -> memref<104x256xf32, #tpu.memory_space<hbm>>
      %dma_start3A_33 = arith.constant 0 : i32
      %dma_start3A_34 = tpu.memref_slice %arg5[%add3A_18, %dma_start3A_33] : memref<6656x256xf32, #tpu.memory_space<hbm>> -> memref<104x256xf32, #tpu.memory_space<hbm>>
      tpu.enqueue_dma source(%arg8 : memref<104x256xf32, #tpu.memory_space<vmem>>) target(%dma_start3A_34 : memref<104x256xf32, #tpu.memory_space<hbm>>) target_semaphore(%run_scoped3A : memref<!tpu.dma_semaphore, #tpu.memory_space<semaphore_mem>>)
      %dma_wait3A_35 = arith.constant 0 : i32
      %dma_wait3A_36 = tpu.memref_slice %arg5[%add3A_18, %dma_wait3A_35] : memref<6656x256xf32, #tpu.memory_space<hbm>> -> memref<104x256xf32, #tpu.memory_space<hbm>>
      %dma_wait3A_37 = arith.constant 0 : i32
      %dma_wait3A_38 = tpu.memref_slice %arg5[%add3A_18, %dma_wait3A_37] : memref<6656x256xf32, #tpu.memory_space<hbm>> -> memref<104x256xf32, #tpu.memory_space<hbm>>
      tpu.wait_dma2 semaphore(%run_scoped3A : memref<!tpu.dma_semaphore, #tpu.memory_space<semaphore_mem>>) src(%arg8 : memref<104x256xf32, #tpu.memory_space<vmem>>) dst(%dma_wait3A_38 : memref<104x256xf32, #tpu.memory_space<hbm>>)
      tpu.yield
    }) : () -> ()
    "tpu.region"() ({
      %run_scoped3A = tpu.sem_alloc : memref<!tpu.dma_semaphore, #tpu.memory_space<semaphore_mem>>
      %dma_start3A_31 = arith.constant 0 : i32
      %dma_start3A_32 = tpu.memref_slice %arg6[%add3A_18, %dma_start3A_31] : memref<6656x128xf32, #tpu.memory_space<hbm>> -> memref<104x128xf32, #tpu.memory_space<hbm>>
      %dma_start3A_33 = arith.constant 0 : i32
      %dma_start3A_34 = tpu.memref_slice %arg6[%add3A_18, %dma_start3A_33] : memref<6656x128xf32, #tpu.memory_space<hbm>> -> memref<104x128xf32, #tpu.memory_space<hbm>>
      tpu.enqueue_dma source(%arg9 : memref<104x128xf32, #tpu.memory_space<vmem>>) target(%dma_start3A_34 : memref<104x128xf32, #tpu.memory_space<hbm>>) target_semaphore(%run_scoped3A : memref<!tpu.dma_semaphore, #tpu.memory_space<semaphore_mem>>)
      %dma_wait3A_35 = arith.constant 0 : i32
      %dma_wait3A_36 = tpu.memref_slice %arg6[%add3A_18, %dma_wait3A_35] : memref<6656x128xf32, #tpu.memory_space<hbm>> -> memref<104x128xf32, #tpu.memory_space<hbm>>
      %dma_wait3A_37 = arith.constant 0 : i32
      %dma_wait3A_38 = tpu.memref_slice %arg6[%add3A_18, %dma_wait3A_37] : memref<6656x128xf32, #tpu.memory_space<hbm>> -> memref<104x128xf32, #tpu.memory_space<hbm>>
      tpu.wait_dma2 semaphore(%run_scoped3A : memref<!tpu.dma_semaphore, #tpu.memory_space<semaphore_mem>>) src(%arg9 : memref<104x128xf32, #tpu.memory_space<vmem>>) dst(%dma_wait3A_38 : memref<104x128xf32, #tpu.memory_space<hbm>>)
      tpu.yield
    }) : () -> ()
    return
  }
}

module attributes {stable_mosaic.version = 14 : i64} {
  func.func @_fps_knn_body(%arg0: memref<64x128xf32, #tpu.memory_space<vmem>>, %arg1: memref<64x128xf32, #tpu.memory_space<vmem>>, %arg2: memref<64x128xf32, #tpu.memory_space<vmem>>, %arg3: memref<2x4096x1xf32, #tpu.memory_space<vmem>>, %arg4: memref<2x4096x1xf32, #tpu.memory_space<vmem>>, %arg5: memref<2x4096x1xf32, #tpu.memory_space<vmem>>, %arg6: memref<2x292xi32, #tpu.memory_space<vmem>>, %arg7: memref<2x10x292xi32, #tpu.memory_space<vmem>>, %arg8: memref<2x292xf32, #tpu.memory_space<vmem>>, %arg9: memref<2x292xf32, #tpu.memory_space<vmem>>, %arg10: memref<2x292xf32, #tpu.memory_space<vmem>>) attributes {dimension_semantics = [], scalar_prefetch = 0 : i64, scratch_operands = 0 : i64, tpu.core_type = #tpu.core_type<tc>} {
    %get3A = arith.constant 0 : index
    %get3A_0 = arith.constant 0 : index
    %get3A_1 = vector.load %arg0[%get3A, %get3A_0] : memref<64x128xf32, #tpu.memory_space<vmem>>, vector<64x128xf32>
    %get3A_2 = arith.constant 0 : index
    %get3A_3 = arith.constant 0 : index
    %get3A_4 = vector.load %arg1[%get3A_2, %get3A_3] : memref<64x128xf32, #tpu.memory_space<vmem>>, vector<64x128xf32>
    %get3A_5 = arith.constant 0 : index
    %get3A_6 = arith.constant 0 : index
    %get3A_7 = vector.load %arg2[%get3A_5, %get3A_6] : memref<64x128xf32, #tpu.memory_space<vmem>>, vector<64x128xf32>
    %iota3A = tpu.iota {dimensions = array<i32: 0>} : vector<64x128xi32>
    %iota3A_8 = tpu.iota {dimensions = array<i32: 1>} : vector<64x128xi32>
    %jit3A = arith.constant 32 : i32
    %div3A = vector.broadcast %jit3A : i32 to vector<64x128xi32>
    %div3A_9 = arith.divsi %iota3A, %div3A : vector<64x128xi32>
    %sign3A = arith.constant 0 : i32
    %sign3A_10 = vector.broadcast %sign3A : i32 to vector<64x128xi32>
    %sign3A_11 = arith.cmpi sgt, %iota3A, %sign3A_10 : vector<64x128xi32>
    %sign3A_12 = arith.extui %sign3A_11 : vector<64x128xi1> to vector<64x128xi32>
    %sign3A_13 = arith.constant 0 : i32
    %sign3A_14 = vector.broadcast %sign3A_13 : i32 to vector<64x128xi32>
    %sign3A_15 = arith.cmpi slt, %iota3A, %sign3A_14 : vector<64x128xi32>
    %sign3A_16 = arith.extui %sign3A_15 : vector<64x128xi1> to vector<64x128xi32>
    %sign3A_17 = arith.subi %sign3A_12, %sign3A_16 : vector<64x128xi32>
    %sign3A_18 = arith.constant 0 : i32
    %sign3A_19 = arith.cmpi sgt, %jit3A, %sign3A_18 : i32
    %sign3A_20 = arith.extui %sign3A_19 : i1 to i32
    %sign3A_21 = arith.constant 0 : i32
    %sign3A_22 = arith.cmpi slt, %jit3A, %sign3A_21 : i32
    %sign3A_23 = arith.extui %sign3A_22 : i1 to i32
    %sign3A_24 = arith.subi %sign3A_20, %sign3A_23 : i32
    %ne3A = vector.broadcast %sign3A_24 : i32 to vector<64x128xi32>
    %ne3A_25 = arith.cmpi ne, %sign3A_17, %ne3A : vector<64x128xi32>
    %rem3A = vector.broadcast %jit3A : i32 to vector<64x128xi32>
    %rem3A_26 = arith.remsi %iota3A, %rem3A : vector<64x128xi32>
    %ne3A_27 = arith.constant 0 : i32
    %ne3A_28 = vector.broadcast %ne3A_27 : i32 to vector<64x128xi32>
    %ne3A_29 = arith.cmpi ne, %rem3A_26, %ne3A_28 : vector<64x128xi32>
    %and3A = arith.andi %ne3A_25, %ne3A_29 : vector<64x128xi1>
    %sub3A = arith.constant 1 : i32
    %sub3A_30 = vector.broadcast %sub3A : i32 to vector<64x128xi32>
    %sub3A_31 = arith.subi %div3A_9, %sub3A_30 : vector<64x128xi32>
    %select_n3A = arith.select %and3A, %sub3A_31, %div3A_9 : vector<64x128xi1>, vector<64x128xi32>
    %mul3A = arith.constant 32 : i32
    %mul3A_32 = vector.broadcast %mul3A : i32 to vector<64x128xi32>
    %mul3A_33 = arith.muli %mul3A_32, %select_n3A : vector<64x128xi32>
    %sub3A_34 = arith.subi %iota3A, %mul3A_33 : vector<64x128xi32>
    %mul3A_35 = arith.constant 128 : i32
    %mul3A_36 = vector.broadcast %mul3A_35 : i32 to vector<64x128xi32>
    %mul3A_37 = arith.muli %sub3A_34, %mul3A_36 : vector<64x128xi32>
    %add3A = arith.addi %mul3A_37, %iota3A_8 : vector<64x128xi32>
    %lt3A = arith.constant 32 : i32
    %lt3A_38 = vector.broadcast %lt3A : i32 to vector<64x128xi32>
    %lt3A_39 = arith.cmpi slt, %iota3A, %lt3A_38 : vector<64x128xi32>
    %iota3A_40 = tpu.iota {dimensions = array<i32: 1>} : vector<2x292xi32>
    %broadcast_in_dim3A = arith.constant 0x7F800000 : f32
    %broadcast_in_dim3A_41 = vector.broadcast %broadcast_in_dim3A : f32 to vector<64x128xf32>
    %broadcast_in_dim3A_42 = arith.constant 0 : i32
    %broadcast_in_dim3A_43 = vector.broadcast %broadcast_in_dim3A_42 : i32 to vector<1x1xi32>
    %broadcast_in_dim3A_44 = arith.constant 0 : i32
    %broadcast_in_dim3A_45 = vector.broadcast %broadcast_in_dim3A_44 : i32 to vector<1x1xi32>
    %broadcast_in_dim3A_46 = arith.constant 0 : i32
    %broadcast_in_dim3A_47 = vector.broadcast %broadcast_in_dim3A_46 : i32 to vector<2x292xi32>
    %broadcast_in_dim3A_48 = arith.constant 0.000000e+00 : f32
    %broadcast_in_dim3A_49 = vector.broadcast %broadcast_in_dim3A_48 : f32 to vector<2x292xf32>
    %broadcast_in_dim3A_50 = arith.constant 0.000000e+00 : f32
    %broadcast_in_dim3A_51 = vector.broadcast %broadcast_in_dim3A_50 : f32 to vector<2x292xf32>
    %broadcast_in_dim3A_52 = arith.constant 0.000000e+00 : f32
    %broadcast_in_dim3A_53 = vector.broadcast %broadcast_in_dim3A_52 : f32 to vector<2x292xf32>
    %scan3A = arith.constant 0xFF800000 : f32
    %scan3A_54 = arith.constant 0 : i32
    %scan3A_55 = arith.constant 292 : i32
    %scan3A_56 = arith.addi %scan3A_54, %scan3A_55 : i32
    %scan3A_57 = arith.constant 1 : i32
    %scan3A_58:7 = scf.for %scan3A_456 = %scan3A_54 to %scan3A_56 step %scan3A_57 iter_args(%scan3A_457 = %broadcast_in_dim3A_41, %scan3A_458 = %broadcast_in_dim3A_43, %scan3A_459 = %broadcast_in_dim3A_45, %scan3A_460 = %broadcast_in_dim3A_47, %scan3A_461 = %broadcast_in_dim3A_49, %scan3A_462 = %broadcast_in_dim3A_51, %scan3A_463 = %broadcast_in_dim3A_53) -> (vector<64x128xf32>, vector<1x1xi32>, vector<1x1xi32>, vector<2x292xi32>, vector<2x292xf32>, vector<2x292xf32>, vector<2x292xf32>)  : i32 {
      %concatenate3A_464 = tpu.concatenate %scan3A_458, %scan3A_459 in 0 : vector<1x1xi32>, vector<1x1xi32> -> vector<2x1xi32>
      %eq3A_465 = vector.broadcast %scan3A_456 : i32 to vector<2x292xi32>
      %eq3A_466 = arith.cmpi eq, %iota3A_40, %eq3A_465 : vector<2x292xi32>
      %broadcast_in_dim3A_467 = vector.shape_cast %concatenate3A_464 : vector<2x1xi32> to vector<2x1xi32>
      %broadcast_in_dim3A_468 = vector.broadcast %broadcast_in_dim3A_467 : vector<2x1xi32> to vector<2x292xi32>
      %select_n3A_469 = arith.select %eq3A_466, %broadcast_in_dim3A_468, %scan3A_460 : vector<2x292xi1>, vector<2x292xi32>
      %broadcast_in_dim3A_470 = vector.shape_cast %scan3A_458 : vector<1x1xi32> to vector<1x1xi32>
      %broadcast_in_dim3A_471 = vector.broadcast %broadcast_in_dim3A_470 : vector<1x1xi32> to vector<64x128xi32>
      %broadcast_in_dim3A_472 = vector.shape_cast %scan3A_459 : vector<1x1xi32> to vector<1x1xi32>
      %broadcast_in_dim3A_473 = vector.broadcast %broadcast_in_dim3A_472 : vector<1x1xi32> to vector<64x128xi32>
      %select_n3A_474 = arith.select %lt3A_39, %broadcast_in_dim3A_471, %broadcast_in_dim3A_473 : vector<64x128xi1>, vector<64x128xi32>
      %eq3A_475 = arith.cmpi eq, %add3A, %select_n3A_474 : vector<64x128xi32>
      %and3A_476 = arith.andi %eq3A_475, %lt3A_39 : vector<64x128xi1>
      %not3A = arith.constant dense<true> : vector<64x128xi1>
      %not3A_477 = arith.xori %lt3A_39, %not3A : vector<64x128xi1>
      %and3A_478 = arith.andi %eq3A_475, %not3A_477 : vector<64x128xi1>
      %jit3A_479 = arith.constant 0.000000e+00 : f32
      %broadcast_in_dim3A_480 = vector.broadcast %jit3A_479 : f32 to vector<64x128xf32>
      %select_n3A_481 = arith.select %and3A_476, %get3A_1, %broadcast_in_dim3A_480 : vector<64x128xi1>, vector<64x128xf32>
      %reduce_sum3A = arith.constant dense<0.000000e+00> : vector<64xf32>
      %reduce_sum3A_482 = vector.multi_reduction <add>, %select_n3A_481, %reduce_sum3A [1] : vector<64x128xf32> to vector<64xf32>
      %broadcast_in_dim3A_483 = vector.shape_cast %reduce_sum3A_482 : vector<64xf32> to vector<64x1xf32>
      %reduce_sum3A_484 = arith.constant dense<0.000000e+00> : vector<1xf32>
      %reduce_sum3A_485 = vector.multi_reduction <add>, %broadcast_in_dim3A_483, %reduce_sum3A_484 [0] : vector<64x1xf32> to vector<1xf32>
      %broadcast_in_dim3A_486 = vector.shape_cast %reduce_sum3A_485 : vector<1xf32> to vector<1x1xf32>
      %jit3A_487 = arith.constant 0.000000e+00 : f32
      %broadcast_in_dim3A_488 = vector.broadcast %jit3A_487 : f32 to vector<64x128xf32>
      %select_n3A_489 = arith.select %and3A_476, %get3A_4, %broadcast_in_dim3A_488 : vector<64x128xi1>, vector<64x128xf32>
      %reduce_sum3A_490 = arith.constant dense<0.000000e+00> : vector<64xf32>
      %reduce_sum3A_491 = vector.multi_reduction <add>, %select_n3A_489, %reduce_sum3A_490 [1] : vector<64x128xf32> to vector<64xf32>
      %broadcast_in_dim3A_492 = vector.shape_cast %reduce_sum3A_491 : vector<64xf32> to vector<64x1xf32>
      %reduce_sum3A_493 = arith.constant dense<0.000000e+00> : vector<1xf32>
      %reduce_sum3A_494 = vector.multi_reduction <add>, %broadcast_in_dim3A_492, %reduce_sum3A_493 [0] : vector<64x1xf32> to vector<1xf32>
      %broadcast_in_dim3A_495 = vector.shape_cast %reduce_sum3A_494 : vector<1xf32> to vector<1x1xf32>
      %jit3A_496 = arith.constant 0.000000e+00 : f32
      %broadcast_in_dim3A_497 = vector.broadcast %jit3A_496 : f32 to vector<64x128xf32>
      %select_n3A_498 = arith.select %and3A_476, %get3A_7, %broadcast_in_dim3A_497 : vector<64x128xi1>, vector<64x128xf32>
      %reduce_sum3A_499 = arith.constant dense<0.000000e+00> : vector<64xf32>
      %reduce_sum3A_500 = vector.multi_reduction <add>, %select_n3A_498, %reduce_sum3A_499 [1] : vector<64x128xf32> to vector<64xf32>
      %broadcast_in_dim3A_501 = vector.shape_cast %reduce_sum3A_500 : vector<64xf32> to vector<64x1xf32>
      %reduce_sum3A_502 = arith.constant dense<0.000000e+00> : vector<1xf32>
      %reduce_sum3A_503 = vector.multi_reduction <add>, %broadcast_in_dim3A_501, %reduce_sum3A_502 [0] : vector<64x1xf32> to vector<1xf32>
      %broadcast_in_dim3A_504 = vector.shape_cast %reduce_sum3A_503 : vector<1xf32> to vector<1x1xf32>
      %jit3A_505 = arith.constant 0.000000e+00 : f32
      %broadcast_in_dim3A_506 = vector.broadcast %jit3A_505 : f32 to vector<64x128xf32>
      %select_n3A_507 = arith.select %and3A_478, %get3A_1, %broadcast_in_dim3A_506 : vector<64x128xi1>, vector<64x128xf32>
      %reduce_sum3A_508 = arith.constant dense<0.000000e+00> : vector<64xf32>
      %reduce_sum3A_509 = vector.multi_reduction <add>, %select_n3A_507, %reduce_sum3A_508 [1] : vector<64x128xf32> to vector<64xf32>
      %broadcast_in_dim3A_510 = vector.shape_cast %reduce_sum3A_509 : vector<64xf32> to vector<64x1xf32>
      %reduce_sum3A_511 = arith.constant dense<0.000000e+00> : vector<1xf32>
      %reduce_sum3A_512 = vector.multi_reduction <add>, %broadcast_in_dim3A_510, %reduce_sum3A_511 [0] : vector<64x1xf32> to vector<1xf32>
      %broadcast_in_dim3A_513 = vector.shape_cast %reduce_sum3A_512 : vector<1xf32> to vector<1x1xf32>
      %jit3A_514 = arith.constant 0.000000e+00 : f32
      %broadcast_in_dim3A_515 = vector.broadcast %jit3A_514 : f32 to vector<64x128xf32>
      %select_n3A_516 = arith.select %and3A_478, %get3A_4, %broadcast_in_dim3A_515 : vector<64x128xi1>, vector<64x128xf32>
      %reduce_sum3A_517 = arith.constant dense<0.000000e+00> : vector<64xf32>
      %reduce_sum3A_518 = vector.multi_reduction <add>, %select_n3A_516, %reduce_sum3A_517 [1] : vector<64x128xf32> to vector<64xf32>
      %broadcast_in_dim3A_519 = vector.shape_cast %reduce_sum3A_518 : vector<64xf32> to vector<64x1xf32>
      %reduce_sum3A_520 = arith.constant dense<0.000000e+00> : vector<1xf32>
      %reduce_sum3A_521 = vector.multi_reduction <add>, %broadcast_in_dim3A_519, %reduce_sum3A_520 [0] : vector<64x1xf32> to vector<1xf32>
      %broadcast_in_dim3A_522 = vector.shape_cast %reduce_sum3A_521 : vector<1xf32> to vector<1x1xf32>
      %jit3A_523 = arith.constant 0.000000e+00 : f32
      %broadcast_in_dim3A_524 = vector.broadcast %jit3A_523 : f32 to vector<64x128xf32>
      %select_n3A_525 = arith.select %and3A_478, %get3A_7, %broadcast_in_dim3A_524 : vector<64x128xi1>, vector<64x128xf32>
      %reduce_sum3A_526 = arith.constant dense<0.000000e+00> : vector<64xf32>
      %reduce_sum3A_527 = vector.multi_reduction <add>, %select_n3A_525, %reduce_sum3A_526 [1] : vector<64x128xf32> to vector<64xf32>
      %broadcast_in_dim3A_528 = vector.shape_cast %reduce_sum3A_527 : vector<64xf32> to vector<64x1xf32>
      %reduce_sum3A_529 = arith.constant dense<0.000000e+00> : vector<1xf32>
      %reduce_sum3A_530 = vector.multi_reduction <add>, %broadcast_in_dim3A_528, %reduce_sum3A_529 [0] : vector<64x1xf32> to vector<1xf32>
      %broadcast_in_dim3A_531 = vector.shape_cast %reduce_sum3A_530 : vector<1xf32> to vector<1x1xf32>
      %eq3A_532 = vector.broadcast %scan3A_456 : i32 to vector<2x292xi32>
      %eq3A_533 = arith.cmpi eq, %iota3A_40, %eq3A_532 : vector<2x292xi32>
      %concatenate3A_534 = tpu.concatenate %broadcast_in_dim3A_486, %broadcast_in_dim3A_513 in 0 : vector<1x1xf32>, vector<1x1xf32> -> vector<2x1xf32>
      %broadcast_in_dim3A_535 = vector.shape_cast %concatenate3A_534 : vector<2x1xf32> to vector<2x1xf32>
      %broadcast_in_dim3A_536 = vector.broadcast %broadcast_in_dim3A_535 : vector<2x1xf32> to vector<2x292xf32>
      %select_n3A_537 = arith.select %eq3A_533, %broadcast_in_dim3A_536, %scan3A_461 : vector<2x292xi1>, vector<2x292xf32>
      %eq3A_538 = vector.broadcast %scan3A_456 : i32 to vector<2x292xi32>
      %eq3A_539 = arith.cmpi eq, %iota3A_40, %eq3A_538 : vector<2x292xi32>
      %concatenate3A_540 = tpu.concatenate %broadcast_in_dim3A_495, %broadcast_in_dim3A_522 in 0 : vector<1x1xf32>, vector<1x1xf32> -> vector<2x1xf32>
      %broadcast_in_dim3A_541 = vector.shape_cast %concatenate3A_540 : vector<2x1xf32> to vector<2x1xf32>
      %broadcast_in_dim3A_542 = vector.broadcast %broadcast_in_dim3A_541 : vector<2x1xf32> to vector<2x292xf32>
      %select_n3A_543 = arith.select %eq3A_539, %broadcast_in_dim3A_542, %scan3A_462 : vector<2x292xi1>, vector<2x292xf32>
      %eq3A_544 = vector.broadcast %scan3A_456 : i32 to vector<2x292xi32>
      %eq3A_545 = arith.cmpi eq, %iota3A_40, %eq3A_544 : vector<2x292xi32>
      %concatenate3A_546 = tpu.concatenate %broadcast_in_dim3A_504, %broadcast_in_dim3A_531 in 0 : vector<1x1xf32>, vector<1x1xf32> -> vector<2x1xf32>
      %broadcast_in_dim3A_547 = vector.shape_cast %concatenate3A_546 : vector<2x1xf32> to vector<2x1xf32>
      %broadcast_in_dim3A_548 = vector.broadcast %broadcast_in_dim3A_547 : vector<2x1xf32> to vector<2x292xf32>
      %select_n3A_549 = arith.select %eq3A_545, %broadcast_in_dim3A_548, %scan3A_463 : vector<2x292xi1>, vector<2x292xf32>
      %broadcast_in_dim3A_550 = vector.shape_cast %broadcast_in_dim3A_486 : vector<1x1xf32> to vector<1x1xf32>
      %broadcast_in_dim3A_551 = vector.broadcast %broadcast_in_dim3A_550 : vector<1x1xf32> to vector<64x128xf32>
      %broadcast_in_dim3A_552 = vector.shape_cast %broadcast_in_dim3A_513 : vector<1x1xf32> to vector<1x1xf32>
      %broadcast_in_dim3A_553 = vector.broadcast %broadcast_in_dim3A_552 : vector<1x1xf32> to vector<64x128xf32>
      %select_n3A_554 = arith.select %lt3A_39, %broadcast_in_dim3A_551, %broadcast_in_dim3A_553 : vector<64x128xi1>, vector<64x128xf32>
      %sub3A_555 = arith.subf %get3A_1, %select_n3A_554 : vector<64x128xf32>
      %broadcast_in_dim3A_556 = vector.shape_cast %broadcast_in_dim3A_495 : vector<1x1xf32> to vector<1x1xf32>
      %broadcast_in_dim3A_557 = vector.broadcast %broadcast_in_dim3A_556 : vector<1x1xf32> to vector<64x128xf32>
      %broadcast_in_dim3A_558 = vector.shape_cast %broadcast_in_dim3A_522 : vector<1x1xf32> to vector<1x1xf32>
      %broadcast_in_dim3A_559 = vector.broadcast %broadcast_in_dim3A_558 : vector<1x1xf32> to vector<64x128xf32>
      %select_n3A_560 = arith.select %lt3A_39, %broadcast_in_dim3A_557, %broadcast_in_dim3A_559 : vector<64x128xi1>, vector<64x128xf32>
      %sub3A_561 = arith.subf %get3A_4, %select_n3A_560 : vector<64x128xf32>
      %broadcast_in_dim3A_562 = vector.shape_cast %broadcast_in_dim3A_504 : vector<1x1xf32> to vector<1x1xf32>
      %broadcast_in_dim3A_563 = vector.broadcast %broadcast_in_dim3A_562 : vector<1x1xf32> to vector<64x128xf32>
      %broadcast_in_dim3A_564 = vector.shape_cast %broadcast_in_dim3A_531 : vector<1x1xf32> to vector<1x1xf32>
      %broadcast_in_dim3A_565 = vector.broadcast %broadcast_in_dim3A_564 : vector<1x1xf32> to vector<64x128xf32>
      %select_n3A_566 = arith.select %lt3A_39, %broadcast_in_dim3A_563, %broadcast_in_dim3A_565 : vector<64x128xi1>, vector<64x128xf32>
      %sub3A_567 = arith.subf %get3A_7, %select_n3A_566 : vector<64x128xf32>
      %mul3A_568 = arith.mulf %sub3A_555, %sub3A_555 : vector<64x128xf32>
      %mul3A_569 = arith.mulf %sub3A_561, %sub3A_561 : vector<64x128xf32>
      %add3A_570 = arith.addf %mul3A_568, %mul3A_569 : vector<64x128xf32>
      %mul3A_571 = arith.mulf %sub3A_567, %sub3A_567 : vector<64x128xf32>
      %add3A_572 = arith.addf %add3A_570, %mul3A_571 : vector<64x128xf32>
      %min3A = arith.minimumf %scan3A_457, %add3A_572 : vector<64x128xf32>
      %broadcast_in_dim3A_573 = vector.broadcast %scan3A : f32 to vector<64x128xf32>
      %select_n3A_574 = arith.select %lt3A_39, %min3A, %broadcast_in_dim3A_573 : vector<64x128xi1>, vector<64x128xf32>
      %broadcast_in_dim3A_575 = vector.broadcast %scan3A : f32 to vector<64x128xf32>
      %select_n3A_576 = arith.select %lt3A_39, %broadcast_in_dim3A_575, %min3A : vector<64x128xi1>, vector<64x128xf32>
      %reduce_max3A = arith.constant dense<0xFF800000> : vector<64xf32>
      %reduce_max3A_577 = vector.multi_reduction <maximumf>, %select_n3A_574, %reduce_max3A [1] : vector<64x128xf32> to vector<64xf32>
      %broadcast_in_dim3A_578 = vector.shape_cast %reduce_max3A_577 : vector<64xf32> to vector<64x1xf32>
      %reduce_max3A_579 = arith.constant dense<0xFF800000> : vector<1xf32>
      %reduce_max3A_580 = vector.multi_reduction <maximumf>, %broadcast_in_dim3A_578, %reduce_max3A_579 [0] : vector<64x1xf32> to vector<1xf32>
      %broadcast_in_dim3A_581 = vector.shape_cast %reduce_max3A_580 : vector<1xf32> to vector<1x1xf32>
      %reduce_max3A_582 = arith.constant dense<0xFF800000> : vector<64xf32>
      %reduce_max3A_583 = vector.multi_reduction <maximumf>, %select_n3A_576, %reduce_max3A_582 [1] : vector<64x128xf32> to vector<64xf32>
      %broadcast_in_dim3A_584 = vector.shape_cast %reduce_max3A_583 : vector<64xf32> to vector<64x1xf32>
      %reduce_max3A_585 = arith.constant dense<0xFF800000> : vector<1xf32>
      %reduce_max3A_586 = vector.multi_reduction <maximumf>, %broadcast_in_dim3A_584, %reduce_max3A_585 [0] : vector<64x1xf32> to vector<1xf32>
      %broadcast_in_dim3A_587 = vector.shape_cast %reduce_max3A_586 : vector<1xf32> to vector<1x1xf32>
      %eq3A_588 = vector.broadcast %broadcast_in_dim3A_581 : vector<1x1xf32> to vector<64x128xf32>
      %eq3A_589 = arith.cmpf oeq, %select_n3A_574, %eq3A_588 : vector<64x128xf32>
      %jit3A_590 = arith.constant 1073741824 : i32
      %broadcast_in_dim3A_591 = vector.broadcast %jit3A_590 : i32 to vector<64x128xi32>
      %select_n3A_592 = arith.select %eq3A_589, %add3A, %broadcast_in_dim3A_591 : vector<64x128xi1>, vector<64x128xi32>
      %reduce_min3A_593 = arith.constant dense<2147483647> : vector<64xi32>
      %reduce_min3A_594 = vector.multi_reduction <minsi>, %select_n3A_592, %reduce_min3A_593 [1] : vector<64x128xi32> to vector<64xi32>
      %broadcast_in_dim3A_595 = vector.shape_cast %reduce_min3A_594 : vector<64xi32> to vector<64x1xi32>
      %reduce_min3A_596 = arith.constant dense<2147483647> : vector<1xi32>
      %reduce_min3A_597 = vector.multi_reduction <minsi>, %broadcast_in_dim3A_595, %reduce_min3A_596 [0] : vector<64x1xi32> to vector<1xi32>
      %broadcast_in_dim3A_598 = vector.shape_cast %reduce_min3A_597 : vector<1xi32> to vector<1x1xi32>
      %eq3A_599 = vector.broadcast %broadcast_in_dim3A_587 : vector<1x1xf32> to vector<64x128xf32>
      %eq3A_600 = arith.cmpf oeq, %select_n3A_576, %eq3A_599 : vector<64x128xf32>
      %jit3A_601 = arith.constant 1073741824 : i32
      %broadcast_in_dim3A_602 = vector.broadcast %jit3A_601 : i32 to vector<64x128xi32>
      %select_n3A_603 = arith.select %eq3A_600, %add3A, %broadcast_in_dim3A_602 : vector<64x128xi1>, vector<64x128xi32>
      %reduce_min3A_604 = arith.constant dense<2147483647> : vector<64xi32>
      %reduce_min3A_605 = vector.multi_reduction <minsi>, %select_n3A_603, %reduce_min3A_604 [1] : vector<64x128xi32> to vector<64xi32>
      %broadcast_in_dim3A_606 = vector.shape_cast %reduce_min3A_605 : vector<64xi32> to vector<64x1xi32>
      %reduce_min3A_607 = arith.constant dense<2147483647> : vector<1xi32>
      %reduce_min3A_608 = vector.multi_reduction <minsi>, %broadcast_in_dim3A_606, %reduce_min3A_607 [0] : vector<64x1xi32> to vector<1xi32>
      %broadcast_in_dim3A_609 = vector.shape_cast %reduce_min3A_608 : vector<1xi32> to vector<1x1xi32>
      scf.yield %min3A, %broadcast_in_dim3A_598, %broadcast_in_dim3A_609, %select_n3A_469, %select_n3A_537, %select_n3A_543, %select_n3A_549 : vector<64x128xf32>, vector<1x1xi32>, vector<1x1xi32>, vector<2x292xi32>, vector<2x292xf32>, vector<2x292xf32>, vector<2x292xf32>
    }
    %scan3A_59 = arith.constant 292 : i32
    %swap3A = arith.constant 0 : index
    %swap3A_60 = arith.constant 0 : index
    %swap3A_61 = vector.load %arg6[%swap3A, %swap3A_60] : memref<2x292xi32, #tpu.memory_space<vmem>>, vector<2x292xi32>
    tpu.vector_store %arg6[%swap3A, %swap3A_60], %scan3A_58#3 {strides = array<i32>} : memref<2x292xi32, #tpu.memory_space<vmem>>, vector<2x292xi32>,
    %swap3A_62 = arith.constant 0 : index
    %swap3A_63 = arith.constant 0 : index
    %swap3A_64 = vector.load %arg8[%swap3A_62, %swap3A_63] : memref<2x292xf32, #tpu.memory_space<vmem>>, vector<2x292xf32>
    tpu.vector_store %arg8[%swap3A_62, %swap3A_63], %scan3A_58#4 {strides = array<i32>} : memref<2x292xf32, #tpu.memory_space<vmem>>, vector<2x292xf32>,
    %swap3A_65 = arith.constant 0 : index
    %swap3A_66 = arith.constant 0 : index
    %swap3A_67 = vector.load %arg9[%swap3A_65, %swap3A_66] : memref<2x292xf32, #tpu.memory_space<vmem>>, vector<2x292xf32>
    tpu.vector_store %arg9[%swap3A_65, %swap3A_66], %scan3A_58#5 {strides = array<i32>} : memref<2x292xf32, #tpu.memory_space<vmem>>, vector<2x292xf32>,
    %swap3A_68 = arith.constant 0 : index
    %swap3A_69 = arith.constant 0 : index
    %swap3A_70 = vector.load %arg10[%swap3A_68, %swap3A_69] : memref<2x292xf32, #tpu.memory_space<vmem>>, vector<2x292xf32>
    tpu.vector_store %arg10[%swap3A_68, %swap3A_69], %scan3A_58#6 {strides = array<i32>} : memref<2x292xf32, #tpu.memory_space<vmem>>, vector<2x292xf32>,
    %iota3A_71 = tpu.iota {dimensions = array<i32: 0>} : vector<4096x292xi32>
    %slice3A = vector.extract_strided_slice %scan3A_58#4 {offsets = [0, 0], sizes = [1, 292], strides = [1, 1]} : vector<2x292xf32> to vector<1x292xf32>
    %slice3A_72 = vector.extract_strided_slice %scan3A_58#5 {offsets = [0, 0], sizes = [1, 292], strides = [1, 1]} : vector<2x292xf32> to vector<1x292xf32>
    %slice3A_73 = vector.extract_strided_slice %scan3A_58#6 {offsets = [0, 0], sizes = [1, 292], strides = [1, 1]} : vector<2x292xf32> to vector<1x292xf32>
    %get3A_74 = arith.constant 0 : index
    %get3A_75 = arith.constant 0 : index
    %get3A_76 = arith.constant 0 : index
    %get3A_77 = vector.load %arg3[%get3A_74, %get3A_75, %get3A_76] : memref<2x4096x1xf32, #tpu.memory_space<vmem>>, vector<1x4096x1xf32>
    %get3A_78 = vector.shape_cast %get3A_77 : vector<1x4096x1xf32> to vector<4096x1xf32>
    %sub3A_79 = vector.broadcast %get3A_78 : vector<4096x1xf32> to vector<4096x292xf32>
    %sub3A_80 = vector.broadcast %slice3A : vector<1x292xf32> to vector<4096x292xf32>
    %sub3A_81 = arith.subf %sub3A_79, %sub3A_80 : vector<4096x292xf32>
    %get3A_82 = arith.constant 0 : index
    %get3A_83 = arith.constant 0 : index
    %get3A_84 = arith.constant 0 : index
    %get3A_85 = vector.load %arg4[%get3A_82, %get3A_83, %get3A_84] : memref<2x4096x1xf32, #tpu.memory_space<vmem>>, vector<1x4096x1xf32>
    %get3A_86 = vector.shape_cast %get3A_85 : vector<1x4096x1xf32> to vector<4096x1xf32>
    %sub3A_87 = vector.broadcast %get3A_86 : vector<4096x1xf32> to vector<4096x292xf32>
    %sub3A_88 = vector.broadcast %slice3A_72 : vector<1x292xf32> to vector<4096x292xf32>
    %sub3A_89 = arith.subf %sub3A_87, %sub3A_88 : vector<4096x292xf32>
    %get3A_90 = arith.constant 0 : index
    %get3A_91 = arith.constant 0 : index
    %get3A_92 = arith.constant 0 : index
    %get3A_93 = vector.load %arg5[%get3A_90, %get3A_91, %get3A_92] : memref<2x4096x1xf32, #tpu.memory_space<vmem>>, vector<1x4096x1xf32>
    %get3A_94 = vector.shape_cast %get3A_93 : vector<1x4096x1xf32> to vector<4096x1xf32>
    %sub3A_95 = vector.broadcast %get3A_94 : vector<4096x1xf32> to vector<4096x292xf32>
    %sub3A_96 = vector.broadcast %slice3A_73 : vector<1x292xf32> to vector<4096x292xf32>
    %sub3A_97 = arith.subf %sub3A_95, %sub3A_96 : vector<4096x292xf32>
    %mul3A_98 = arith.mulf %sub3A_81, %sub3A_81 : vector<4096x292xf32>
    %mul3A_99 = arith.mulf %sub3A_89, %sub3A_89 : vector<4096x292xf32>
    %add3A_100 = arith.addf %mul3A_98, %mul3A_99 : vector<4096x292xf32>
    %mul3A_101 = arith.mulf %sub3A_97, %sub3A_97 : vector<4096x292xf32>
    %add3A_102 = arith.addf %add3A_100, %mul3A_101 : vector<4096x292xf32>
    %reduce_min3A = arith.constant dense<0x7F800000> : vector<292xf32>
    %reduce_min3A_103 = vector.multi_reduction <minimumf>, %add3A_102, %reduce_min3A [0] : vector<4096x292xf32> to vector<292xf32>
    %broadcast_in_dim3A_104 = vector.shape_cast %reduce_min3A_103 : vector<292xf32> to vector<1x292xf32>
    %eq3A = vector.broadcast %broadcast_in_dim3A_104 : vector<1x292xf32> to vector<4096x292xf32>
    %eq3A_105 = arith.cmpf oeq, %add3A_102, %eq3A : vector<4096x292xf32>
    %jit3A_106 = arith.constant 1073741824 : i32
    %broadcast_in_dim3A_107 = vector.broadcast %jit3A_106 : i32 to vector<4096x292xi32>
    %select_n3A_108 = arith.select %eq3A_105, %iota3A_71, %broadcast_in_dim3A_107 : vector<4096x292xi1>, vector<4096x292xi32>
    %reduce_min3A_109 = arith.constant dense<2147483647> : vector<292xi32>
    %reduce_min3A_110 = vector.multi_reduction <minsi>, %select_n3A_108, %reduce_min3A_109 [0] : vector<4096x292xi32> to vector<292xi32>
    %broadcast_in_dim3A_111 = vector.shape_cast %reduce_min3A_110 : vector<292xi32> to vector<1x292xi32>
    %eq3A_112 = vector.broadcast %broadcast_in_dim3A_111 : vector<1x292xi32> to vector<4096x292xi32>
    %eq3A_113 = arith.cmpi eq, %iota3A_71, %eq3A_112 : vector<4096x292xi32>
    %jit3A_114 = arith.constant 0x7F800000 : f32
    %broadcast_in_dim3A_115 = vector.broadcast %jit3A_114 : f32 to vector<4096x292xf32>
    %select_n3A_116 = arith.select %eq3A_113, %broadcast_in_dim3A_115, %add3A_102 : vector<4096x292xi1>, vector<4096x292xf32>
    %reduce_min3A_117 = arith.constant dense<0x7F800000> : vector<292xf32>
    %reduce_min3A_118 = vector.multi_reduction <minimumf>, %select_n3A_116, %reduce_min3A_117 [0] : vector<4096x292xf32> to vector<292xf32>
    %broadcast_in_dim3A_119 = vector.shape_cast %reduce_min3A_118 : vector<292xf32> to vector<1x292xf32>
    %eq3A_120 = vector.broadcast %broadcast_in_dim3A_119 : vector<1x292xf32> to vector<4096x292xf32>
    %eq3A_121 = arith.cmpf oeq, %select_n3A_116, %eq3A_120 : vector<4096x292xf32>
    %jit3A_122 = arith.constant 1073741824 : i32
    %broadcast_in_dim3A_123 = vector.broadcast %jit3A_122 : i32 to vector<4096x292xi32>
    %select_n3A_124 = arith.select %eq3A_121, %iota3A_71, %broadcast_in_dim3A_123 : vector<4096x292xi1>, vector<4096x292xi32>
    %reduce_min3A_125 = arith.constant dense<2147483647> : vector<292xi32>
    %reduce_min3A_126 = vector.multi_reduction <minsi>, %select_n3A_124, %reduce_min3A_125 [0] : vector<4096x292xi32> to vector<292xi32>
    %broadcast_in_dim3A_127 = vector.shape_cast %reduce_min3A_126 : vector<292xi32> to vector<1x292xi32>
    %eq3A_128 = vector.broadcast %broadcast_in_dim3A_127 : vector<1x292xi32> to vector<4096x292xi32>
    %eq3A_129 = arith.cmpi eq, %iota3A_71, %eq3A_128 : vector<4096x292xi32>
    %jit3A_130 = arith.constant 0x7F800000 : f32
    %broadcast_in_dim3A_131 = vector.broadcast %jit3A_130 : f32 to vector<4096x292xf32>
    %select_n3A_132 = arith.select %eq3A_129, %broadcast_in_dim3A_131, %select_n3A_116 : vector<4096x292xi1>, vector<4096x292xf32>
    %reduce_min3A_133 = arith.constant dense<0x7F800000> : vector<292xf32>
    %reduce_min3A_134 = vector.multi_reduction <minimumf>, %select_n3A_132, %reduce_min3A_133 [0] : vector<4096x292xf32> to vector<292xf32>
    %broadcast_in_dim3A_135 = vector.shape_cast %reduce_min3A_134 : vector<292xf32> to vector<1x292xf32>
    %eq3A_136 = vector.broadcast %broadcast_in_dim3A_135 : vector<1x292xf32> to vector<4096x292xf32>
    %eq3A_137 = arith.cmpf oeq, %select_n3A_132, %eq3A_136 : vector<4096x292xf32>
    %jit3A_138 = arith.constant 1073741824 : i32
    %broadcast_in_dim3A_139 = vector.broadcast %jit3A_138 : i32 to vector<4096x292xi32>
    %select_n3A_140 = arith.select %eq3A_137, %iota3A_71, %broadcast_in_dim3A_139 : vector<4096x292xi1>, vector<4096x292xi32>
    %reduce_min3A_141 = arith.constant dense<2147483647> : vector<292xi32>
    %reduce_min3A_142 = vector.multi_reduction <minsi>, %select_n3A_140, %reduce_min3A_141 [0] : vector<4096x292xi32> to vector<292xi32>
    %broadcast_in_dim3A_143 = vector.shape_cast %reduce_min3A_142 : vector<292xi32> to vector<1x292xi32>
    %eq3A_144 = vector.broadcast %broadcast_in_dim3A_143 : vector<1x292xi32> to vector<4096x292xi32>
    %eq3A_145 = arith.cmpi eq, %iota3A_71, %eq3A_144 : vector<4096x292xi32>
    %jit3A_146 = arith.constant 0x7F800000 : f32
    %broadcast_in_dim3A_147 = vector.broadcast %jit3A_146 : f32 to vector<4096x292xf32>
    %select_n3A_148 = arith.select %eq3A_145, %broadcast_in_dim3A_147, %select_n3A_132 : vector<4096x292xi1>, vector<4096x292xf32>
    %reduce_min3A_149 = arith.constant dense<0x7F800000> : vector<292xf32>
    %reduce_min3A_150 = vector.multi_reduction <minimumf>, %select_n3A_148, %reduce_min3A_149 [0] : vector<4096x292xf32> to vector<292xf32>
    %broadcast_in_dim3A_151 = vector.shape_cast %reduce_min3A_150 : vector<292xf32> to vector<1x292xf32>
    %eq3A_152 = vector.broadcast %broadcast_in_dim3A_151 : vector<1x292xf32> to vector<4096x292xf32>
    %eq3A_153 = arith.cmpf oeq, %select_n3A_148, %eq3A_152 : vector<4096x292xf32>
    %jit3A_154 = arith.constant 1073741824 : i32
    %broadcast_in_dim3A_155 = vector.broadcast %jit3A_154 : i32 to vector<4096x292xi32>
    %select_n3A_156 = arith.select %eq3A_153, %iota3A_71, %broadcast_in_dim3A_155 : vector<4096x292xi1>, vector<4096x292xi32>
    %reduce_min3A_157 = arith.constant dense<2147483647> : vector<292xi32>
    %reduce_min3A_158 = vector.multi_reduction <minsi>, %select_n3A_156, %reduce_min3A_157 [0] : vector<4096x292xi32> to vector<292xi32>
    %broadcast_in_dim3A_159 = vector.shape_cast %reduce_min3A_158 : vector<292xi32> to vector<1x292xi32>
    %eq3A_160 = vector.broadcast %broadcast_in_dim3A_159 : vector<1x292xi32> to vector<4096x292xi32>
    %eq3A_161 = arith.cmpi eq, %iota3A_71, %eq3A_160 : vector<4096x292xi32>
    %jit3A_162 = arith.constant 0x7F800000 : f32
    %broadcast_in_dim3A_163 = vector.broadcast %jit3A_162 : f32 to vector<4096x292xf32>
    %select_n3A_164 = arith.select %eq3A_161, %broadcast_in_dim3A_163, %select_n3A_148 : vector<4096x292xi1>, vector<4096x292xf32>
    %reduce_min3A_165 = arith.constant dense<0x7F800000> : vector<292xf32>
    %reduce_min3A_166 = vector.multi_reduction <minimumf>, %select_n3A_164, %reduce_min3A_165 [0] : vector<4096x292xf32> to vector<292xf32>
    %broadcast_in_dim3A_167 = vector.shape_cast %reduce_min3A_166 : vector<292xf32> to vector<1x292xf32>
    %eq3A_168 = vector.broadcast %broadcast_in_dim3A_167 : vector<1x292xf32> to vector<4096x292xf32>
    %eq3A_169 = arith.cmpf oeq, %select_n3A_164, %eq3A_168 : vector<4096x292xf32>
    %jit3A_170 = arith.constant 1073741824 : i32
    %broadcast_in_dim3A_171 = vector.broadcast %jit3A_170 : i32 to vector<4096x292xi32>
    %select_n3A_172 = arith.select %eq3A_169, %iota3A_71, %broadcast_in_dim3A_171 : vector<4096x292xi1>, vector<4096x292xi32>
    %reduce_min3A_173 = arith.constant dense<2147483647> : vector<292xi32>
    %reduce_min3A_174 = vector.multi_reduction <minsi>, %select_n3A_172, %reduce_min3A_173 [0] : vector<4096x292xi32> to vector<292xi32>
    %broadcast_in_dim3A_175 = vector.shape_cast %reduce_min3A_174 : vector<292xi32> to vector<1x292xi32>
    %eq3A_176 = vector.broadcast %broadcast_in_dim3A_175 : vector<1x292xi32> to vector<4096x292xi32>
    %eq3A_177 = arith.cmpi eq, %iota3A_71, %eq3A_176 : vector<4096x292xi32>
    %jit3A_178 = arith.constant 0x7F800000 : f32
    %broadcast_in_dim3A_179 = vector.broadcast %jit3A_178 : f32 to vector<4096x292xf32>
    %select_n3A_180 = arith.select %eq3A_177, %broadcast_in_dim3A_179, %select_n3A_164 : vector<4096x292xi1>, vector<4096x292xf32>
    %reduce_min3A_181 = arith.constant dense<0x7F800000> : vector<292xf32>
    %reduce_min3A_182 = vector.multi_reduction <minimumf>, %select_n3A_180, %reduce_min3A_181 [0] : vector<4096x292xf32> to vector<292xf32>
    %broadcast_in_dim3A_183 = vector.shape_cast %reduce_min3A_182 : vector<292xf32> to vector<1x292xf32>
    %eq3A_184 = vector.broadcast %broadcast_in_dim3A_183 : vector<1x292xf32> to vector<4096x292xf32>
    %eq3A_185 = arith.cmpf oeq, %select_n3A_180, %eq3A_184 : vector<4096x292xf32>
    %jit3A_186 = arith.constant 1073741824 : i32
    %broadcast_in_dim3A_187 = vector.broadcast %jit3A_186 : i32 to vector<4096x292xi32>
    %select_n3A_188 = arith.select %eq3A_185, %iota3A_71, %broadcast_in_dim3A_187 : vector<4096x292xi1>, vector<4096x292xi32>
    %reduce_min3A_189 = arith.constant dense<2147483647> : vector<292xi32>
    %reduce_min3A_190 = vector.multi_reduction <minsi>, %select_n3A_188, %reduce_min3A_189 [0] : vector<4096x292xi32> to vector<292xi32>
    %broadcast_in_dim3A_191 = vector.shape_cast %reduce_min3A_190 : vector<292xi32> to vector<1x292xi32>
    %eq3A_192 = vector.broadcast %broadcast_in_dim3A_191 : vector<1x292xi32> to vector<4096x292xi32>
    %eq3A_193 = arith.cmpi eq, %iota3A_71, %eq3A_192 : vector<4096x292xi32>
    %jit3A_194 = arith.constant 0x7F800000 : f32
    %broadcast_in_dim3A_195 = vector.broadcast %jit3A_194 : f32 to vector<4096x292xf32>
    %select_n3A_196 = arith.select %eq3A_193, %broadcast_in_dim3A_195, %select_n3A_180 : vector<4096x292xi1>, vector<4096x292xf32>
    %reduce_min3A_197 = arith.constant dense<0x7F800000> : vector<292xf32>
    %reduce_min3A_198 = vector.multi_reduction <minimumf>, %select_n3A_196, %reduce_min3A_197 [0] : vector<4096x292xf32> to vector<292xf32>
    %broadcast_in_dim3A_199 = vector.shape_cast %reduce_min3A_198 : vector<292xf32> to vector<1x292xf32>
    %eq3A_200 = vector.broadcast %broadcast_in_dim3A_199 : vector<1x292xf32> to vector<4096x292xf32>
    %eq3A_201 = arith.cmpf oeq, %select_n3A_196, %eq3A_200 : vector<4096x292xf32>
    %jit3A_202 = arith.constant 1073741824 : i32
    %broadcast_in_dim3A_203 = vector.broadcast %jit3A_202 : i32 to vector<4096x292xi32>
    %select_n3A_204 = arith.select %eq3A_201, %iota3A_71, %broadcast_in_dim3A_203 : vector<4096x292xi1>, vector<4096x292xi32>
    %reduce_min3A_205 = arith.constant dense<2147483647> : vector<292xi32>
    %reduce_min3A_206 = vector.multi_reduction <minsi>, %select_n3A_204, %reduce_min3A_205 [0] : vector<4096x292xi32> to vector<292xi32>
    %broadcast_in_dim3A_207 = vector.shape_cast %reduce_min3A_206 : vector<292xi32> to vector<1x292xi32>
    %eq3A_208 = vector.broadcast %broadcast_in_dim3A_207 : vector<1x292xi32> to vector<4096x292xi32>
    %eq3A_209 = arith.cmpi eq, %iota3A_71, %eq3A_208 : vector<4096x292xi32>
    %jit3A_210 = arith.constant 0x7F800000 : f32
    %broadcast_in_dim3A_211 = vector.broadcast %jit3A_210 : f32 to vector<4096x292xf32>
    %select_n3A_212 = arith.select %eq3A_209, %broadcast_in_dim3A_211, %select_n3A_196 : vector<4096x292xi1>, vector<4096x292xf32>
    %reduce_min3A_213 = arith.constant dense<0x7F800000> : vector<292xf32>
    %reduce_min3A_214 = vector.multi_reduction <minimumf>, %select_n3A_212, %reduce_min3A_213 [0] : vector<4096x292xf32> to vector<292xf32>
    %broadcast_in_dim3A_215 = vector.shape_cast %reduce_min3A_214 : vector<292xf32> to vector<1x292xf32>
    %eq3A_216 = vector.broadcast %broadcast_in_dim3A_215 : vector<1x292xf32> to vector<4096x292xf32>
    %eq3A_217 = arith.cmpf oeq, %select_n3A_212, %eq3A_216 : vector<4096x292xf32>
    %jit3A_218 = arith.constant 1073741824 : i32
    %broadcast_in_dim3A_219 = vector.broadcast %jit3A_218 : i32 to vector<4096x292xi32>
    %select_n3A_220 = arith.select %eq3A_217, %iota3A_71, %broadcast_in_dim3A_219 : vector<4096x292xi1>, vector<4096x292xi32>
    %reduce_min3A_221 = arith.constant dense<2147483647> : vector<292xi32>
    %reduce_min3A_222 = vector.multi_reduction <minsi>, %select_n3A_220, %reduce_min3A_221 [0] : vector<4096x292xi32> to vector<292xi32>
    %broadcast_in_dim3A_223 = vector.shape_cast %reduce_min3A_222 : vector<292xi32> to vector<1x292xi32>
    %eq3A_224 = vector.broadcast %broadcast_in_dim3A_223 : vector<1x292xi32> to vector<4096x292xi32>
    %eq3A_225 = arith.cmpi eq, %iota3A_71, %eq3A_224 : vector<4096x292xi32>
    %jit3A_226 = arith.constant 0x7F800000 : f32
    %broadcast_in_dim3A_227 = vector.broadcast %jit3A_226 : f32 to vector<4096x292xf32>
    %select_n3A_228 = arith.select %eq3A_225, %broadcast_in_dim3A_227, %select_n3A_212 : vector<4096x292xi1>, vector<4096x292xf32>
    %reduce_min3A_229 = arith.constant dense<0x7F800000> : vector<292xf32>
    %reduce_min3A_230 = vector.multi_reduction <minimumf>, %select_n3A_228, %reduce_min3A_229 [0] : vector<4096x292xf32> to vector<292xf32>
    %broadcast_in_dim3A_231 = vector.shape_cast %reduce_min3A_230 : vector<292xf32> to vector<1x292xf32>
    %eq3A_232 = vector.broadcast %broadcast_in_dim3A_231 : vector<1x292xf32> to vector<4096x292xf32>
    %eq3A_233 = arith.cmpf oeq, %select_n3A_228, %eq3A_232 : vector<4096x292xf32>
    %jit3A_234 = arith.constant 1073741824 : i32
    %broadcast_in_dim3A_235 = vector.broadcast %jit3A_234 : i32 to vector<4096x292xi32>
    %select_n3A_236 = arith.select %eq3A_233, %iota3A_71, %broadcast_in_dim3A_235 : vector<4096x292xi1>, vector<4096x292xi32>
    %reduce_min3A_237 = arith.constant dense<2147483647> : vector<292xi32>
    %reduce_min3A_238 = vector.multi_reduction <minsi>, %select_n3A_236, %reduce_min3A_237 [0] : vector<4096x292xi32> to vector<292xi32>
    %broadcast_in_dim3A_239 = vector.shape_cast %reduce_min3A_238 : vector<292xi32> to vector<1x292xi32>
    %eq3A_240 = vector.broadcast %broadcast_in_dim3A_239 : vector<1x292xi32> to vector<4096x292xi32>
    %eq3A_241 = arith.cmpi eq, %iota3A_71, %eq3A_240 : vector<4096x292xi32>
    %jit3A_242 = arith.constant 0x7F800000 : f32
    %broadcast_in_dim3A_243 = vector.broadcast %jit3A_242 : f32 to vector<4096x292xf32>
    %select_n3A_244 = arith.select %eq3A_241, %broadcast_in_dim3A_243, %select_n3A_228 : vector<4096x292xi1>, vector<4096x292xf32>
    %reduce_min3A_245 = arith.constant dense<0x7F800000> : vector<292xf32>
    %reduce_min3A_246 = vector.multi_reduction <minimumf>, %select_n3A_244, %reduce_min3A_245 [0] : vector<4096x292xf32> to vector<292xf32>
    %broadcast_in_dim3A_247 = vector.shape_cast %reduce_min3A_246 : vector<292xf32> to vector<1x292xf32>
    %eq3A_248 = vector.broadcast %broadcast_in_dim3A_247 : vector<1x292xf32> to vector<4096x292xf32>
    %eq3A_249 = arith.cmpf oeq, %select_n3A_244, %eq3A_248 : vector<4096x292xf32>
    %jit3A_250 = arith.constant 1073741824 : i32
    %broadcast_in_dim3A_251 = vector.broadcast %jit3A_250 : i32 to vector<4096x292xi32>
    %select_n3A_252 = arith.select %eq3A_249, %iota3A_71, %broadcast_in_dim3A_251 : vector<4096x292xi1>, vector<4096x292xi32>
    %reduce_min3A_253 = arith.constant dense<2147483647> : vector<292xi32>
    %reduce_min3A_254 = vector.multi_reduction <minsi>, %select_n3A_252, %reduce_min3A_253 [0] : vector<4096x292xi32> to vector<292xi32>
    %broadcast_in_dim3A_255 = vector.shape_cast %reduce_min3A_254 : vector<292xi32> to vector<1x292xi32>
    %concatenate3A = tpu.concatenate %broadcast_in_dim3A_111, %broadcast_in_dim3A_127, %broadcast_in_dim3A_143, %broadcast_in_dim3A_159, %broadcast_in_dim3A_175, %broadcast_in_dim3A_191, %broadcast_in_dim3A_207, %broadcast_in_dim3A_223, %broadcast_in_dim3A_239, %broadcast_in_dim3A_255 in 0 : vector<1x292xi32>, vector<1x292xi32>, vector<1x292xi32>, vector<1x292xi32>, vector<1x292xi32>, vector<1x292xi32>, vector<1x292xi32>, vector<1x292xi32>, vector<1x292xi32>, vector<1x292xi32> -> vector<10x292xi32>
    %swap3A_256 = arith.constant 0 : index
    %swap3A_257 = arith.constant 0 : index
    %swap3A_258 = arith.constant 0 : index
    %swap3A_259 = vector.load %arg7[%swap3A_256, %swap3A_257, %swap3A_258] : memref<2x10x292xi32, #tpu.memory_space<vmem>>, vector<1x10x292xi32>
    %swap3A_260 = vector.shape_cast %swap3A_259 : vector<1x10x292xi32> to vector<10x292xi32>
    %swap3A_261 = vector.shape_cast %concatenate3A : vector<10x292xi32> to vector<1x10x292xi32>
    tpu.vector_store %arg7[%swap3A_256, %swap3A_257, %swap3A_258], %swap3A_261 {strides = array<i32>} : memref<2x10x292xi32, #tpu.memory_space<vmem>>, vector<1x10x292xi32>,
    %slice3A_262 = vector.extract_strided_slice %scan3A_58#4 {offsets = [1, 0], sizes = [1, 292], strides = [1, 1]} : vector<2x292xf32> to vector<1x292xf32>
    %slice3A_263 = vector.extract_strided_slice %scan3A_58#5 {offsets = [1, 0], sizes = [1, 292], strides = [1, 1]} : vector<2x292xf32> to vector<1x292xf32>
    %slice3A_264 = vector.extract_strided_slice %scan3A_58#6 {offsets = [1, 0], sizes = [1, 292], strides = [1, 1]} : vector<2x292xf32> to vector<1x292xf32>
    %get3A_265 = arith.constant 1 : index
    %get3A_266 = arith.constant 0 : index
    %get3A_267 = arith.constant 0 : index
    %get3A_268 = vector.load %arg3[%get3A_265, %get3A_266, %get3A_267] : memref<2x4096x1xf32, #tpu.memory_space<vmem>>, vector<1x4096x1xf32>
    %get3A_269 = vector.shape_cast %get3A_268 : vector<1x4096x1xf32> to vector<4096x1xf32>
    %sub3A_270 = vector.broadcast %get3A_269 : vector<4096x1xf32> to vector<4096x292xf32>
    %sub3A_271 = vector.broadcast %slice3A_262 : vector<1x292xf32> to vector<4096x292xf32>
    %sub3A_272 = arith.subf %sub3A_270, %sub3A_271 : vector<4096x292xf32>
    %get3A_273 = arith.constant 1 : index
    %get3A_274 = arith.constant 0 : index
    %get3A_275 = arith.constant 0 : index
    %get3A_276 = vector.load %arg4[%get3A_273, %get3A_274, %get3A_275] : memref<2x4096x1xf32, #tpu.memory_space<vmem>>, vector<1x4096x1xf32>
    %get3A_277 = vector.shape_cast %get3A_276 : vector<1x4096x1xf32> to vector<4096x1xf32>
    %sub3A_278 = vector.broadcast %get3A_277 : vector<4096x1xf32> to vector<4096x292xf32>
    %sub3A_279 = vector.broadcast %slice3A_263 : vector<1x292xf32> to vector<4096x292xf32>
    %sub3A_280 = arith.subf %sub3A_278, %sub3A_279 : vector<4096x292xf32>
    %get3A_281 = arith.constant 1 : index
    %get3A_282 = arith.constant 0 : index
    %get3A_283 = arith.constant 0 : index
    %get3A_284 = vector.load %arg5[%get3A_281, %get3A_282, %get3A_283] : memref<2x4096x1xf32, #tpu.memory_space<vmem>>, vector<1x4096x1xf32>
    %get3A_285 = vector.shape_cast %get3A_284 : vector<1x4096x1xf32> to vector<4096x1xf32>
    %sub3A_286 = vector.broadcast %get3A_285 : vector<4096x1xf32> to vector<4096x292xf32>
    %sub3A_287 = vector.broadcast %slice3A_264 : vector<1x292xf32> to vector<4096x292xf32>
    %sub3A_288 = arith.subf %sub3A_286, %sub3A_287 : vector<4096x292xf32>
    %mul3A_289 = arith.mulf %sub3A_272, %sub3A_272 : vector<4096x292xf32>
    %mul3A_290 = arith.mulf %sub3A_280, %sub3A_280 : vector<4096x292xf32>
    %add3A_291 = arith.addf %mul3A_289, %mul3A_290 : vector<4096x292xf32>
    %mul3A_292 = arith.mulf %sub3A_288, %sub3A_288 : vector<4096x292xf32>
    %add3A_293 = arith.addf %add3A_291, %mul3A_292 : vector<4096x292xf32>
    %reduce_min3A_294 = arith.constant dense<0x7F800000> : vector<292xf32>
    %reduce_min3A_295 = vector.multi_reduction <minimumf>, %add3A_293, %reduce_min3A_294 [0] : vector<4096x292xf32> to vector<292xf32>
    %broadcast_in_dim3A_296 = vector.shape_cast %reduce_min3A_295 : vector<292xf32> to vector<1x292xf32>
    %eq3A_297 = vector.broadcast %broadcast_in_dim3A_296 : vector<1x292xf32> to vector<4096x292xf32>
    %eq3A_298 = arith.cmpf oeq, %add3A_293, %eq3A_297 : vector<4096x292xf32>
    %jit3A_299 = arith.constant 1073741824 : i32
    %broadcast_in_dim3A_300 = vector.broadcast %jit3A_299 : i32 to vector<4096x292xi32>
    %select_n3A_301 = arith.select %eq3A_298, %iota3A_71, %broadcast_in_dim3A_300 : vector<4096x292xi1>, vector<4096x292xi32>
    %reduce_min3A_302 = arith.constant dense<2147483647> : vector<292xi32>
    %reduce_min3A_303 = vector.multi_reduction <minsi>, %select_n3A_301, %reduce_min3A_302 [0] : vector<4096x292xi32> to vector<292xi32>
    %broadcast_in_dim3A_304 = vector.shape_cast %reduce_min3A_303 : vector<292xi32> to vector<1x292xi32>
    %eq3A_305 = vector.broadcast %broadcast_in_dim3A_304 : vector<1x292xi32> to vector<4096x292xi32>
    %eq3A_306 = arith.cmpi eq, %iota3A_71, %eq3A_305 : vector<4096x292xi32>
    %jit3A_307 = arith.constant 0x7F800000 : f32
    %broadcast_in_dim3A_308 = vector.broadcast %jit3A_307 : f32 to vector<4096x292xf32>
    %select_n3A_309 = arith.select %eq3A_306, %broadcast_in_dim3A_308, %add3A_293 : vector<4096x292xi1>, vector<4096x292xf32>
    %reduce_min3A_310 = arith.constant dense<0x7F800000> : vector<292xf32>
    %reduce_min3A_311 = vector.multi_reduction <minimumf>, %select_n3A_309, %reduce_min3A_310 [0] : vector<4096x292xf32> to vector<292xf32>
    %broadcast_in_dim3A_312 = vector.shape_cast %reduce_min3A_311 : vector<292xf32> to vector<1x292xf32>
    %eq3A_313 = vector.broadcast %broadcast_in_dim3A_312 : vector<1x292xf32> to vector<4096x292xf32>
    %eq3A_314 = arith.cmpf oeq, %select_n3A_309, %eq3A_313 : vector<4096x292xf32>
    %jit3A_315 = arith.constant 1073741824 : i32
    %broadcast_in_dim3A_316 = vector.broadcast %jit3A_315 : i32 to vector<4096x292xi32>
    %select_n3A_317 = arith.select %eq3A_314, %iota3A_71, %broadcast_in_dim3A_316 : vector<4096x292xi1>, vector<4096x292xi32>
    %reduce_min3A_318 = arith.constant dense<2147483647> : vector<292xi32>
    %reduce_min3A_319 = vector.multi_reduction <minsi>, %select_n3A_317, %reduce_min3A_318 [0] : vector<4096x292xi32> to vector<292xi32>
    %broadcast_in_dim3A_320 = vector.shape_cast %reduce_min3A_319 : vector<292xi32> to vector<1x292xi32>
    %eq3A_321 = vector.broadcast %broadcast_in_dim3A_320 : vector<1x292xi32> to vector<4096x292xi32>
    %eq3A_322 = arith.cmpi eq, %iota3A_71, %eq3A_321 : vector<4096x292xi32>
    %jit3A_323 = arith.constant 0x7F800000 : f32
    %broadcast_in_dim3A_324 = vector.broadcast %jit3A_323 : f32 to vector<4096x292xf32>
    %select_n3A_325 = arith.select %eq3A_322, %broadcast_in_dim3A_324, %select_n3A_309 : vector<4096x292xi1>, vector<4096x292xf32>
    %reduce_min3A_326 = arith.constant dense<0x7F800000> : vector<292xf32>
    %reduce_min3A_327 = vector.multi_reduction <minimumf>, %select_n3A_325, %reduce_min3A_326 [0] : vector<4096x292xf32> to vector<292xf32>
    %broadcast_in_dim3A_328 = vector.shape_cast %reduce_min3A_327 : vector<292xf32> to vector<1x292xf32>
    %eq3A_329 = vector.broadcast %broadcast_in_dim3A_328 : vector<1x292xf32> to vector<4096x292xf32>
    %eq3A_330 = arith.cmpf oeq, %select_n3A_325, %eq3A_329 : vector<4096x292xf32>
    %jit3A_331 = arith.constant 1073741824 : i32
    %broadcast_in_dim3A_332 = vector.broadcast %jit3A_331 : i32 to vector<4096x292xi32>
    %select_n3A_333 = arith.select %eq3A_330, %iota3A_71, %broadcast_in_dim3A_332 : vector<4096x292xi1>, vector<4096x292xi32>
    %reduce_min3A_334 = arith.constant dense<2147483647> : vector<292xi32>
    %reduce_min3A_335 = vector.multi_reduction <minsi>, %select_n3A_333, %reduce_min3A_334 [0] : vector<4096x292xi32> to vector<292xi32>
    %broadcast_in_dim3A_336 = vector.shape_cast %reduce_min3A_335 : vector<292xi32> to vector<1x292xi32>
    %eq3A_337 = vector.broadcast %broadcast_in_dim3A_336 : vector<1x292xi32> to vector<4096x292xi32>
    %eq3A_338 = arith.cmpi eq, %iota3A_71, %eq3A_337 : vector<4096x292xi32>
    %jit3A_339 = arith.constant 0x7F800000 : f32
    %broadcast_in_dim3A_340 = vector.broadcast %jit3A_339 : f32 to vector<4096x292xf32>
    %select_n3A_341 = arith.select %eq3A_338, %broadcast_in_dim3A_340, %select_n3A_325 : vector<4096x292xi1>, vector<4096x292xf32>
    %reduce_min3A_342 = arith.constant dense<0x7F800000> : vector<292xf32>
    %reduce_min3A_343 = vector.multi_reduction <minimumf>, %select_n3A_341, %reduce_min3A_342 [0] : vector<4096x292xf32> to vector<292xf32>
    %broadcast_in_dim3A_344 = vector.shape_cast %reduce_min3A_343 : vector<292xf32> to vector<1x292xf32>
    %eq3A_345 = vector.broadcast %broadcast_in_dim3A_344 : vector<1x292xf32> to vector<4096x292xf32>
    %eq3A_346 = arith.cmpf oeq, %select_n3A_341, %eq3A_345 : vector<4096x292xf32>
    %jit3A_347 = arith.constant 1073741824 : i32
    %broadcast_in_dim3A_348 = vector.broadcast %jit3A_347 : i32 to vector<4096x292xi32>
    %select_n3A_349 = arith.select %eq3A_346, %iota3A_71, %broadcast_in_dim3A_348 : vector<4096x292xi1>, vector<4096x292xi32>
    %reduce_min3A_350 = arith.constant dense<2147483647> : vector<292xi32>
    %reduce_min3A_351 = vector.multi_reduction <minsi>, %select_n3A_349, %reduce_min3A_350 [0] : vector<4096x292xi32> to vector<292xi32>
    %broadcast_in_dim3A_352 = vector.shape_cast %reduce_min3A_351 : vector<292xi32> to vector<1x292xi32>
    %eq3A_353 = vector.broadcast %broadcast_in_dim3A_352 : vector<1x292xi32> to vector<4096x292xi32>
    %eq3A_354 = arith.cmpi eq, %iota3A_71, %eq3A_353 : vector<4096x292xi32>
    %jit3A_355 = arith.constant 0x7F800000 : f32
    %broadcast_in_dim3A_356 = vector.broadcast %jit3A_355 : f32 to vector<4096x292xf32>
    %select_n3A_357 = arith.select %eq3A_354, %broadcast_in_dim3A_356, %select_n3A_341 : vector<4096x292xi1>, vector<4096x292xf32>
    %reduce_min3A_358 = arith.constant dense<0x7F800000> : vector<292xf32>
    %reduce_min3A_359 = vector.multi_reduction <minimumf>, %select_n3A_357, %reduce_min3A_358 [0] : vector<4096x292xf32> to vector<292xf32>
    %broadcast_in_dim3A_360 = vector.shape_cast %reduce_min3A_359 : vector<292xf32> to vector<1x292xf32>
    %eq3A_361 = vector.broadcast %broadcast_in_dim3A_360 : vector<1x292xf32> to vector<4096x292xf32>
    %eq3A_362 = arith.cmpf oeq, %select_n3A_357, %eq3A_361 : vector<4096x292xf32>
    %jit3A_363 = arith.constant 1073741824 : i32
    %broadcast_in_dim3A_364 = vector.broadcast %jit3A_363 : i32 to vector<4096x292xi32>
    %select_n3A_365 = arith.select %eq3A_362, %iota3A_71, %broadcast_in_dim3A_364 : vector<4096x292xi1>, vector<4096x292xi32>
    %reduce_min3A_366 = arith.constant dense<2147483647> : vector<292xi32>
    %reduce_min3A_367 = vector.multi_reduction <minsi>, %select_n3A_365, %reduce_min3A_366 [0] : vector<4096x292xi32> to vector<292xi32>
    %broadcast_in_dim3A_368 = vector.shape_cast %reduce_min3A_367 : vector<292xi32> to vector<1x292xi32>
    %eq3A_369 = vector.broadcast %broadcast_in_dim3A_368 : vector<1x292xi32> to vector<4096x292xi32>
    %eq3A_370 = arith.cmpi eq, %iota3A_71, %eq3A_369 : vector<4096x292xi32>
    %jit3A_371 = arith.constant 0x7F800000 : f32
    %broadcast_in_dim3A_372 = vector.broadcast %jit3A_371 : f32 to vector<4096x292xf32>
    %select_n3A_373 = arith.select %eq3A_370, %broadcast_in_dim3A_372, %select_n3A_357 : vector<4096x292xi1>, vector<4096x292xf32>
    %reduce_min3A_374 = arith.constant dense<0x7F800000> : vector<292xf32>
    %reduce_min3A_375 = vector.multi_reduction <minimumf>, %select_n3A_373, %reduce_min3A_374 [0] : vector<4096x292xf32> to vector<292xf32>
    %broadcast_in_dim3A_376 = vector.shape_cast %reduce_min3A_375 : vector<292xf32> to vector<1x292xf32>
    %eq3A_377 = vector.broadcast %broadcast_in_dim3A_376 : vector<1x292xf32> to vector<4096x292xf32>
    %eq3A_378 = arith.cmpf oeq, %select_n3A_373, %eq3A_377 : vector<4096x292xf32>
    %jit3A_379 = arith.constant 1073741824 : i32
    %broadcast_in_dim3A_380 = vector.broadcast %jit3A_379 : i32 to vector<4096x292xi32>
    %select_n3A_381 = arith.select %eq3A_378, %iota3A_71, %broadcast_in_dim3A_380 : vector<4096x292xi1>, vector<4096x292xi32>
    %reduce_min3A_382 = arith.constant dense<2147483647> : vector<292xi32>
    %reduce_min3A_383 = vector.multi_reduction <minsi>, %select_n3A_381, %reduce_min3A_382 [0] : vector<4096x292xi32> to vector<292xi32>
    %broadcast_in_dim3A_384 = vector.shape_cast %reduce_min3A_383 : vector<292xi32> to vector<1x292xi32>
    %eq3A_385 = vector.broadcast %broadcast_in_dim3A_384 : vector<1x292xi32> to vector<4096x292xi32>
    %eq3A_386 = arith.cmpi eq, %iota3A_71, %eq3A_385 : vector<4096x292xi32>
    %jit3A_387 = arith.constant 0x7F800000 : f32
    %broadcast_in_dim3A_388 = vector.broadcast %jit3A_387 : f32 to vector<4096x292xf32>
    %select_n3A_389 = arith.select %eq3A_386, %broadcast_in_dim3A_388, %select_n3A_373 : vector<4096x292xi1>, vector<4096x292xf32>
    %reduce_min3A_390 = arith.constant dense<0x7F800000> : vector<292xf32>
    %reduce_min3A_391 = vector.multi_reduction <minimumf>, %select_n3A_389, %reduce_min3A_390 [0] : vector<4096x292xf32> to vector<292xf32>
    %broadcast_in_dim3A_392 = vector.shape_cast %reduce_min3A_391 : vector<292xf32> to vector<1x292xf32>
    %eq3A_393 = vector.broadcast %broadcast_in_dim3A_392 : vector<1x292xf32> to vector<4096x292xf32>
    %eq3A_394 = arith.cmpf oeq, %select_n3A_389, %eq3A_393 : vector<4096x292xf32>
    %jit3A_395 = arith.constant 1073741824 : i32
    %broadcast_in_dim3A_396 = vector.broadcast %jit3A_395 : i32 to vector<4096x292xi32>
    %select_n3A_397 = arith.select %eq3A_394, %iota3A_71, %broadcast_in_dim3A_396 : vector<4096x292xi1>, vector<4096x292xi32>
    %reduce_min3A_398 = arith.constant dense<2147483647> : vector<292xi32>
    %reduce_min3A_399 = vector.multi_reduction <minsi>, %select_n3A_397, %reduce_min3A_398 [0] : vector<4096x292xi32> to vector<292xi32>
    %broadcast_in_dim3A_400 = vector.shape_cast %reduce_min3A_399 : vector<292xi32> to vector<1x292xi32>
    %eq3A_401 = vector.broadcast %broadcast_in_dim3A_400 : vector<1x292xi32> to vector<4096x292xi32>
    %eq3A_402 = arith.cmpi eq, %iota3A_71, %eq3A_401 : vector<4096x292xi32>
    %jit3A_403 = arith.constant 0x7F800000 : f32
    %broadcast_in_dim3A_404 = vector.broadcast %jit3A_403 : f32 to vector<4096x292xf32>
    %select_n3A_405 = arith.select %eq3A_402, %broadcast_in_dim3A_404, %select_n3A_389 : vector<4096x292xi1>, vector<4096x292xf32>
    %reduce_min3A_406 = arith.constant dense<0x7F800000> : vector<292xf32>
    %reduce_min3A_407 = vector.multi_reduction <minimumf>, %select_n3A_405, %reduce_min3A_406 [0] : vector<4096x292xf32> to vector<292xf32>
    %broadcast_in_dim3A_408 = vector.shape_cast %reduce_min3A_407 : vector<292xf32> to vector<1x292xf32>
    %eq3A_409 = vector.broadcast %broadcast_in_dim3A_408 : vector<1x292xf32> to vector<4096x292xf32>
    %eq3A_410 = arith.cmpf oeq, %select_n3A_405, %eq3A_409 : vector<4096x292xf32>
    %jit3A_411 = arith.constant 1073741824 : i32
    %broadcast_in_dim3A_412 = vector.broadcast %jit3A_411 : i32 to vector<4096x292xi32>
    %select_n3A_413 = arith.select %eq3A_410, %iota3A_71, %broadcast_in_dim3A_412 : vector<4096x292xi1>, vector<4096x292xi32>
    %reduce_min3A_414 = arith.constant dense<2147483647> : vector<292xi32>
    %reduce_min3A_415 = vector.multi_reduction <minsi>, %select_n3A_413, %reduce_min3A_414 [0] : vector<4096x292xi32> to vector<292xi32>
    %broadcast_in_dim3A_416 = vector.shape_cast %reduce_min3A_415 : vector<292xi32> to vector<1x292xi32>
    %eq3A_417 = vector.broadcast %broadcast_in_dim3A_416 : vector<1x292xi32> to vector<4096x292xi32>
    %eq3A_418 = arith.cmpi eq, %iota3A_71, %eq3A_417 : vector<4096x292xi32>
    %jit3A_419 = arith.constant 0x7F800000 : f32
    %broadcast_in_dim3A_420 = vector.broadcast %jit3A_419 : f32 to vector<4096x292xf32>
    %select_n3A_421 = arith.select %eq3A_418, %broadcast_in_dim3A_420, %select_n3A_405 : vector<4096x292xi1>, vector<4096x292xf32>
    %reduce_min3A_422 = arith.constant dense<0x7F800000> : vector<292xf32>
    %reduce_min3A_423 = vector.multi_reduction <minimumf>, %select_n3A_421, %reduce_min3A_422 [0] : vector<4096x292xf32> to vector<292xf32>
    %broadcast_in_dim3A_424 = vector.shape_cast %reduce_min3A_423 : vector<292xf32> to vector<1x292xf32>
    %eq3A_425 = vector.broadcast %broadcast_in_dim3A_424 : vector<1x292xf32> to vector<4096x292xf32>
    %eq3A_426 = arith.cmpf oeq, %select_n3A_421, %eq3A_425 : vector<4096x292xf32>
    %jit3A_427 = arith.constant 1073741824 : i32
    %broadcast_in_dim3A_428 = vector.broadcast %jit3A_427 : i32 to vector<4096x292xi32>
    %select_n3A_429 = arith.select %eq3A_426, %iota3A_71, %broadcast_in_dim3A_428 : vector<4096x292xi1>, vector<4096x292xi32>
    %reduce_min3A_430 = arith.constant dense<2147483647> : vector<292xi32>
    %reduce_min3A_431 = vector.multi_reduction <minsi>, %select_n3A_429, %reduce_min3A_430 [0] : vector<4096x292xi32> to vector<292xi32>
    %broadcast_in_dim3A_432 = vector.shape_cast %reduce_min3A_431 : vector<292xi32> to vector<1x292xi32>
    %eq3A_433 = vector.broadcast %broadcast_in_dim3A_432 : vector<1x292xi32> to vector<4096x292xi32>
    %eq3A_434 = arith.cmpi eq, %iota3A_71, %eq3A_433 : vector<4096x292xi32>
    %jit3A_435 = arith.constant 0x7F800000 : f32
    %broadcast_in_dim3A_436 = vector.broadcast %jit3A_435 : f32 to vector<4096x292xf32>
    %select_n3A_437 = arith.select %eq3A_434, %broadcast_in_dim3A_436, %select_n3A_421 : vector<4096x292xi1>, vector<4096x292xf32>
    %reduce_min3A_438 = arith.constant dense<0x7F800000> : vector<292xf32>
    %reduce_min3A_439 = vector.multi_reduction <minimumf>, %select_n3A_437, %reduce_min3A_438 [0] : vector<4096x292xf32> to vector<292xf32>
    %broadcast_in_dim3A_440 = vector.shape_cast %reduce_min3A_439 : vector<292xf32> to vector<1x292xf32>
    %eq3A_441 = vector.broadcast %broadcast_in_dim3A_440 : vector<1x292xf32> to vector<4096x292xf32>
    %eq3A_442 = arith.cmpf oeq, %select_n3A_437, %eq3A_441 : vector<4096x292xf32>
    %jit3A_443 = arith.constant 1073741824 : i32
    %broadcast_in_dim3A_444 = vector.broadcast %jit3A_443 : i32 to vector<4096x292xi32>
    %select_n3A_445 = arith.select %eq3A_442, %iota3A_71, %broadcast_in_dim3A_444 : vector<4096x292xi1>, vector<4096x292xi32>
    %reduce_min3A_446 = arith.constant dense<2147483647> : vector<292xi32>
    %reduce_min3A_447 = vector.multi_reduction <minsi>, %select_n3A_445, %reduce_min3A_446 [0] : vector<4096x292xi32> to vector<292xi32>
    %broadcast_in_dim3A_448 = vector.shape_cast %reduce_min3A_447 : vector<292xi32> to vector<1x292xi32>
    %concatenate3A_449 = tpu.concatenate %broadcast_in_dim3A_304, %broadcast_in_dim3A_320, %broadcast_in_dim3A_336, %broadcast_in_dim3A_352, %broadcast_in_dim3A_368, %broadcast_in_dim3A_384, %broadcast_in_dim3A_400, %broadcast_in_dim3A_416, %broadcast_in_dim3A_432, %broadcast_in_dim3A_448 in 0 : vector<1x292xi32>, vector<1x292xi32>, vector<1x292xi32>, vector<1x292xi32>, vector<1x292xi32>, vector<1x292xi32>, vector<1x292xi32>, vector<1x292xi32>, vector<1x292xi32>, vector<1x292xi32> -> vector<10x292xi32>
    %swap3A_450 = arith.constant 1 : index
    %swap3A_451 = arith.constant 0 : index
    %swap3A_452 = arith.constant 0 : index
    %swap3A_453 = vector.load %arg7[%swap3A_450, %swap3A_451, %swap3A_452] : memref<2x10x292xi32, #tpu.memory_space<vmem>>, vector<1x10x292xi32>
    %swap3A_454 = vector.shape_cast %swap3A_453 : vector<1x10x292xi32> to vector<10x292xi32>
    %swap3A_455 = vector.shape_cast %concatenate3A_449 : vector<10x292xi32> to vector<1x10x292xi32>
    tpu.vector_store %arg7[%swap3A_450, %swap3A_451, %swap3A_452], %swap3A_455 {strides = array<i32>} : memref<2x10x292xi32, #tpu.memory_space<vmem>>, vector<1x10x292xi32>,
    return
  }
}

module attributes {stable_mosaic.version = 14 : i64} {
  func.func @_encoder_body(%arg0: memref<6656x256xf32, #tpu.memory_space<vmem>>, %arg1: memref<6656x128xf32, #tpu.memory_space<vmem>>, %arg2: memref<256x256xf32, #tpu.memory_space<vmem>>, %arg3: memref<1x256xf32, #tpu.memory_space<vmem>>, %arg4: memref<256x4xf32, #tpu.memory_space<vmem>>, %arg5: memref<64x4xf32, #tpu.memory_space<vmem>>, %arg6: memref<128x64xf32, #tpu.memory_space<vmem>>, %arg7: memref<4x256xf32, #tpu.memory_space<vmem>>, %arg8: memref<256x256xf32, #tpu.memory_space<vmem>>, %arg9: memref<1x256xf32, #tpu.memory_space<vmem>>, %arg10: memref<256x256xf32, #tpu.memory_space<vmem>>, %arg11: memref<1x256xf32, #tpu.memory_space<vmem>>, %arg12: memref<256x256xf32, #tpu.memory_space<vmem>>, %arg13: memref<1x256xf32, #tpu.memory_space<vmem>>, %arg14: memref<256x256xf32, #tpu.memory_space<vmem>>, %arg15: memref<1x256xf32, #tpu.memory_space<vmem>>, %arg16: memref<128x64xf32, #tpu.memory_space<vmem>>, %arg17: memref<256x1024xf32, #tpu.memory_space<vmem>>, %arg18: memref<1x1024xf32, #tpu.memory_space<vmem>>, %arg19: memref<1024x256xf32, #tpu.memory_space<vmem>>, %arg20: memref<1x256xf32, #tpu.memory_space<vmem>>, %arg21: memref<1x256xf32, #tpu.memory_space<vmem>>, %arg22: memref<1x256xf32, #tpu.memory_space<vmem>>, %arg23: memref<1x256xf32, #tpu.memory_space<vmem>>, %arg24: memref<1x256xf32, #tpu.memory_space<vmem>>, %arg25: memref<256x256xf32, #tpu.memory_space<vmem>>, %arg26: memref<1x256xf32, #tpu.memory_space<vmem>>, %arg27: memref<256x256xf32, #tpu.memory_space<vmem>>, %arg28: memref<1x256xf32, #tpu.memory_space<vmem>>, %arg29: memref<256x256xf32, #tpu.memory_space<vmem>>, %arg30: memref<1x256xf32, #tpu.memory_space<vmem>>, %arg31: memref<256x256xf32, #tpu.memory_space<vmem>>, %arg32: memref<1x256xf32, #tpu.memory_space<vmem>>, %arg33: memref<128x64xf32, #tpu.memory_space<vmem>>, %arg34: memref<256x1024xf32, #tpu.memory_space<vmem>>, %arg35: memref<1x1024xf32, #tpu.memory_space<vmem>>, %arg36: memref<1024x256xf32, #tpu.memory_space<vmem>>, %arg37: memref<1x256xf32, #tpu.memory_space<vmem>>, %arg38: memref<1x256xf32, #tpu.memory_space<vmem>>, %arg39: memref<1x256xf32, #tpu.memory_space<vmem>>, %arg40: memref<1x256xf32, #tpu.memory_space<vmem>>, %arg41: memref<1x256xf32, #tpu.memory_space<vmem>>, %arg42: memref<584x256xf32, #tpu.memory_space<vmem>>, %arg43: memref<5840x256xf32, #tpu.memory_space<vmem>>, %arg44: memref<5840x64xf32, #tpu.memory_space<vmem>>) attributes {dimension_semantics = [], scalar_prefetch = 0 : i64, scratch_operands = 2 : i64, tpu.core_type = #tpu.core_type<tc>} {
    %get3A = arith.constant 0 : index
    %get3A_0 = arith.constant 0 : index
    %get3A_1 = vector.load %arg0[%get3A, %get3A_0] : memref<6656x256xf32, #tpu.memory_space<vmem>>, vector<584x256xf32>
    %get3A_2 = arith.constant 0 : index
    %get3A_3 = arith.constant 0 : index
    %get3A_4 = vector.load %arg2[%get3A_2, %get3A_3] : memref<256x256xf32, #tpu.memory_space<vmem>>, vector<256x256xf32>
    %dot_general3A = arith.constant dense<0.000000e+00> : vector<584x256xf32>
    %dot_general3A_5 = tpu.matmul %get3A_1, %get3A_4, %dot_general3A {dimension_numbers = #tpu.dot_dimension_numbers<[1], [0], [0], [1], [0, 0, 1, 1], [], []>, transpose_lhs_hint = false} : vector<584x256xf32>, vector<256x256xf32>, vector<584x256xf32> -> vector<584x256xf32>
    %get3A_6 = arith.constant 0 : index
    %get3A_7 = arith.constant 0 : index
    %get3A_8 = vector.load %arg3[%get3A_6, %get3A_7] : memref<1x256xf32, #tpu.memory_space<vmem>>, vector<1x256xf32>
    %add3A = vector.broadcast %get3A_8 : vector<1x256xf32> to vector<584x256xf32>
    %add3A_9 = arith.addf %dot_general3A_5, %add3A : vector<584x256xf32>
    %get3A_10 = arith.constant 584 : index
    %get3A_11 = arith.constant 0 : index
    %get3A_12 = vector.load %arg0[%get3A_10, %get3A_11] : memref<6656x256xf32, #tpu.memory_space<vmem>>, vector<584x256xf32>
    %get3A_13 = arith.constant 0 : index
    %get3A_14 = arith.constant 0 : index
    %get3A_15 = vector.load %arg2[%get3A_13, %get3A_14] : memref<256x256xf32, #tpu.memory_space<vmem>>, vector<256x256xf32>
    %dot_general3A_16 = arith.constant dense<0.000000e+00> : vector<584x256xf32>
    %dot_general3A_17 = tpu.matmul %get3A_12, %get3A_15, %dot_general3A_16 {dimension_numbers = #tpu.dot_dimension_numbers<[1], [0], [0], [1], [0, 0, 1, 1], [], []>, transpose_lhs_hint = false} : vector<584x256xf32>, vector<256x256xf32>, vector<584x256xf32> -> vector<584x256xf32>
    %get3A_18 = arith.constant 0 : index
    %get3A_19 = arith.constant 0 : index
    %get3A_20 = vector.load %arg3[%get3A_18, %get3A_19] : memref<1x256xf32, #tpu.memory_space<vmem>>, vector<1x256xf32>
    %add3A_21 = vector.broadcast %get3A_20 : vector<1x256xf32> to vector<584x256xf32>
    %add3A_22 = arith.addf %dot_general3A_17, %add3A_21 : vector<584x256xf32>
    %swap3A = arith.constant 0 : index
    %swap3A_23 = arith.constant 0 : index
    %swap3A_24 = vector.load %arg43[%swap3A, %swap3A_23] : memref<5840x256xf32, #tpu.memory_space<vmem>>, vector<584x256xf32>
    tpu.vector_store %arg43[%swap3A, %swap3A_23], %add3A_22 {strides = array<i32>} : memref<5840x256xf32, #tpu.memory_space<vmem>>, vector<584x256xf32>,
    %get3A_25 = arith.constant 1168 : index
    %get3A_26 = arith.constant 0 : index
    %get3A_27 = vector.load %arg0[%get3A_25, %get3A_26] : memref<6656x256xf32, #tpu.memory_space<vmem>>, vector<584x256xf32>
    %get3A_28 = arith.constant 0 : index
    %get3A_29 = arith.constant 0 : index
    %get3A_30 = vector.load %arg2[%get3A_28, %get3A_29] : memref<256x256xf32, #tpu.memory_space<vmem>>, vector<256x256xf32>
    %dot_general3A_31 = arith.constant dense<0.000000e+00> : vector<584x256xf32>
    %dot_general3A_32 = tpu.matmul %get3A_27, %get3A_30, %dot_general3A_31 {dimension_numbers = #tpu.dot_dimension_numbers<[1], [0], [0], [1], [0, 0, 1, 1], [], []>, transpose_lhs_hint = false} : vector<584x256xf32>, vector<256x256xf32>, vector<584x256xf32> -> vector<584x256xf32>
    %get3A_33 = arith.constant 0 : index
    %get3A_34 = arith.constant 0 : index
    %get3A_35 = vector.load %arg3[%get3A_33, %get3A_34] : memref<1x256xf32, #tpu.memory_space<vmem>>, vector<1x256xf32>
    %add3A_36 = vector.broadcast %get3A_35 : vector<1x256xf32> to vector<584x256xf32>
    %add3A_37 = arith.addf %dot_general3A_32, %add3A_36 : vector<584x256xf32>
    %swap3A_38 = arith.constant 584 : index
    %swap3A_39 = arith.constant 0 : index
    %swap3A_40 = vector.load %arg43[%swap3A_38, %swap3A_39] : memref<5840x256xf32, #tpu.memory_space<vmem>>, vector<584x256xf32>
    tpu.vector_store %arg43[%swap3A_38, %swap3A_39], %add3A_37 {strides = array<i32>} : memref<5840x256xf32, #tpu.memory_space<vmem>>, vector<584x256xf32>,
    %get3A_41 = arith.constant 1752 : index
    %get3A_42 = arith.constant 0 : index
    %get3A_43 = vector.load %arg0[%get3A_41, %get3A_42] : memref<6656x256xf32, #tpu.memory_space<vmem>>, vector<584x256xf32>
    %get3A_44 = arith.constant 0 : index
    %get3A_45 = arith.constant 0 : index
    %get3A_46 = vector.load %arg2[%get3A_44, %get3A_45] : memref<256x256xf32, #tpu.memory_space<vmem>>, vector<256x256xf32>
    %dot_general3A_47 = arith.constant dense<0.000000e+00> : vector<584x256xf32>
    %dot_general3A_48 = tpu.matmul %get3A_43, %get3A_46, %dot_general3A_47 {dimension_numbers = #tpu.dot_dimension_numbers<[1], [0], [0], [1], [0, 0, 1, 1], [], []>, transpose_lhs_hint = false} : vector<584x256xf32>, vector<256x256xf32>, vector<584x256xf32> -> vector<584x256xf32>
    %get3A_49 = arith.constant 0 : index
    %get3A_50 = arith.constant 0 : index
    %get3A_51 = vector.load %arg3[%get3A_49, %get3A_50] : memref<1x256xf32, #tpu.memory_space<vmem>>, vector<1x256xf32>
    %add3A_52 = vector.broadcast %get3A_51 : vector<1x256xf32> to vector<584x256xf32>
    %add3A_53 = arith.addf %dot_general3A_48, %add3A_52 : vector<584x256xf32>
    %swap3A_54 = arith.constant 1168 : index
    %swap3A_55 = arith.constant 0 : index
    %swap3A_56 = vector.load %arg43[%swap3A_54, %swap3A_55] : memref<5840x256xf32, #tpu.memory_space<vmem>>, vector<584x256xf32>
    tpu.vector_store %arg43[%swap3A_54, %swap3A_55], %add3A_53 {strides = array<i32>} : memref<5840x256xf32, #tpu.memory_space<vmem>>, vector<584x256xf32>,
    %get3A_57 = arith.constant 2336 : index
    %get3A_58 = arith.constant 0 : index
    %get3A_59 = vector.load %arg0[%get3A_57, %get3A_58] : memref<6656x256xf32, #tpu.memory_space<vmem>>, vector<584x256xf32>
    %get3A_60 = arith.constant 0 : index
    %get3A_61 = arith.constant 0 : index
    %get3A_62 = vector.load %arg2[%get3A_60, %get3A_61] : memref<256x256xf32, #tpu.memory_space<vmem>>, vector<256x256xf32>
    %dot_general3A_63 = arith.constant dense<0.000000e+00> : vector<584x256xf32>
    %dot_general3A_64 = tpu.matmul %get3A_59, %get3A_62, %dot_general3A_63 {dimension_numbers = #tpu.dot_dimension_numbers<[1], [0], [0], [1], [0, 0, 1, 1], [], []>, transpose_lhs_hint = false} : vector<584x256xf32>, vector<256x256xf32>, vector<584x256xf32> -> vector<584x256xf32>
    %get3A_65 = arith.constant 0 : index
    %get3A_66 = arith.constant 0 : index
    %get3A_67 = vector.load %arg3[%get3A_65, %get3A_66] : memref<1x256xf32, #tpu.memory_space<vmem>>, vector<1x256xf32>
    %add3A_68 = vector.broadcast %get3A_67 : vector<1x256xf32> to vector<584x256xf32>
    %add3A_69 = arith.addf %dot_general3A_64, %add3A_68 : vector<584x256xf32>
    %swap3A_70 = arith.constant 1752 : index
    %swap3A_71 = arith.constant 0 : index
    %swap3A_72 = vector.load %arg43[%swap3A_70, %swap3A_71] : memref<5840x256xf32, #tpu.memory_space<vmem>>, vector<584x256xf32>
    tpu.vector_store %arg43[%swap3A_70, %swap3A_71], %add3A_69 {strides = array<i32>} : memref<5840x256xf32, #tpu.memory_space<vmem>>, vector<584x256xf32>,
    %get3A_73 = arith.constant 2920 : index
    %get3A_74 = arith.constant 0 : index
    %get3A_75 = vector.load %arg0[%get3A_73, %get3A_74] : memref<6656x256xf32, #tpu.memory_space<vmem>>, vector<584x256xf32>
    %get3A_76 = arith.constant 0 : index
    %get3A_77 = arith.constant 0 : index
    %get3A_78 = vector.load %arg2[%get3A_76, %get3A_77] : memref<256x256xf32, #tpu.memory_space<vmem>>, vector<256x256xf32>
    %dot_general3A_79 = arith.constant dense<0.000000e+00> : vector<584x256xf32>
    %dot_general3A_80 = tpu.matmul %get3A_75, %get3A_78, %dot_general3A_79 {dimension_numbers = #tpu.dot_dimension_numbers<[1], [0], [0], [1], [0, 0, 1, 1], [], []>, transpose_lhs_hint = false} : vector<584x256xf32>, vector<256x256xf32>, vector<584x256xf32> -> vector<584x256xf32>
    %get3A_81 = arith.constant 0 : index
    %get3A_82 = arith.constant 0 : index
    %get3A_83 = vector.load %arg3[%get3A_81, %get3A_82] : memref<1x256xf32, #tpu.memory_space<vmem>>, vector<1x256xf32>
    %add3A_84 = vector.broadcast %get3A_83 : vector<1x256xf32> to vector<584x256xf32>
    %add3A_85 = arith.addf %dot_general3A_80, %add3A_84 : vector<584x256xf32>
    %swap3A_86 = arith.constant 2336 : index
    %swap3A_87 = arith.constant 0 : index
    %swap3A_88 = vector.load %arg43[%swap3A_86, %swap3A_87] : memref<5840x256xf32, #tpu.memory_space<vmem>>, vector<584x256xf32>
    tpu.vector_store %arg43[%swap3A_86, %swap3A_87], %add3A_85 {strides = array<i32>} : memref<5840x256xf32, #tpu.memory_space<vmem>>, vector<584x256xf32>,
    %get3A_89 = arith.constant 3504 : index
    %get3A_90 = arith.constant 0 : index
    %get3A_91 = vector.load %arg0[%get3A_89, %get3A_90] : memref<6656x256xf32, #tpu.memory_space<vmem>>, vector<584x256xf32>
    %get3A_92 = arith.constant 0 : index
    %get3A_93 = arith.constant 0 : index
    %get3A_94 = vector.load %arg2[%get3A_92, %get3A_93] : memref<256x256xf32, #tpu.memory_space<vmem>>, vector<256x256xf32>
    %dot_general3A_95 = arith.constant dense<0.000000e+00> : vector<584x256xf32>
    %dot_general3A_96 = tpu.matmul %get3A_91, %get3A_94, %dot_general3A_95 {dimension_numbers = #tpu.dot_dimension_numbers<[1], [0], [0], [1], [0, 0, 1, 1], [], []>, transpose_lhs_hint = false} : vector<584x256xf32>, vector<256x256xf32>, vector<584x256xf32> -> vector<584x256xf32>
    %get3A_97 = arith.constant 0 : index
    %get3A_98 = arith.constant 0 : index
    %get3A_99 = vector.load %arg3[%get3A_97, %get3A_98] : memref<1x256xf32, #tpu.memory_space<vmem>>, vector<1x256xf32>
    %add3A_100 = vector.broadcast %get3A_99 : vector<1x256xf32> to vector<584x256xf32>
    %add3A_101 = arith.addf %dot_general3A_96, %add3A_100 : vector<584x256xf32>
    %swap3A_102 = arith.constant 2920 : index
    %swap3A_103 = arith.constant 0 : index
    %swap3A_104 = vector.load %arg43[%swap3A_102, %swap3A_103] : memref<5840x256xf32, #tpu.memory_space<vmem>>, vector<584x256xf32>
    tpu.vector_store %arg43[%swap3A_102, %swap3A_103], %add3A_101 {strides = array<i32>} : memref<5840x256xf32, #tpu.memory_space<vmem>>, vector<584x256xf32>,
    %get3A_105 = arith.constant 4088 : index
    %get3A_106 = arith.constant 0 : index
    %get3A_107 = vector.load %arg0[%get3A_105, %get3A_106] : memref<6656x256xf32, #tpu.memory_space<vmem>>, vector<584x256xf32>
    %get3A_108 = arith.constant 0 : index
    %get3A_109 = arith.constant 0 : index
    %get3A_110 = vector.load %arg2[%get3A_108, %get3A_109] : memref<256x256xf32, #tpu.memory_space<vmem>>, vector<256x256xf32>
    %dot_general3A_111 = arith.constant dense<0.000000e+00> : vector<584x256xf32>
    %dot_general3A_112 = tpu.matmul %get3A_107, %get3A_110, %dot_general3A_111 {dimension_numbers = #tpu.dot_dimension_numbers<[1], [0], [0], [1], [0, 0, 1, 1], [], []>, transpose_lhs_hint = false} : vector<584x256xf32>, vector<256x256xf32>, vector<584x256xf32> -> vector<584x256xf32>
    %get3A_113 = arith.constant 0 : index
    %get3A_114 = arith.constant 0 : index
    %get3A_115 = vector.load %arg3[%get3A_113, %get3A_114] : memref<1x256xf32, #tpu.memory_space<vmem>>, vector<1x256xf32>
    %add3A_116 = vector.broadcast %get3A_115 : vector<1x256xf32> to vector<584x256xf32>
    %add3A_117 = arith.addf %dot_general3A_112, %add3A_116 : vector<584x256xf32>
    %swap3A_118 = arith.constant 3504 : index
    %swap3A_119 = arith.constant 0 : index
    %swap3A_120 = vector.load %arg43[%swap3A_118, %swap3A_119] : memref<5840x256xf32, #tpu.memory_space<vmem>>, vector<584x256xf32>
    tpu.vector_store %arg43[%swap3A_118, %swap3A_119], %add3A_117 {strides = array<i32>} : memref<5840x256xf32, #tpu.memory_space<vmem>>, vector<584x256xf32>,
    %get3A_121 = arith.constant 4672 : index
    %get3A_122 = arith.constant 0 : index
    %get3A_123 = vector.load %arg0[%get3A_121, %get3A_122] : memref<6656x256xf32, #tpu.memory_space<vmem>>, vector<584x256xf32>
    %get3A_124 = arith.constant 0 : index
    %get3A_125 = arith.constant 0 : index
    %get3A_126 = vector.load %arg2[%get3A_124, %get3A_125] : memref<256x256xf32, #tpu.memory_space<vmem>>, vector<256x256xf32>
    %dot_general3A_127 = arith.constant dense<0.000000e+00> : vector<584x256xf32>
    %dot_general3A_128 = tpu.matmul %get3A_123, %get3A_126, %dot_general3A_127 {dimension_numbers = #tpu.dot_dimension_numbers<[1], [0], [0], [1], [0, 0, 1, 1], [], []>, transpose_lhs_hint = false} : vector<584x256xf32>, vector<256x256xf32>, vector<584x256xf32> -> vector<584x256xf32>
    %get3A_129 = arith.constant 0 : index
    %get3A_130 = arith.constant 0 : index
    %get3A_131 = vector.load %arg3[%get3A_129, %get3A_130] : memref<1x256xf32, #tpu.memory_space<vmem>>, vector<1x256xf32>
    %add3A_132 = vector.broadcast %get3A_131 : vector<1x256xf32> to vector<584x256xf32>
    %add3A_133 = arith.addf %dot_general3A_128, %add3A_132 : vector<584x256xf32>
    %swap3A_134 = arith.constant 4088 : index
    %swap3A_135 = arith.constant 0 : index
    %swap3A_136 = vector.load %arg43[%swap3A_134, %swap3A_135] : memref<5840x256xf32, #tpu.memory_space<vmem>>, vector<584x256xf32>
    tpu.vector_store %arg43[%swap3A_134, %swap3A_135], %add3A_133 {strides = array<i32>} : memref<5840x256xf32, #tpu.memory_space<vmem>>, vector<584x256xf32>,
    %get3A_137 = arith.constant 5256 : index
    %get3A_138 = arith.constant 0 : index
    %get3A_139 = vector.load %arg0[%get3A_137, %get3A_138] : memref<6656x256xf32, #tpu.memory_space<vmem>>, vector<584x256xf32>
    %get3A_140 = arith.constant 0 : index
    %get3A_141 = arith.constant 0 : index
    %get3A_142 = vector.load %arg2[%get3A_140, %get3A_141] : memref<256x256xf32, #tpu.memory_space<vmem>>, vector<256x256xf32>
    %dot_general3A_143 = arith.constant dense<0.000000e+00> : vector<584x256xf32>
    %dot_general3A_144 = tpu.matmul %get3A_139, %get3A_142, %dot_general3A_143 {dimension_numbers = #tpu.dot_dimension_numbers<[1], [0], [0], [1], [0, 0, 1, 1], [], []>, transpose_lhs_hint = false} : vector<584x256xf32>, vector<256x256xf32>, vector<584x256xf32> -> vector<584x256xf32>
    %get3A_145 = arith.constant 0 : index
    %get3A_146 = arith.constant 0 : index
    %get3A_147 = vector.load %arg3[%get3A_145, %get3A_146] : memref<1x256xf32, #tpu.memory_space<vmem>>, vector<1x256xf32>
    %add3A_148 = vector.broadcast %get3A_147 : vector<1x256xf32> to vector<584x256xf32>
    %add3A_149 = arith.addf %dot_general3A_144, %add3A_148 : vector<584x256xf32>
    %swap3A_150 = arith.constant 4672 : index
    %swap3A_151 = arith.constant 0 : index
    %swap3A_152 = vector.load %arg43[%swap3A_150, %swap3A_151] : memref<5840x256xf32, #tpu.memory_space<vmem>>, vector<584x256xf32>
    tpu.vector_store %arg43[%swap3A_150, %swap3A_151], %add3A_149 {strides = array<i32>} : memref<5840x256xf32, #tpu.memory_space<vmem>>, vector<584x256xf32>,
    %get3A_153 = arith.constant 5840 : index
    %get3A_154 = arith.constant 0 : index
    %get3A_155 = vector.load %arg0[%get3A_153, %get3A_154] : memref<6656x256xf32, #tpu.memory_space<vmem>>, vector<584x256xf32>
    %get3A_156 = arith.constant 0 : index
    %get3A_157 = arith.constant 0 : index
    %get3A_158 = vector.load %arg2[%get3A_156, %get3A_157] : memref<256x256xf32, #tpu.memory_space<vmem>>, vector<256x256xf32>
    %dot_general3A_159 = arith.constant dense<0.000000e+00> : vector<584x256xf32>
    %dot_general3A_160 = tpu.matmul %get3A_155, %get3A_158, %dot_general3A_159 {dimension_numbers = #tpu.dot_dimension_numbers<[1], [0], [0], [1], [0, 0, 1, 1], [], []>, transpose_lhs_hint = false} : vector<584x256xf32>, vector<256x256xf32>, vector<584x256xf32> -> vector<584x256xf32>
    %get3A_161 = arith.constant 0 : index
    %get3A_162 = arith.constant 0 : index
    %get3A_163 = vector.load %arg3[%get3A_161, %get3A_162] : memref<1x256xf32, #tpu.memory_space<vmem>>, vector<1x256xf32>
    %add3A_164 = vector.broadcast %get3A_163 : vector<1x256xf32> to vector<584x256xf32>
    %add3A_165 = arith.addf %dot_general3A_160, %add3A_164 : vector<584x256xf32>
    %swap3A_166 = arith.constant 5256 : index
    %swap3A_167 = arith.constant 0 : index
    %swap3A_168 = vector.load %arg43[%swap3A_166, %swap3A_167] : memref<5840x256xf32, #tpu.memory_space<vmem>>, vector<584x256xf32>
    tpu.vector_store %arg43[%swap3A_166, %swap3A_167], %add3A_165 {strides = array<i32>} : memref<5840x256xf32, #tpu.memory_space<vmem>>, vector<584x256xf32>,
    %get3A_169 = arith.constant 0 : index
    %get3A_170 = arith.constant 0 : index
    %get3A_171 = vector.load %arg1[%get3A_169, %get3A_170] : memref<6656x128xf32, #tpu.memory_space<vmem>>, vector<584x128xf32>
    %get3A_172 = arith.constant 0 : index
    %get3A_173 = arith.constant 0 : index
    %get3A_174 = vector.load %arg6[%get3A_172, %get3A_173] : memref<128x64xf32, #tpu.memory_space<vmem>>, vector<128x64xf32>
    %dot_general3A_175 = arith.constant dense<0.000000e+00> : vector<584x64xf32>
    %dot_general3A_176 = tpu.matmul %get3A_171, %get3A_174, %dot_general3A_175 {dimension_numbers = #tpu.dot_dimension_numbers<[1], [0], [0], [1], [0, 0, 1, 1], [], []>, transpose_lhs_hint = false} : vector<584x128xf32>, vector<128x64xf32>, vector<584x64xf32> -> vector<584x64xf32>
    %get3A_177 = arith.constant 584 : index
    %get3A_178 = arith.constant 0 : index
    %get3A_179 = vector.load %arg1[%get3A_177, %get3A_178] : memref<6656x128xf32, #tpu.memory_space<vmem>>, vector<584x128xf32>
    %get3A_180 = arith.constant 0 : index
    %get3A_181 = arith.constant 0 : index
    %get3A_182 = vector.load %arg6[%get3A_180, %get3A_181] : memref<128x64xf32, #tpu.memory_space<vmem>>, vector<128x64xf32>
    %dot_general3A_183 = arith.constant dense<0.000000e+00> : vector<584x64xf32>
    %dot_general3A_184 = tpu.matmul %get3A_179, %get3A_182, %dot_general3A_183 {dimension_numbers = #tpu.dot_dimension_numbers<[1], [0], [0], [1], [0, 0, 1, 1], [], []>, transpose_lhs_hint = false} : vector<584x128xf32>, vector<128x64xf32>, vector<584x64xf32> -> vector<584x64xf32>
    %sub3A = arith.subf %dot_general3A_184, %dot_general3A_176 : vector<584x64xf32>
    %swap3A_185 = arith.constant 0 : index
    %swap3A_186 = arith.constant 0 : index
    %swap3A_187 = vector.load %arg44[%swap3A_185, %swap3A_186] : memref<5840x64xf32, #tpu.memory_space<vmem>>, vector<584x64xf32>
    tpu.vector_store %arg44[%swap3A_185, %swap3A_186], %sub3A {strides = array<i32>} : memref<5840x64xf32, #tpu.memory_space<vmem>>, vector<584x64xf32>,
    %get3A_188 = arith.constant 1168 : index
    %get3A_189 = arith.constant 0 : index
    %get3A_190 = vector.load %arg1[%get3A_188, %get3A_189] : memref<6656x128xf32, #tpu.memory_space<vmem>>, vector<584x128xf32>
    %get3A_191 = arith.constant 0 : index
    %get3A_192 = arith.constant 0 : index
    %get3A_193 = vector.load %arg6[%get3A_191, %get3A_192] : memref<128x64xf32, #tpu.memory_space<vmem>>, vector<128x64xf32>
    %dot_general3A_194 = arith.constant dense<0.000000e+00> : vector<584x64xf32>
    %dot_general3A_195 = tpu.matmul %get3A_190, %get3A_193, %dot_general3A_194 {dimension_numbers = #tpu.dot_dimension_numbers<[1], [0], [0], [1], [0, 0, 1, 1], [], []>, transpose_lhs_hint = false} : vector<584x128xf32>, vector<128x64xf32>, vector<584x64xf32> -> vector<584x64xf32>
    %sub3A_196 = arith.subf %dot_general3A_195, %dot_general3A_176 : vector<584x64xf32>
    %swap3A_197 = arith.constant 584 : index
    %swap3A_198 = arith.constant 0 : index
    %swap3A_199 = vector.load %arg44[%swap3A_197, %swap3A_198] : memref<5840x64xf32, #tpu.memory_space<vmem>>, vector<584x64xf32>
    tpu.vector_store %arg44[%swap3A_197, %swap3A_198], %sub3A_196 {strides = array<i32>} : memref<5840x64xf32, #tpu.memory_space<vmem>>, vector<584x64xf32>,
    %get3A_200 = arith.constant 1752 : index
    %get3A_201 = arith.constant 0 : index
    %get3A_202 = vector.load %arg1[%get3A_200, %get3A_201] : memref<6656x128xf32, #tpu.memory_space<vmem>>, vector<584x128xf32>
    %get3A_203 = arith.constant 0 : index
    %get3A_204 = arith.constant 0 : index
    %get3A_205 = vector.load %arg6[%get3A_203, %get3A_204] : memref<128x64xf32, #tpu.memory_space<vmem>>, vector<128x64xf32>
    %dot_general3A_206 = arith.constant dense<0.000000e+00> : vector<584x64xf32>
    %dot_general3A_207 = tpu.matmul %get3A_202, %get3A_205, %dot_general3A_206 {dimension_numbers = #tpu.dot_dimension_numbers<[1], [0], [0], [1], [0, 0, 1, 1], [], []>, transpose_lhs_hint = false} : vector<584x128xf32>, vector<128x64xf32>, vector<584x64xf32> -> vector<584x64xf32>
    %sub3A_208 = arith.subf %dot_general3A_207, %dot_general3A_176 : vector<584x64xf32>
    %swap3A_209 = arith.constant 1168 : index
    %swap3A_210 = arith.constant 0 : index
    %swap3A_211 = vector.load %arg44[%swap3A_209, %swap3A_210] : memref<5840x64xf32, #tpu.memory_space<vmem>>, vector<584x64xf32>
    tpu.vector_store %arg44[%swap3A_209, %swap3A_210], %sub3A_208 {strides = array<i32>} : memref<5840x64xf32, #tpu.memory_space<vmem>>, vector<584x64xf32>,
    %get3A_212 = arith.constant 2336 : index
    %get3A_213 = arith.constant 0 : index
    %get3A_214 = vector.load %arg1[%get3A_212, %get3A_213] : memref<6656x128xf32, #tpu.memory_space<vmem>>, vector<584x128xf32>
    %get3A_215 = arith.constant 0 : index
    %get3A_216 = arith.constant 0 : index
    %get3A_217 = vector.load %arg6[%get3A_215, %get3A_216] : memref<128x64xf32, #tpu.memory_space<vmem>>, vector<128x64xf32>
    %dot_general3A_218 = arith.constant dense<0.000000e+00> : vector<584x64xf32>
    %dot_general3A_219 = tpu.matmul %get3A_214, %get3A_217, %dot_general3A_218 {dimension_numbers = #tpu.dot_dimension_numbers<[1], [0], [0], [1], [0, 0, 1, 1], [], []>, transpose_lhs_hint = false} : vector<584x128xf32>, vector<128x64xf32>, vector<584x64xf32> -> vector<584x64xf32>
    %sub3A_220 = arith.subf %dot_general3A_219, %dot_general3A_176 : vector<584x64xf32>
    %swap3A_221 = arith.constant 1752 : index
    %swap3A_222 = arith.constant 0 : index
    %swap3A_223 = vector.load %arg44[%swap3A_221, %swap3A_222] : memref<5840x64xf32, #tpu.memory_space<vmem>>, vector<584x64xf32>
    tpu.vector_store %arg44[%swap3A_221, %swap3A_222], %sub3A_220 {strides = array<i32>} : memref<5840x64xf32, #tpu.memory_space<vmem>>, vector<584x64xf32>,
    %get3A_224 = arith.constant 2920 : index
    %get3A_225 = arith.constant 0 : index
    %get3A_226 = vector.load %arg1[%get3A_224, %get3A_225] : memref<6656x128xf32, #tpu.memory_space<vmem>>, vector<584x128xf32>
    %get3A_227 = arith.constant 0 : index
    %get3A_228 = arith.constant 0 : index
    %get3A_229 = vector.load %arg6[%get3A_227, %get3A_228] : memref<128x64xf32, #tpu.memory_space<vmem>>, vector<128x64xf32>
    %dot_general3A_230 = arith.constant dense<0.000000e+00> : vector<584x64xf32>
    %dot_general3A_231 = tpu.matmul %get3A_226, %get3A_229, %dot_general3A_230 {dimension_numbers = #tpu.dot_dimension_numbers<[1], [0], [0], [1], [0, 0, 1, 1], [], []>, transpose_lhs_hint = false} : vector<584x128xf32>, vector<128x64xf32>, vector<584x64xf32> -> vector<584x64xf32>
    %sub3A_232 = arith.subf %dot_general3A_231, %dot_general3A_176 : vector<584x64xf32>
    %swap3A_233 = arith.constant 2336 : index
    %swap3A_234 = arith.constant 0 : index
    %swap3A_235 = vector.load %arg44[%swap3A_233, %swap3A_234] : memref<5840x64xf32, #tpu.memory_space<vmem>>, vector<584x64xf32>
    tpu.vector_store %arg44[%swap3A_233, %swap3A_234], %sub3A_232 {strides = array<i32>} : memref<5840x64xf32, #tpu.memory_space<vmem>>, vector<584x64xf32>,
    %get3A_236 = arith.constant 3504 : index
    %get3A_237 = arith.constant 0 : index
    %get3A_238 = vector.load %arg1[%get3A_236, %get3A_237] : memref<6656x128xf32, #tpu.memory_space<vmem>>, vector<584x128xf32>
    %get3A_239 = arith.constant 0 : index
    %get3A_240 = arith.constant 0 : index
    %get3A_241 = vector.load %arg6[%get3A_239, %get3A_240] : memref<128x64xf32, #tpu.memory_space<vmem>>, vector<128x64xf32>
    %dot_general3A_242 = arith.constant dense<0.000000e+00> : vector<584x64xf32>
    %dot_general3A_243 = tpu.matmul %get3A_238, %get3A_241, %dot_general3A_242 {dimension_numbers = #tpu.dot_dimension_numbers<[1], [0], [0], [1], [0, 0, 1, 1], [], []>, transpose_lhs_hint = false} : vector<584x128xf32>, vector<128x64xf32>, vector<584x64xf32> -> vector<584x64xf32>
    %sub3A_244 = arith.subf %dot_general3A_243, %dot_general3A_176 : vector<584x64xf32>
    %swap3A_245 = arith.constant 2920 : index
    %swap3A_246 = arith.constant 0 : index
    %swap3A_247 = vector.load %arg44[%swap3A_245, %swap3A_246] : memref<5840x64xf32, #tpu.memory_space<vmem>>, vector<584x64xf32>
    tpu.vector_store %arg44[%swap3A_245, %swap3A_246], %sub3A_244 {strides = array<i32>} : memref<5840x64xf32, #tpu.memory_space<vmem>>, vector<584x64xf32>,
    %get3A_248 = arith.constant 4088 : index
    %get3A_249 = arith.constant 0 : index
    %get3A_250 = vector.load %arg1[%get3A_248, %get3A_249] : memref<6656x128xf32, #tpu.memory_space<vmem>>, vector<584x128xf32>
    %get3A_251 = arith.constant 0 : index
    %get3A_252 = arith.constant 0 : index
    %get3A_253 = vector.load %arg6[%get3A_251, %get3A_252] : memref<128x64xf32, #tpu.memory_space<vmem>>, vector<128x64xf32>
    %dot_general3A_254 = arith.constant dense<0.000000e+00> : vector<584x64xf32>
    %dot_general3A_255 = tpu.matmul %get3A_250, %get3A_253, %dot_general3A_254 {dimension_numbers = #tpu.dot_dimension_numbers<[1], [0], [0], [1], [0, 0, 1, 1], [], []>, transpose_lhs_hint = false} : vector<584x128xf32>, vector<128x64xf32>, vector<584x64xf32> -> vector<584x64xf32>
    %sub3A_256 = arith.subf %dot_general3A_255, %dot_general3A_176 : vector<584x64xf32>
    %swap3A_257 = arith.constant 3504 : index
    %swap3A_258 = arith.constant 0 : index
    %swap3A_259 = vector.load %arg44[%swap3A_257, %swap3A_258] : memref<5840x64xf32, #tpu.memory_space<vmem>>, vector<584x64xf32>
    tpu.vector_store %arg44[%swap3A_257, %swap3A_258], %sub3A_256 {strides = array<i32>} : memref<5840x64xf32, #tpu.memory_space<vmem>>, vector<584x64xf32>,
    %get3A_260 = arith.constant 4672 : index
    %get3A_261 = arith.constant 0 : index
    %get3A_262 = vector.load %arg1[%get3A_260, %get3A_261] : memref<6656x128xf32, #tpu.memory_space<vmem>>, vector<584x128xf32>
    %get3A_263 = arith.constant 0 : index
    %get3A_264 = arith.constant 0 : index
    %get3A_265 = vector.load %arg6[%get3A_263, %get3A_264] : memref<128x64xf32, #tpu.memory_space<vmem>>, vector<128x64xf32>
    %dot_general3A_266 = arith.constant dense<0.000000e+00> : vector<584x64xf32>
    %dot_general3A_267 = tpu.matmul %get3A_262, %get3A_265, %dot_general3A_266 {dimension_numbers = #tpu.dot_dimension_numbers<[1], [0], [0], [1], [0, 0, 1, 1], [], []>, transpose_lhs_hint = false} : vector<584x128xf32>, vector<128x64xf32>, vector<584x64xf32> -> vector<584x64xf32>
    %sub3A_268 = arith.subf %dot_general3A_267, %dot_general3A_176 : vector<584x64xf32>
    %swap3A_269 = arith.constant 4088 : index
    %swap3A_270 = arith.constant 0 : index
    %swap3A_271 = vector.load %arg44[%swap3A_269, %swap3A_270] : memref<5840x64xf32, #tpu.memory_space<vmem>>, vector<584x64xf32>
    tpu.vector_store %arg44[%swap3A_269, %swap3A_270], %sub3A_268 {strides = array<i32>} : memref<5840x64xf32, #tpu.memory_space<vmem>>, vector<584x64xf32>,
    %get3A_272 = arith.constant 5256 : index
    %get3A_273 = arith.constant 0 : index
    %get3A_274 = vector.load %arg1[%get3A_272, %get3A_273] : memref<6656x128xf32, #tpu.memory_space<vmem>>, vector<584x128xf32>
    %get3A_275 = arith.constant 0 : index
    %get3A_276 = arith.constant 0 : index
    %get3A_277 = vector.load %arg6[%get3A_275, %get3A_276] : memref<128x64xf32, #tpu.memory_space<vmem>>, vector<128x64xf32>
    %dot_general3A_278 = arith.constant dense<0.000000e+00> : vector<584x64xf32>
    %dot_general3A_279 = tpu.matmul %get3A_274, %get3A_277, %dot_general3A_278 {dimension_numbers = #tpu.dot_dimension_numbers<[1], [0], [0], [1], [0, 0, 1, 1], [], []>, transpose_lhs_hint = false} : vector<584x128xf32>, vector<128x64xf32>, vector<584x64xf32> -> vector<584x64xf32>
    %sub3A_280 = arith.subf %dot_general3A_279, %dot_general3A_176 : vector<584x64xf32>
    %swap3A_281 = arith.constant 4672 : index
    %swap3A_282 = arith.constant 0 : index
    %swap3A_283 = vector.load %arg44[%swap3A_281, %swap3A_282] : memref<5840x64xf32, #tpu.memory_space<vmem>>, vector<584x64xf32>
    tpu.vector_store %arg44[%swap3A_281, %swap3A_282], %sub3A_280 {strides = array<i32>} : memref<5840x64xf32, #tpu.memory_space<vmem>>, vector<584x64xf32>,
    %get3A_284 = arith.constant 5840 : index
    %get3A_285 = arith.constant 0 : index
    %get3A_286 = vector.load %arg1[%get3A_284, %get3A_285] : memref<6656x128xf32, #tpu.memory_space<vmem>>, vector<584x128xf32>
    %get3A_287 = arith.constant 0 : index
    %get3A_288 = arith.constant 0 : index
    %get3A_289 = vector.load %arg6[%get3A_287, %get3A_288] : memref<128x64xf32, #tpu.memory_space<vmem>>, vector<128x64xf32>
    %dot_general3A_290 = arith.constant dense<0.000000e+00> : vector<584x64xf32>
    %dot_general3A_291 = tpu.matmul %get3A_286, %get3A_289, %dot_general3A_290 {dimension_numbers = #tpu.dot_dimension_numbers<[1], [0], [0], [1], [0, 0, 1, 1], [], []>, transpose_lhs_hint = false} : vector<584x128xf32>, vector<128x64xf32>, vector<584x64xf32> -> vector<584x64xf32>
    %sub3A_292 = arith.subf %dot_general3A_291, %dot_general3A_176 : vector<584x64xf32>
    %swap3A_293 = arith.constant 5256 : index
    %swap3A_294 = arith.constant 0 : index
    %swap3A_295 = vector.load %arg44[%swap3A_293, %swap3A_294] : memref<5840x64xf32, #tpu.memory_space<vmem>>, vector<584x64xf32>
    tpu.vector_store %arg44[%swap3A_293, %swap3A_294], %sub3A_292 {strides = array<i32>} : memref<5840x64xf32, #tpu.memory_space<vmem>>, vector<584x64xf32>,
    %get3A_296 = arith.constant 0 : index
    %get3A_297 = arith.constant 0 : index
    %get3A_298 = vector.load %arg16[%get3A_296, %get3A_297] : memref<128x64xf32, #tpu.memory_space<vmem>>, vector<128x64xf32>
    %dot_general3A_299 = arith.constant dense<0.000000e+00> : vector<584x64xf32>
    %dot_general3A_300 = tpu.matmul %get3A_171, %get3A_298, %dot_general3A_299 {dimension_numbers = #tpu.dot_dimension_numbers<[1], [0], [0], [1], [0, 0, 1, 1], [], []>, transpose_lhs_hint = false} : vector<584x128xf32>, vector<128x64xf32>, vector<584x64xf32> -> vector<584x64xf32>
    %get3A_301 = arith.constant 0 : index
    %get3A_302 = arith.constant 0 : index
    %get3A_303 = vector.load %arg8[%get3A_301, %get3A_302] : memref<256x256xf32, #tpu.memory_space<vmem>>, vector<256x256xf32>
    %dot_general3A_304 = arith.constant dense<0.000000e+00> : vector<584x256xf32>
    %dot_general3A_305 = tpu.matmul %add3A_9, %get3A_303, %dot_general3A_304 {dimension_numbers = #tpu.dot_dimension_numbers<[1], [0], [0], [1], [0, 0, 1, 1], [], []>, transpose_lhs_hint = false} : vector<584x256xf32>, vector<256x256xf32>, vector<584x256xf32> -> vector<584x256xf32>
    %get3A_306 = arith.constant 0 : index
    %get3A_307 = arith.constant 0 : index
    %get3A_308 = vector.load %arg9[%get3A_306, %get3A_307] : memref<1x256xf32, #tpu.memory_space<vmem>>, vector<1x256xf32>
    %add3A_309 = vector.broadcast %get3A_308 : vector<1x256xf32> to vector<584x256xf32>
    %add3A_310 = arith.addf %dot_general3A_305, %add3A_309 : vector<584x256xf32>
    %get3A_311 = arith.constant 0 : index
    %get3A_312 = arith.constant 0 : index
    %get3A_313 = vector.load %arg43[%get3A_311, %get3A_312] : memref<5840x256xf32, #tpu.memory_space<vmem>>, vector<584x256xf32>
    %get3A_314 = arith.constant 0 : index
    %get3A_315 = arith.constant 0 : index
    %get3A_316 = vector.load %arg10[%get3A_314, %get3A_315] : memref<256x256xf32, #tpu.memory_space<vmem>>, vector<256x256xf32>
    %dot_general3A_317 = arith.constant dense<0.000000e+00> : vector<584x256xf32>
    %dot_general3A_318 = tpu.matmul %get3A_313, %get3A_316, %dot_general3A_317 {dimension_numbers = #tpu.dot_dimension_numbers<[1], [0], [0], [1], [0, 0, 1, 1], [], []>, transpose_lhs_hint = false} : vector<584x256xf32>, vector<256x256xf32>, vector<584x256xf32> -> vector<584x256xf32>
    %get3A_319 = arith.constant 0 : index
    %get3A_320 = arith.constant 0 : index
    %get3A_321 = vector.load %arg11[%get3A_319, %get3A_320] : memref<1x256xf32, #tpu.memory_space<vmem>>, vector<1x256xf32>
    %add3A_322 = vector.broadcast %get3A_321 : vector<1x256xf32> to vector<584x256xf32>
    %add3A_323 = arith.addf %dot_general3A_318, %add3A_322 : vector<584x256xf32>
    %mul3A = arith.mulf %add3A_310, %add3A_323 : vector<584x256xf32>
    %get3A_324 = arith.constant 0 : index
    %get3A_325 = arith.constant 0 : index
    %get3A_326 = vector.load %arg4[%get3A_324, %get3A_325] : memref<256x4xf32, #tpu.memory_space<vmem>>, vector<256x4xf32>
    %dot_general3A_327 = arith.constant dense<0.000000e+00> : vector<584x4xf32>
    %dot_general3A_328 = tpu.matmul %mul3A, %get3A_326, %dot_general3A_327 {dimension_numbers = #tpu.dot_dimension_numbers<[1], [0], [0], [1], [0, 0, 1, 1], [], []>, transpose_lhs_hint = false} : vector<584x256xf32>, vector<256x4xf32>, vector<584x4xf32> -> vector<584x4xf32>
    %mul3A_329 = arith.constant 1.250000e-01 : f32
    %mul3A_330 = vector.broadcast %mul3A_329 : f32 to vector<584x4xf32>
    %mul3A_331 = arith.mulf %dot_general3A_328, %mul3A_330 : vector<584x4xf32>
    %get3A_332 = arith.constant 0 : index
    %get3A_333 = arith.constant 0 : index
    %get3A_334 = vector.load %arg44[%get3A_332, %get3A_333] : memref<5840x64xf32, #tpu.memory_space<vmem>>, vector<584x64xf32>
    %mul3A_335 = arith.mulf %get3A_334, %dot_general3A_300 : vector<584x64xf32>
    %get3A_336 = arith.constant 0 : index
    %get3A_337 = arith.constant 0 : index
    %get3A_338 = vector.load %arg5[%get3A_336, %get3A_337] : memref<64x4xf32, #tpu.memory_space<vmem>>, vector<64x4xf32>
    %dot_general3A_339 = arith.constant dense<0.000000e+00> : vector<584x4xf32>
    %dot_general3A_340 = tpu.matmul %mul3A_335, %get3A_338, %dot_general3A_339 {dimension_numbers = #tpu.dot_dimension_numbers<[1], [0], [0], [1], [0, 0, 1, 1], [], []>, transpose_lhs_hint = false} : vector<584x64xf32>, vector<64x4xf32>, vector<584x4xf32> -> vector<584x4xf32>
    %add3A_341 = arith.addf %mul3A_331, %dot_general3A_340 : vector<584x4xf32>
    %get3A_342 = arith.constant 584 : index
    %get3A_343 = arith.constant 0 : index
    %get3A_344 = vector.load %arg43[%get3A_342, %get3A_343] : memref<5840x256xf32, #tpu.memory_space<vmem>>, vector<584x256xf32>
    %get3A_345 = arith.constant 0 : index
    %get3A_346 = arith.constant 0 : index
    %get3A_347 = vector.load %arg10[%get3A_345, %get3A_346] : memref<256x256xf32, #tpu.memory_space<vmem>>, vector<256x256xf32>
    %dot_general3A_348 = arith.constant dense<0.000000e+00> : vector<584x256xf32>
    %dot_general3A_349 = tpu.matmul %get3A_344, %get3A_347, %dot_general3A_348 {dimension_numbers = #tpu.dot_dimension_numbers<[1], [0], [0], [1], [0, 0, 1, 1], [], []>, transpose_lhs_hint = false} : vector<584x256xf32>, vector<256x256xf32>, vector<584x256xf32> -> vector<584x256xf32>
    %get3A_350 = arith.constant 0 : index
    %get3A_351 = arith.constant 0 : index
    %get3A_352 = vector.load %arg11[%get3A_350, %get3A_351] : memref<1x256xf32, #tpu.memory_space<vmem>>, vector<1x256xf32>
    %add3A_353 = vector.broadcast %get3A_352 : vector<1x256xf32> to vector<584x256xf32>
    %add3A_354 = arith.addf %dot_general3A_349, %add3A_353 : vector<584x256xf32>
    %mul3A_355 = arith.mulf %add3A_310, %add3A_354 : vector<584x256xf32>
    %get3A_356 = arith.constant 0 : index
    %get3A_357 = arith.constant 0 : index
    %get3A_358 = vector.load %arg4[%get3A_356, %get3A_357] : memref<256x4xf32, #tpu.memory_space<vmem>>, vector<256x4xf32>
    %dot_general3A_359 = arith.constant dense<0.000000e+00> : vector<584x4xf32>
    %dot_general3A_360 = tpu.matmul %mul3A_355, %get3A_358, %dot_general3A_359 {dimension_numbers = #tpu.dot_dimension_numbers<[1], [0], [0], [1], [0, 0, 1, 1], [], []>, transpose_lhs_hint = false} : vector<584x256xf32>, vector<256x4xf32>, vector<584x4xf32> -> vector<584x4xf32>
    %mul3A_361 = arith.constant 1.250000e-01 : f32
    %mul3A_362 = vector.broadcast %mul3A_361 : f32 to vector<584x4xf32>
    %mul3A_363 = arith.mulf %dot_general3A_360, %mul3A_362 : vector<584x4xf32>
    %get3A_364 = arith.constant 584 : index
    %get3A_365 = arith.constant 0 : index
    %get3A_366 = vector.load %arg44[%get3A_364, %get3A_365] : memref<5840x64xf32, #tpu.memory_space<vmem>>, vector<584x64xf32>
    %mul3A_367 = arith.mulf %get3A_366, %dot_general3A_300 : vector<584x64xf32>
    %get3A_368 = arith.constant 0 : index
    %get3A_369 = arith.constant 0 : index
    %get3A_370 = vector.load %arg5[%get3A_368, %get3A_369] : memref<64x4xf32, #tpu.memory_space<vmem>>, vector<64x4xf32>
    %dot_general3A_371 = arith.constant dense<0.000000e+00> : vector<584x4xf32>
    %dot_general3A_372 = tpu.matmul %mul3A_367, %get3A_370, %dot_general3A_371 {dimension_numbers = #tpu.dot_dimension_numbers<[1], [0], [0], [1], [0, 0, 1, 1], [], []>, transpose_lhs_hint = false} : vector<584x64xf32>, vector<64x4xf32>, vector<584x4xf32> -> vector<584x4xf32>
    %add3A_373 = arith.addf %mul3A_363, %dot_general3A_372 : vector<584x4xf32>
    %get3A_374 = arith.constant 1168 : index
    %get3A_375 = arith.constant 0 : index
    %get3A_376 = vector.load %arg43[%get3A_374, %get3A_375] : memref<5840x256xf32, #tpu.memory_space<vmem>>, vector<584x256xf32>
    %get3A_377 = arith.constant 0 : index
    %get3A_378 = arith.constant 0 : index
    %get3A_379 = vector.load %arg10[%get3A_377, %get3A_378] : memref<256x256xf32, #tpu.memory_space<vmem>>, vector<256x256xf32>
    %dot_general3A_380 = arith.constant dense<0.000000e+00> : vector<584x256xf32>
    %dot_general3A_381 = tpu.matmul %get3A_376, %get3A_379, %dot_general3A_380 {dimension_numbers = #tpu.dot_dimension_numbers<[1], [0], [0], [1], [0, 0, 1, 1], [], []>, transpose_lhs_hint = false} : vector<584x256xf32>, vector<256x256xf32>, vector<584x256xf32> -> vector<584x256xf32>
    %get3A_382 = arith.constant 0 : index
    %get3A_383 = arith.constant 0 : index
    %get3A_384 = vector.load %arg11[%get3A_382, %get3A_383] : memref<1x256xf32, #tpu.memory_space<vmem>>, vector<1x256xf32>
    %add3A_385 = vector.broadcast %get3A_384 : vector<1x256xf32> to vector<584x256xf32>
    %add3A_386 = arith.addf %dot_general3A_381, %add3A_385 : vector<584x256xf32>
    %mul3A_387 = arith.mulf %add3A_310, %add3A_386 : vector<584x256xf32>
    %get3A_388 = arith.constant 0 : index
    %get3A_389 = arith.constant 0 : index
    %get3A_390 = vector.load %arg4[%get3A_388, %get3A_389] : memref<256x4xf32, #tpu.memory_space<vmem>>, vector<256x4xf32>
    %dot_general3A_391 = arith.constant dense<0.000000e+00> : vector<584x4xf32>
    %dot_general3A_392 = tpu.matmul %mul3A_387, %get3A_390, %dot_general3A_391 {dimension_numbers = #tpu.dot_dimension_numbers<[1], [0], [0], [1], [0, 0, 1, 1], [], []>, transpose_lhs_hint = false} : vector<584x256xf32>, vector<256x4xf32>, vector<584x4xf32> -> vector<584x4xf32>
    %mul3A_393 = arith.constant 1.250000e-01 : f32
    %mul3A_394 = vector.broadcast %mul3A_393 : f32 to vector<584x4xf32>
    %mul3A_395 = arith.mulf %dot_general3A_392, %mul3A_394 : vector<584x4xf32>
    %get3A_396 = arith.constant 1168 : index
    %get3A_397 = arith.constant 0 : index
    %get3A_398 = vector.load %arg44[%get3A_396, %get3A_397] : memref<5840x64xf32, #tpu.memory_space<vmem>>, vector<584x64xf32>
    %mul3A_399 = arith.mulf %get3A_398, %dot_general3A_300 : vector<584x64xf32>
    %get3A_400 = arith.constant 0 : index
    %get3A_401 = arith.constant 0 : index
    %get3A_402 = vector.load %arg5[%get3A_400, %get3A_401] : memref<64x4xf32, #tpu.memory_space<vmem>>, vector<64x4xf32>
    %dot_general3A_403 = arith.constant dense<0.000000e+00> : vector<584x4xf32>
    %dot_general3A_404 = tpu.matmul %mul3A_399, %get3A_402, %dot_general3A_403 {dimension_numbers = #tpu.dot_dimension_numbers<[1], [0], [0], [1], [0, 0, 1, 1], [], []>, transpose_lhs_hint = false} : vector<584x64xf32>, vector<64x4xf32>, vector<584x4xf32> -> vector<584x4xf32>
    %add3A_405 = arith.addf %mul3A_395, %dot_general3A_404 : vector<584x4xf32>
    %get3A_406 = arith.constant 1752 : index
    %get3A_407 = arith.constant 0 : index
    %get3A_408 = vector.load %arg43[%get3A_406, %get3A_407] : memref<5840x256xf32, #tpu.memory_space<vmem>>, vector<584x256xf32>
    %get3A_409 = arith.constant 0 : index
    %get3A_410 = arith.constant 0 : index
    %get3A_411 = vector.load %arg10[%get3A_409, %get3A_410] : memref<256x256xf32, #tpu.memory_space<vmem>>, vector<256x256xf32>
    %dot_general3A_412 = arith.constant dense<0.000000e+00> : vector<584x256xf32>
    %dot_general3A_413 = tpu.matmul %get3A_408, %get3A_411, %dot_general3A_412 {dimension_numbers = #tpu.dot_dimension_numbers<[1], [0], [0], [1], [0, 0, 1, 1], [], []>, transpose_lhs_hint = false} : vector<584x256xf32>, vector<256x256xf32>, vector<584x256xf32> -> vector<584x256xf32>
    %get3A_414 = arith.constant 0 : index
    %get3A_415 = arith.constant 0 : index
    %get3A_416 = vector.load %arg11[%get3A_414, %get3A_415] : memref<1x256xf32, #tpu.memory_space<vmem>>, vector<1x256xf32>
    %add3A_417 = vector.broadcast %get3A_416 : vector<1x256xf32> to vector<584x256xf32>
    %add3A_418 = arith.addf %dot_general3A_413, %add3A_417 : vector<584x256xf32>
    %mul3A_419 = arith.mulf %add3A_310, %add3A_418 : vector<584x256xf32>
    %get3A_420 = arith.constant 0 : index
    %get3A_421 = arith.constant 0 : index
    %get3A_422 = vector.load %arg4[%get3A_420, %get3A_421] : memref<256x4xf32, #tpu.memory_space<vmem>>, vector<256x4xf32>
    %dot_general3A_423 = arith.constant dense<0.000000e+00> : vector<584x4xf32>
    %dot_general3A_424 = tpu.matmul %mul3A_419, %get3A_422, %dot_general3A_423 {dimension_numbers = #tpu.dot_dimension_numbers<[1], [0], [0], [1], [0, 0, 1, 1], [], []>, transpose_lhs_hint = false} : vector<584x256xf32>, vector<256x4xf32>, vector<584x4xf32> -> vector<584x4xf32>
    %mul3A_425 = arith.constant 1.250000e-01 : f32
    %mul3A_426 = vector.broadcast %mul3A_425 : f32 to vector<584x4xf32>
    %mul3A_427 = arith.mulf %dot_general3A_424, %mul3A_426 : vector<584x4xf32>
    %get3A_428 = arith.constant 1752 : index
    %get3A_429 = arith.constant 0 : index
    %get3A_430 = vector.load %arg44[%get3A_428, %get3A_429] : memref<5840x64xf32, #tpu.memory_space<vmem>>, vector<584x64xf32>
    %mul3A_431 = arith.mulf %get3A_430, %dot_general3A_300 : vector<584x64xf32>
    %get3A_432 = arith.constant 0 : index
    %get3A_433 = arith.constant 0 : index
    %get3A_434 = vector.load %arg5[%get3A_432, %get3A_433] : memref<64x4xf32, #tpu.memory_space<vmem>>, vector<64x4xf32>
    %dot_general3A_435 = arith.constant dense<0.000000e+00> : vector<584x4xf32>
    %dot_general3A_436 = tpu.matmul %mul3A_431, %get3A_434, %dot_general3A_435 {dimension_numbers = #tpu.dot_dimension_numbers<[1], [0], [0], [1], [0, 0, 1, 1], [], []>, transpose_lhs_hint = false} : vector<584x64xf32>, vector<64x4xf32>, vector<584x4xf32> -> vector<584x4xf32>
    %add3A_437 = arith.addf %mul3A_427, %dot_general3A_436 : vector<584x4xf32>
    %get3A_438 = arith.constant 2336 : index
    %get3A_439 = arith.constant 0 : index
    %get3A_440 = vector.load %arg43[%get3A_438, %get3A_439] : memref<5840x256xf32, #tpu.memory_space<vmem>>, vector<584x256xf32>
    %get3A_441 = arith.constant 0 : index
    %get3A_442 = arith.constant 0 : index
    %get3A_443 = vector.load %arg10[%get3A_441, %get3A_442] : memref<256x256xf32, #tpu.memory_space<vmem>>, vector<256x256xf32>
    %dot_general3A_444 = arith.constant dense<0.000000e+00> : vector<584x256xf32>
    %dot_general3A_445 = tpu.matmul %get3A_440, %get3A_443, %dot_general3A_444 {dimension_numbers = #tpu.dot_dimension_numbers<[1], [0], [0], [1], [0, 0, 1, 1], [], []>, transpose_lhs_hint = false} : vector<584x256xf32>, vector<256x256xf32>, vector<584x256xf32> -> vector<584x256xf32>
    %get3A_446 = arith.constant 0 : index
    %get3A_447 = arith.constant 0 : index
    %get3A_448 = vector.load %arg11[%get3A_446, %get3A_447] : memref<1x256xf32, #tpu.memory_space<vmem>>, vector<1x256xf32>
    %add3A_449 = vector.broadcast %get3A_448 : vector<1x256xf32> to vector<584x256xf32>
    %add3A_450 = arith.addf %dot_general3A_445, %add3A_449 : vector<584x256xf32>
    %mul3A_451 = arith.mulf %add3A_310, %add3A_450 : vector<584x256xf32>
    %get3A_452 = arith.constant 0 : index
    %get3A_453 = arith.constant 0 : index
    %get3A_454 = vector.load %arg4[%get3A_452, %get3A_453] : memref<256x4xf32, #tpu.memory_space<vmem>>, vector<256x4xf32>
    %dot_general3A_455 = arith.constant dense<0.000000e+00> : vector<584x4xf32>
    %dot_general3A_456 = tpu.matmul %mul3A_451, %get3A_454, %dot_general3A_455 {dimension_numbers = #tpu.dot_dimension_numbers<[1], [0], [0], [1], [0, 0, 1, 1], [], []>, transpose_lhs_hint = false} : vector<584x256xf32>, vector<256x4xf32>, vector<584x4xf32> -> vector<584x4xf32>
    %mul3A_457 = arith.constant 1.250000e-01 : f32
    %mul3A_458 = vector.broadcast %mul3A_457 : f32 to vector<584x4xf32>
    %mul3A_459 = arith.mulf %dot_general3A_456, %mul3A_458 : vector<584x4xf32>
    %get3A_460 = arith.constant 2336 : index
    %get3A_461 = arith.constant 0 : index
    %get3A_462 = vector.load %arg44[%get3A_460, %get3A_461] : memref<5840x64xf32, #tpu.memory_space<vmem>>, vector<584x64xf32>
    %mul3A_463 = arith.mulf %get3A_462, %dot_general3A_300 : vector<584x64xf32>
    %get3A_464 = arith.constant 0 : index
    %get3A_465 = arith.constant 0 : index
    %get3A_466 = vector.load %arg5[%get3A_464, %get3A_465] : memref<64x4xf32, #tpu.memory_space<vmem>>, vector<64x4xf32>
    %dot_general3A_467 = arith.constant dense<0.000000e+00> : vector<584x4xf32>
    %dot_general3A_468 = tpu.matmul %mul3A_463, %get3A_466, %dot_general3A_467 {dimension_numbers = #tpu.dot_dimension_numbers<[1], [0], [0], [1], [0, 0, 1, 1], [], []>, transpose_lhs_hint = false} : vector<584x64xf32>, vector<64x4xf32>, vector<584x4xf32> -> vector<584x4xf32>
    %add3A_469 = arith.addf %mul3A_459, %dot_general3A_468 : vector<584x4xf32>
    %get3A_470 = arith.constant 2920 : index
    %get3A_471 = arith.constant 0 : index
    %get3A_472 = vector.load %arg43[%get3A_470, %get3A_471] : memref<5840x256xf32, #tpu.memory_space<vmem>>, vector<584x256xf32>
    %get3A_473 = arith.constant 0 : index
    %get3A_474 = arith.constant 0 : index
    %get3A_475 = vector.load %arg10[%get3A_473, %get3A_474] : memref<256x256xf32, #tpu.memory_space<vmem>>, vector<256x256xf32>
    %dot_general3A_476 = arith.constant dense<0.000000e+00> : vector<584x256xf32>
    %dot_general3A_477 = tpu.matmul %get3A_472, %get3A_475, %dot_general3A_476 {dimension_numbers = #tpu.dot_dimension_numbers<[1], [0], [0], [1], [0, 0, 1, 1], [], []>, transpose_lhs_hint = false} : vector<584x256xf32>, vector<256x256xf32>, vector<584x256xf32> -> vector<584x256xf32>
    %get3A_478 = arith.constant 0 : index
    %get3A_479 = arith.constant 0 : index
    %get3A_480 = vector.load %arg11[%get3A_478, %get3A_479] : memref<1x256xf32, #tpu.memory_space<vmem>>, vector<1x256xf32>
    %add3A_481 = vector.broadcast %get3A_480 : vector<1x256xf32> to vector<584x256xf32>
    %add3A_482 = arith.addf %dot_general3A_477, %add3A_481 : vector<584x256xf32>
    %mul3A_483 = arith.mulf %add3A_310, %add3A_482 : vector<584x256xf32>
    %get3A_484 = arith.constant 0 : index
    %get3A_485 = arith.constant 0 : index
    %get3A_486 = vector.load %arg4[%get3A_484, %get3A_485] : memref<256x4xf32, #tpu.memory_space<vmem>>, vector<256x4xf32>
    %dot_general3A_487 = arith.constant dense<0.000000e+00> : vector<584x4xf32>
    %dot_general3A_488 = tpu.matmul %mul3A_483, %get3A_486, %dot_general3A_487 {dimension_numbers = #tpu.dot_dimension_numbers<[1], [0], [0], [1], [0, 0, 1, 1], [], []>, transpose_lhs_hint = false} : vector<584x256xf32>, vector<256x4xf32>, vector<584x4xf32> -> vector<584x4xf32>
    %mul3A_489 = arith.constant 1.250000e-01 : f32
    %mul3A_490 = vector.broadcast %mul3A_489 : f32 to vector<584x4xf32>
    %mul3A_491 = arith.mulf %dot_general3A_488, %mul3A_490 : vector<584x4xf32>
    %get3A_492 = arith.constant 2920 : index
    %get3A_493 = arith.constant 0 : index
    %get3A_494 = vector.load %arg44[%get3A_492, %get3A_493] : memref<5840x64xf32, #tpu.memory_space<vmem>>, vector<584x64xf32>
    %mul3A_495 = arith.mulf %get3A_494, %dot_general3A_300 : vector<584x64xf32>
    %get3A_496 = arith.constant 0 : index
    %get3A_497 = arith.constant 0 : index
    %get3A_498 = vector.load %arg5[%get3A_496, %get3A_497] : memref<64x4xf32, #tpu.memory_space<vmem>>, vector<64x4xf32>
    %dot_general3A_499 = arith.constant dense<0.000000e+00> : vector<584x4xf32>
    %dot_general3A_500 = tpu.matmul %mul3A_495, %get3A_498, %dot_general3A_499 {dimension_numbers = #tpu.dot_dimension_numbers<[1], [0], [0], [1], [0, 0, 1, 1], [], []>, transpose_lhs_hint = false} : vector<584x64xf32>, vector<64x4xf32>, vector<584x4xf32> -> vector<584x4xf32>
    %add3A_501 = arith.addf %mul3A_491, %dot_general3A_500 : vector<584x4xf32>
    %get3A_502 = arith.constant 3504 : index
    %get3A_503 = arith.constant 0 : index
    %get3A_504 = vector.load %arg43[%get3A_502, %get3A_503] : memref<5840x256xf32, #tpu.memory_space<vmem>>, vector<584x256xf32>
    %get3A_505 = arith.constant 0 : index
    %get3A_506 = arith.constant 0 : index
    %get3A_507 = vector.load %arg10[%get3A_505, %get3A_506] : memref<256x256xf32, #tpu.memory_space<vmem>>, vector<256x256xf32>
    %dot_general3A_508 = arith.constant dense<0.000000e+00> : vector<584x256xf32>
    %dot_general3A_509 = tpu.matmul %get3A_504, %get3A_507, %dot_general3A_508 {dimension_numbers = #tpu.dot_dimension_numbers<[1], [0], [0], [1], [0, 0, 1, 1], [], []>, transpose_lhs_hint = false} : vector<584x256xf32>, vector<256x256xf32>, vector<584x256xf32> -> vector<584x256xf32>
    %get3A_510 = arith.constant 0 : index
    %get3A_511 = arith.constant 0 : index
    %get3A_512 = vector.load %arg11[%get3A_510, %get3A_511] : memref<1x256xf32, #tpu.memory_space<vmem>>, vector<1x256xf32>
    %add3A_513 = vector.broadcast %get3A_512 : vector<1x256xf32> to vector<584x256xf32>
    %add3A_514 = arith.addf %dot_general3A_509, %add3A_513 : vector<584x256xf32>
    %mul3A_515 = arith.mulf %add3A_310, %add3A_514 : vector<584x256xf32>
    %get3A_516 = arith.constant 0 : index
    %get3A_517 = arith.constant 0 : index
    %get3A_518 = vector.load %arg4[%get3A_516, %get3A_517] : memref<256x4xf32, #tpu.memory_space<vmem>>, vector<256x4xf32>
    %dot_general3A_519 = arith.constant dense<0.000000e+00> : vector<584x4xf32>
    %dot_general3A_520 = tpu.matmul %mul3A_515, %get3A_518, %dot_general3A_519 {dimension_numbers = #tpu.dot_dimension_numbers<[1], [0], [0], [1], [0, 0, 1, 1], [], []>, transpose_lhs_hint = false} : vector<584x256xf32>, vector<256x4xf32>, vector<584x4xf32> -> vector<584x4xf32>
    %mul3A_521 = arith.constant 1.250000e-01 : f32
    %mul3A_522 = vector.broadcast %mul3A_521 : f32 to vector<584x4xf32>
    %mul3A_523 = arith.mulf %dot_general3A_520, %mul3A_522 : vector<584x4xf32>
    %get3A_524 = arith.constant 3504 : index
    %get3A_525 = arith.constant 0 : index
    %get3A_526 = vector.load %arg44[%get3A_524, %get3A_525] : memref<5840x64xf32, #tpu.memory_space<vmem>>, vector<584x64xf32>
    %mul3A_527 = arith.mulf %get3A_526, %dot_general3A_300 : vector<584x64xf32>
    %get3A_528 = arith.constant 0 : index
    %get3A_529 = arith.constant 0 : index
    %get3A_530 = vector.load %arg5[%get3A_528, %get3A_529] : memref<64x4xf32, #tpu.memory_space<vmem>>, vector<64x4xf32>
    %dot_general3A_531 = arith.constant dense<0.000000e+00> : vector<584x4xf32>
    %dot_general3A_532 = tpu.matmul %mul3A_527, %get3A_530, %dot_general3A_531 {dimension_numbers = #tpu.dot_dimension_numbers<[1], [0], [0], [1], [0, 0, 1, 1], [], []>, transpose_lhs_hint = false} : vector<584x64xf32>, vector<64x4xf32>, vector<584x4xf32> -> vector<584x4xf32>
    %add3A_533 = arith.addf %mul3A_523, %dot_general3A_532 : vector<584x4xf32>
    %get3A_534 = arith.constant 4088 : index
    %get3A_535 = arith.constant 0 : index
    %get3A_536 = vector.load %arg43[%get3A_534, %get3A_535] : memref<5840x256xf32, #tpu.memory_space<vmem>>, vector<584x256xf32>
    %get3A_537 = arith.constant 0 : index
    %get3A_538 = arith.constant 0 : index
    %get3A_539 = vector.load %arg10[%get3A_537, %get3A_538] : memref<256x256xf32, #tpu.memory_space<vmem>>, vector<256x256xf32>
    %dot_general3A_540 = arith.constant dense<0.000000e+00> : vector<584x256xf32>
    %dot_general3A_541 = tpu.matmul %get3A_536, %get3A_539, %dot_general3A_540 {dimension_numbers = #tpu.dot_dimension_numbers<[1], [0], [0], [1], [0, 0, 1, 1], [], []>, transpose_lhs_hint = false} : vector<584x256xf32>, vector<256x256xf32>, vector<584x256xf32> -> vector<584x256xf32>
    %get3A_542 = arith.constant 0 : index
    %get3A_543 = arith.constant 0 : index
    %get3A_544 = vector.load %arg11[%get3A_542, %get3A_543] : memref<1x256xf32, #tpu.memory_space<vmem>>, vector<1x256xf32>
    %add3A_545 = vector.broadcast %get3A_544 : vector<1x256xf32> to vector<584x256xf32>
    %add3A_546 = arith.addf %dot_general3A_541, %add3A_545 : vector<584x256xf32>
    %mul3A_547 = arith.mulf %add3A_310, %add3A_546 : vector<584x256xf32>
    %get3A_548 = arith.constant 0 : index
    %get3A_549 = arith.constant 0 : index
    %get3A_550 = vector.load %arg4[%get3A_548, %get3A_549] : memref<256x4xf32, #tpu.memory_space<vmem>>, vector<256x4xf32>
    %dot_general3A_551 = arith.constant dense<0.000000e+00> : vector<584x4xf32>
    %dot_general3A_552 = tpu.matmul %mul3A_547, %get3A_550, %dot_general3A_551 {dimension_numbers = #tpu.dot_dimension_numbers<[1], [0], [0], [1], [0, 0, 1, 1], [], []>, transpose_lhs_hint = false} : vector<584x256xf32>, vector<256x4xf32>, vector<584x4xf32> -> vector<584x4xf32>
    %mul3A_553 = arith.constant 1.250000e-01 : f32
    %mul3A_554 = vector.broadcast %mul3A_553 : f32 to vector<584x4xf32>
    %mul3A_555 = arith.mulf %dot_general3A_552, %mul3A_554 : vector<584x4xf32>
    %get3A_556 = arith.constant 4088 : index
    %get3A_557 = arith.constant 0 : index
    %get3A_558 = vector.load %arg44[%get3A_556, %get3A_557] : memref<5840x64xf32, #tpu.memory_space<vmem>>, vector<584x64xf32>
    %mul3A_559 = arith.mulf %get3A_558, %dot_general3A_300 : vector<584x64xf32>
    %get3A_560 = arith.constant 0 : index
    %get3A_561 = arith.constant 0 : index
    %get3A_562 = vector.load %arg5[%get3A_560, %get3A_561] : memref<64x4xf32, #tpu.memory_space<vmem>>, vector<64x4xf32>
    %dot_general3A_563 = arith.constant dense<0.000000e+00> : vector<584x4xf32>
    %dot_general3A_564 = tpu.matmul %mul3A_559, %get3A_562, %dot_general3A_563 {dimension_numbers = #tpu.dot_dimension_numbers<[1], [0], [0], [1], [0, 0, 1, 1], [], []>, transpose_lhs_hint = false} : vector<584x64xf32>, vector<64x4xf32>, vector<584x4xf32> -> vector<584x4xf32>
    %add3A_565 = arith.addf %mul3A_555, %dot_general3A_564 : vector<584x4xf32>
    %get3A_566 = arith.constant 4672 : index
    %get3A_567 = arith.constant 0 : index
    %get3A_568 = vector.load %arg43[%get3A_566, %get3A_567] : memref<5840x256xf32, #tpu.memory_space<vmem>>, vector<584x256xf32>
    %get3A_569 = arith.constant 0 : index
    %get3A_570 = arith.constant 0 : index
    %get3A_571 = vector.load %arg10[%get3A_569, %get3A_570] : memref<256x256xf32, #tpu.memory_space<vmem>>, vector<256x256xf32>
    %dot_general3A_572 = arith.constant dense<0.000000e+00> : vector<584x256xf32>
    %dot_general3A_573 = tpu.matmul %get3A_568, %get3A_571, %dot_general3A_572 {dimension_numbers = #tpu.dot_dimension_numbers<[1], [0], [0], [1], [0, 0, 1, 1], [], []>, transpose_lhs_hint = false} : vector<584x256xf32>, vector<256x256xf32>, vector<584x256xf32> -> vector<584x256xf32>
    %get3A_574 = arith.constant 0 : index
    %get3A_575 = arith.constant 0 : index
    %get3A_576 = vector.load %arg11[%get3A_574, %get3A_575] : memref<1x256xf32, #tpu.memory_space<vmem>>, vector<1x256xf32>
    %add3A_577 = vector.broadcast %get3A_576 : vector<1x256xf32> to vector<584x256xf32>
    %add3A_578 = arith.addf %dot_general3A_573, %add3A_577 : vector<584x256xf32>
    %mul3A_579 = arith.mulf %add3A_310, %add3A_578 : vector<584x256xf32>
    %get3A_580 = arith.constant 0 : index
    %get3A_581 = arith.constant 0 : index
    %get3A_582 = vector.load %arg4[%get3A_580, %get3A_581] : memref<256x4xf32, #tpu.memory_space<vmem>>, vector<256x4xf32>
    %dot_general3A_583 = arith.constant dense<0.000000e+00> : vector<584x4xf32>
    %dot_general3A_584 = tpu.matmul %mul3A_579, %get3A_582, %dot_general3A_583 {dimension_numbers = #tpu.dot_dimension_numbers<[1], [0], [0], [1], [0, 0, 1, 1], [], []>, transpose_lhs_hint = false} : vector<584x256xf32>, vector<256x4xf32>, vector<584x4xf32> -> vector<584x4xf32>
    %mul3A_585 = arith.constant 1.250000e-01 : f32
    %mul3A_586 = vector.broadcast %mul3A_585 : f32 to vector<584x4xf32>
    %mul3A_587 = arith.mulf %dot_general3A_584, %mul3A_586 : vector<584x4xf32>
    %get3A_588 = arith.constant 4672 : index
    %get3A_589 = arith.constant 0 : index
    %get3A_590 = vector.load %arg44[%get3A_588, %get3A_589] : memref<5840x64xf32, #tpu.memory_space<vmem>>, vector<584x64xf32>
    %mul3A_591 = arith.mulf %get3A_590, %dot_general3A_300 : vector<584x64xf32>
    %get3A_592 = arith.constant 0 : index
    %get3A_593 = arith.constant 0 : index
    %get3A_594 = vector.load %arg5[%get3A_592, %get3A_593] : memref<64x4xf32, #tpu.memory_space<vmem>>, vector<64x4xf32>
    %dot_general3A_595 = arith.constant dense<0.000000e+00> : vector<584x4xf32>
    %dot_general3A_596 = tpu.matmul %mul3A_591, %get3A_594, %dot_general3A_595 {dimension_numbers = #tpu.dot_dimension_numbers<[1], [0], [0], [1], [0, 0, 1, 1], [], []>, transpose_lhs_hint = false} : vector<584x64xf32>, vector<64x4xf32>, vector<584x4xf32> -> vector<584x4xf32>
    %add3A_597 = arith.addf %mul3A_587, %dot_general3A_596 : vector<584x4xf32>
    %get3A_598 = arith.constant 5256 : index
    %get3A_599 = arith.constant 0 : index
    %get3A_600 = vector.load %arg43[%get3A_598, %get3A_599] : memref<5840x256xf32, #tpu.memory_space<vmem>>, vector<584x256xf32>
    %get3A_601 = arith.constant 0 : index
    %get3A_602 = arith.constant 0 : index
    %get3A_603 = vector.load %arg10[%get3A_601, %get3A_602] : memref<256x256xf32, #tpu.memory_space<vmem>>, vector<256x256xf32>
    %dot_general3A_604 = arith.constant dense<0.000000e+00> : vector<584x256xf32>
    %dot_general3A_605 = tpu.matmul %get3A_600, %get3A_603, %dot_general3A_604 {dimension_numbers = #tpu.dot_dimension_numbers<[1], [0], [0], [1], [0, 0, 1, 1], [], []>, transpose_lhs_hint = false} : vector<584x256xf32>, vector<256x256xf32>, vector<584x256xf32> -> vector<584x256xf32>
    %get3A_606 = arith.constant 0 : index
    %get3A_607 = arith.constant 0 : index
    %get3A_608 = vector.load %arg11[%get3A_606, %get3A_607] : memref<1x256xf32, #tpu.memory_space<vmem>>, vector<1x256xf32>
    %add3A_609 = vector.broadcast %get3A_608 : vector<1x256xf32> to vector<584x256xf32>
    %add3A_610 = arith.addf %dot_general3A_605, %add3A_609 : vector<584x256xf32>
    %mul3A_611 = arith.mulf %add3A_310, %add3A_610 : vector<584x256xf32>
    %get3A_612 = arith.constant 0 : index
    %get3A_613 = arith.constant 0 : index
    %get3A_614 = vector.load %arg4[%get3A_612, %get3A_613] : memref<256x4xf32, #tpu.memory_space<vmem>>, vector<256x4xf32>
    %dot_general3A_615 = arith.constant dense<0.000000e+00> : vector<584x4xf32>
    %dot_general3A_616 = tpu.matmul %mul3A_611, %get3A_614, %dot_general3A_615 {dimension_numbers = #tpu.dot_dimension_numbers<[1], [0], [0], [1], [0, 0, 1, 1], [], []>, transpose_lhs_hint = false} : vector<584x256xf32>, vector<256x4xf32>, vector<584x4xf32> -> vector<584x4xf32>
    %mul3A_617 = arith.constant 1.250000e-01 : f32
    %mul3A_618 = vector.broadcast %mul3A_617 : f32 to vector<584x4xf32>
    %mul3A_619 = arith.mulf %dot_general3A_616, %mul3A_618 : vector<584x4xf32>
    %get3A_620 = arith.constant 5256 : index
    %get3A_621 = arith.constant 0 : index
    %get3A_622 = vector.load %arg44[%get3A_620, %get3A_621] : memref<5840x64xf32, #tpu.memory_space<vmem>>, vector<584x64xf32>
    %mul3A_623 = arith.mulf %get3A_622, %dot_general3A_300 : vector<584x64xf32>
    %get3A_624 = arith.constant 0 : index
    %get3A_625 = arith.constant 0 : index
    %get3A_626 = vector.load %arg5[%get3A_624, %get3A_625] : memref<64x4xf32, #tpu.memory_space<vmem>>, vector<64x4xf32>
    %dot_general3A_627 = arith.constant dense<0.000000e+00> : vector<584x4xf32>
    %dot_general3A_628 = tpu.matmul %mul3A_623, %get3A_626, %dot_general3A_627 {dimension_numbers = #tpu.dot_dimension_numbers<[1], [0], [0], [1], [0, 0, 1, 1], [], []>, transpose_lhs_hint = false} : vector<584x64xf32>, vector<64x4xf32>, vector<584x4xf32> -> vector<584x4xf32>
    %add3A_629 = arith.addf %mul3A_619, %dot_general3A_628 : vector<584x4xf32>
    %max3A = arith.maximumf %add3A_341, %add3A_373 : vector<584x4xf32>
    %max3A_630 = arith.maximumf %max3A, %add3A_405 : vector<584x4xf32>
    %max3A_631 = arith.maximumf %max3A_630, %add3A_437 : vector<584x4xf32>
    %max3A_632 = arith.maximumf %max3A_631, %add3A_469 : vector<584x4xf32>
    %max3A_633 = arith.maximumf %max3A_632, %add3A_501 : vector<584x4xf32>
    %max3A_634 = arith.maximumf %max3A_633, %add3A_533 : vector<584x4xf32>
    %max3A_635 = arith.maximumf %max3A_634, %add3A_565 : vector<584x4xf32>
    %max3A_636 = arith.maximumf %max3A_635, %add3A_597 : vector<584x4xf32>
    %max3A_637 = arith.maximumf %max3A_636, %add3A_629 : vector<584x4xf32>
    %sub3A_638 = arith.subf %add3A_341, %max3A_637 : vector<584x4xf32>
    %exp3A = math.exp %sub3A_638 : vector<584x4xf32>
    %sub3A_639 = arith.subf %add3A_373, %max3A_637 : vector<584x4xf32>
    %exp3A_640 = math.exp %sub3A_639 : vector<584x4xf32>
    %sub3A_641 = arith.subf %add3A_405, %max3A_637 : vector<584x4xf32>
    %exp3A_642 = math.exp %sub3A_641 : vector<584x4xf32>
    %sub3A_643 = arith.subf %add3A_437, %max3A_637 : vector<584x4xf32>
    %exp3A_644 = math.exp %sub3A_643 : vector<584x4xf32>
    %sub3A_645 = arith.subf %add3A_469, %max3A_637 : vector<584x4xf32>
    %exp3A_646 = math.exp %sub3A_645 : vector<584x4xf32>
    %sub3A_647 = arith.subf %add3A_501, %max3A_637 : vector<584x4xf32>
    %exp3A_648 = math.exp %sub3A_647 : vector<584x4xf32>
    %sub3A_649 = arith.subf %add3A_533, %max3A_637 : vector<584x4xf32>
    %exp3A_650 = math.exp %sub3A_649 : vector<584x4xf32>
    %sub3A_651 = arith.subf %add3A_565, %max3A_637 : vector<584x4xf32>
    %exp3A_652 = math.exp %sub3A_651 : vector<584x4xf32>
    %sub3A_653 = arith.subf %add3A_597, %max3A_637 : vector<584x4xf32>
    %exp3A_654 = math.exp %sub3A_653 : vector<584x4xf32>
    %sub3A_655 = arith.subf %add3A_629, %max3A_637 : vector<584x4xf32>
    %exp3A_656 = math.exp %sub3A_655 : vector<584x4xf32>
    %add3A_657 = arith.addf %exp3A, %exp3A_640 : vector<584x4xf32>
    %add3A_658 = arith.addf %add3A_657, %exp3A_642 : vector<584x4xf32>
    %add3A_659 = arith.addf %add3A_658, %exp3A_644 : vector<584x4xf32>
    %add3A_660 = arith.addf %add3A_659, %exp3A_646 : vector<584x4xf32>
    %add3A_661 = arith.addf %add3A_660, %exp3A_648 : vector<584x4xf32>
    %add3A_662 = arith.addf %add3A_661, %exp3A_650 : vector<584x4xf32>
    %add3A_663 = arith.addf %add3A_662, %exp3A_652 : vector<584x4xf32>
    %add3A_664 = arith.addf %add3A_663, %exp3A_654 : vector<584x4xf32>
    %add3A_665 = arith.addf %add3A_664, %exp3A_656 : vector<584x4xf32>
    %broadcast_in_dim3A = arith.constant 0.000000e+00 : f32
    %broadcast_in_dim3A_666 = vector.broadcast %broadcast_in_dim3A : f32 to vector<584x256xf32>
    %div3A = arith.divf %exp3A, %add3A_665 : vector<584x4xf32>
    %get3A_667 = arith.constant 0 : index
    %get3A_668 = arith.constant 0 : index
    %get3A_669 = vector.load %arg7[%get3A_667, %get3A_668] : memref<4x256xf32, #tpu.memory_space<vmem>>, vector<4x256xf32>
    %dot_general3A_670 = arith.constant dense<0.000000e+00> : vector<584x256xf32>
    %dot_general3A_671 = tpu.matmul %div3A, %get3A_669, %dot_general3A_670 {dimension_numbers = #tpu.dot_dimension_numbers<[1], [0], [0], [1], [0, 0, 1, 1], [], []>, transpose_lhs_hint = false} : vector<584x4xf32>, vector<4x256xf32>, vector<584x256xf32> -> vector<584x256xf32>
    %get3A_672 = arith.constant 0 : index
    %get3A_673 = arith.constant 0 : index
    %get3A_674 = vector.load %arg43[%get3A_672, %get3A_673] : memref<5840x256xf32, #tpu.memory_space<vmem>>, vector<584x256xf32>
    %get3A_675 = arith.constant 0 : index
    %get3A_676 = arith.constant 0 : index
    %get3A_677 = vector.load %arg12[%get3A_675, %get3A_676] : memref<256x256xf32, #tpu.memory_space<vmem>>, vector<256x256xf32>
    %dot_general3A_678 = arith.constant dense<0.000000e+00> : vector<584x256xf32>
    %dot_general3A_679 = tpu.matmul %get3A_674, %get3A_677, %dot_general3A_678 {dimension_numbers = #tpu.dot_dimension_numbers<[1], [0], [0], [1], [0, 0, 1, 1], [], []>, transpose_lhs_hint = false} : vector<584x256xf32>, vector<256x256xf32>, vector<584x256xf32> -> vector<584x256xf32>
    %get3A_680 = arith.constant 0 : index
    %get3A_681 = arith.constant 0 : index
    %get3A_682 = vector.load %arg13[%get3A_680, %get3A_681] : memref<1x256xf32, #tpu.memory_space<vmem>>, vector<1x256xf32>
    %add3A_683 = vector.broadcast %get3A_682 : vector<1x256xf32> to vector<584x256xf32>
    %add3A_684 = arith.addf %dot_general3A_679, %add3A_683 : vector<584x256xf32>
    %mul3A_685 = arith.mulf %dot_general3A_671, %add3A_684 : vector<584x256xf32>
    %add3A_686 = arith.addf %broadcast_in_dim3A_666, %mul3A_685 : vector<584x256xf32>
    %div3A_687 = arith.divf %exp3A_640, %add3A_665 : vector<584x4xf32>
    %get3A_688 = arith.constant 0 : index
    %get3A_689 = arith.constant 0 : index
    %get3A_690 = vector.load %arg7[%get3A_688, %get3A_689] : memref<4x256xf32, #tpu.memory_space<vmem>>, vector<4x256xf32>
    %dot_general3A_691 = arith.constant dense<0.000000e+00> : vector<584x256xf32>
    %dot_general3A_692 = tpu.matmul %div3A_687, %get3A_690, %dot_general3A_691 {dimension_numbers = #tpu.dot_dimension_numbers<[1], [0], [0], [1], [0, 0, 1, 1], [], []>, transpose_lhs_hint = false} : vector<584x4xf32>, vector<4x256xf32>, vector<584x256xf32> -> vector<584x256xf32>
    %get3A_693 = arith.constant 584 : index
    %get3A_694 = arith.constant 0 : index
    %get3A_695 = vector.load %arg43[%get3A_693, %get3A_694] : memref<5840x256xf32, #tpu.memory_space<vmem>>, vector<584x256xf32>
    %get3A_696 = arith.constant 0 : index
    %get3A_697 = arith.constant 0 : index
    %get3A_698 = vector.load %arg12[%get3A_696, %get3A_697] : memref<256x256xf32, #tpu.memory_space<vmem>>, vector<256x256xf32>
    %dot_general3A_699 = arith.constant dense<0.000000e+00> : vector<584x256xf32>
    %dot_general3A_700 = tpu.matmul %get3A_695, %get3A_698, %dot_general3A_699 {dimension_numbers = #tpu.dot_dimension_numbers<[1], [0], [0], [1], [0, 0, 1, 1], [], []>, transpose_lhs_hint = false} : vector<584x256xf32>, vector<256x256xf32>, vector<584x256xf32> -> vector<584x256xf32>
    %get3A_701 = arith.constant 0 : index
    %get3A_702 = arith.constant 0 : index
    %get3A_703 = vector.load %arg13[%get3A_701, %get3A_702] : memref<1x256xf32, #tpu.memory_space<vmem>>, vector<1x256xf32>
    %add3A_704 = vector.broadcast %get3A_703 : vector<1x256xf32> to vector<584x256xf32>
    %add3A_705 = arith.addf %dot_general3A_700, %add3A_704 : vector<584x256xf32>
    %mul3A_706 = arith.mulf %dot_general3A_692, %add3A_705 : vector<584x256xf32>
    %add3A_707 = arith.addf %add3A_686, %mul3A_706 : vector<584x256xf32>
    %div3A_708 = arith.divf %exp3A_642, %add3A_665 : vector<584x4xf32>
    %get3A_709 = arith.constant 0 : index
    %get3A_710 = arith.constant 0 : index
    %get3A_711 = vector.load %arg7[%get3A_709, %get3A_710] : memref<4x256xf32, #tpu.memory_space<vmem>>, vector<4x256xf32>
    %dot_general3A_712 = arith.constant dense<0.000000e+00> : vector<584x256xf32>
    %dot_general3A_713 = tpu.matmul %div3A_708, %get3A_711, %dot_general3A_712 {dimension_numbers = #tpu.dot_dimension_numbers<[1], [0], [0], [1], [0, 0, 1, 1], [], []>, transpose_lhs_hint = false} : vector<584x4xf32>, vector<4x256xf32>, vector<584x256xf32> -> vector<584x256xf32>
    %get3A_714 = arith.constant 1168 : index
    %get3A_715 = arith.constant 0 : index
    %get3A_716 = vector.load %arg43[%get3A_714, %get3A_715] : memref<5840x256xf32, #tpu.memory_space<vmem>>, vector<584x256xf32>
    %get3A_717 = arith.constant 0 : index
    %get3A_718 = arith.constant 0 : index
    %get3A_719 = vector.load %arg12[%get3A_717, %get3A_718] : memref<256x256xf32, #tpu.memory_space<vmem>>, vector<256x256xf32>
    %dot_general3A_720 = arith.constant dense<0.000000e+00> : vector<584x256xf32>
    %dot_general3A_721 = tpu.matmul %get3A_716, %get3A_719, %dot_general3A_720 {dimension_numbers = #tpu.dot_dimension_numbers<[1], [0], [0], [1], [0, 0, 1, 1], [], []>, transpose_lhs_hint = false} : vector<584x256xf32>, vector<256x256xf32>, vector<584x256xf32> -> vector<584x256xf32>
    %get3A_722 = arith.constant 0 : index
    %get3A_723 = arith.constant 0 : index
    %get3A_724 = vector.load %arg13[%get3A_722, %get3A_723] : memref<1x256xf32, #tpu.memory_space<vmem>>, vector<1x256xf32>
    %add3A_725 = vector.broadcast %get3A_724 : vector<1x256xf32> to vector<584x256xf32>
    %add3A_726 = arith.addf %dot_general3A_721, %add3A_725 : vector<584x256xf32>
    %mul3A_727 = arith.mulf %dot_general3A_713, %add3A_726 : vector<584x256xf32>
    %add3A_728 = arith.addf %add3A_707, %mul3A_727 : vector<584x256xf32>
    %div3A_729 = arith.divf %exp3A_644, %add3A_665 : vector<584x4xf32>
    %get3A_730 = arith.constant 0 : index
    %get3A_731 = arith.constant 0 : index
    %get3A_732 = vector.load %arg7[%get3A_730, %get3A_731] : memref<4x256xf32, #tpu.memory_space<vmem>>, vector<4x256xf32>
    %dot_general3A_733 = arith.constant dense<0.000000e+00> : vector<584x256xf32>
    %dot_general3A_734 = tpu.matmul %div3A_729, %get3A_732, %dot_general3A_733 {dimension_numbers = #tpu.dot_dimension_numbers<[1], [0], [0], [1], [0, 0, 1, 1], [], []>, transpose_lhs_hint = false} : vector<584x4xf32>, vector<4x256xf32>, vector<584x256xf32> -> vector<584x256xf32>
    %get3A_735 = arith.constant 1752 : index
    %get3A_736 = arith.constant 0 : index
    %get3A_737 = vector.load %arg43[%get3A_735, %get3A_736] : memref<5840x256xf32, #tpu.memory_space<vmem>>, vector<584x256xf32>
    %get3A_738 = arith.constant 0 : index
    %get3A_739 = arith.constant 0 : index
    %get3A_740 = vector.load %arg12[%get3A_738, %get3A_739] : memref<256x256xf32, #tpu.memory_space<vmem>>, vector<256x256xf32>
    %dot_general3A_741 = arith.constant dense<0.000000e+00> : vector<584x256xf32>
    %dot_general3A_742 = tpu.matmul %get3A_737, %get3A_740, %dot_general3A_741 {dimension_numbers = #tpu.dot_dimension_numbers<[1], [0], [0], [1], [0, 0, 1, 1], [], []>, transpose_lhs_hint = false} : vector<584x256xf32>, vector<256x256xf32>, vector<584x256xf32> -> vector<584x256xf32>
    %get3A_743 = arith.constant 0 : index
    %get3A_744 = arith.constant 0 : index
    %get3A_745 = vector.load %arg13[%get3A_743, %get3A_744] : memref<1x256xf32, #tpu.memory_space<vmem>>, vector<1x256xf32>
    %add3A_746 = vector.broadcast %get3A_745 : vector<1x256xf32> to vector<584x256xf32>
    %add3A_747 = arith.addf %dot_general3A_742, %add3A_746 : vector<584x256xf32>
    %mul3A_748 = arith.mulf %dot_general3A_734, %add3A_747 : vector<584x256xf32>
    %add3A_749 = arith.addf %add3A_728, %mul3A_748 : vector<584x256xf32>
    %div3A_750 = arith.divf %exp3A_646, %add3A_665 : vector<584x4xf32>
    %get3A_751 = arith.constant 0 : index
    %get3A_752 = arith.constant 0 : index
    %get3A_753 = vector.load %arg7[%get3A_751, %get3A_752] : memref<4x256xf32, #tpu.memory_space<vmem>>, vector<4x256xf32>
    %dot_general3A_754 = arith.constant dense<0.000000e+00> : vector<584x256xf32>
    %dot_general3A_755 = tpu.matmul %div3A_750, %get3A_753, %dot_general3A_754 {dimension_numbers = #tpu.dot_dimension_numbers<[1], [0], [0], [1], [0, 0, 1, 1], [], []>, transpose_lhs_hint = false} : vector<584x4xf32>, vector<4x256xf32>, vector<584x256xf32> -> vector<584x256xf32>
    %get3A_756 = arith.constant 2336 : index
    %get3A_757 = arith.constant 0 : index
    %get3A_758 = vector.load %arg43[%get3A_756, %get3A_757] : memref<5840x256xf32, #tpu.memory_space<vmem>>, vector<584x256xf32>
    %get3A_759 = arith.constant 0 : index
    %get3A_760 = arith.constant 0 : index
    %get3A_761 = vector.load %arg12[%get3A_759, %get3A_760] : memref<256x256xf32, #tpu.memory_space<vmem>>, vector<256x256xf32>
    %dot_general3A_762 = arith.constant dense<0.000000e+00> : vector<584x256xf32>
    %dot_general3A_763 = tpu.matmul %get3A_758, %get3A_761, %dot_general3A_762 {dimension_numbers = #tpu.dot_dimension_numbers<[1], [0], [0], [1], [0, 0, 1, 1], [], []>, transpose_lhs_hint = false} : vector<584x256xf32>, vector<256x256xf32>, vector<584x256xf32> -> vector<584x256xf32>
    %get3A_764 = arith.constant 0 : index
    %get3A_765 = arith.constant 0 : index
    %get3A_766 = vector.load %arg13[%get3A_764, %get3A_765] : memref<1x256xf32, #tpu.memory_space<vmem>>, vector<1x256xf32>
    %add3A_767 = vector.broadcast %get3A_766 : vector<1x256xf32> to vector<584x256xf32>
    %add3A_768 = arith.addf %dot_general3A_763, %add3A_767 : vector<584x256xf32>
    %mul3A_769 = arith.mulf %dot_general3A_755, %add3A_768 : vector<584x256xf32>
    %add3A_770 = arith.addf %add3A_749, %mul3A_769 : vector<584x256xf32>
    %div3A_771 = arith.divf %exp3A_648, %add3A_665 : vector<584x4xf32>
    %get3A_772 = arith.constant 0 : index
    %get3A_773 = arith.constant 0 : index
    %get3A_774 = vector.load %arg7[%get3A_772, %get3A_773] : memref<4x256xf32, #tpu.memory_space<vmem>>, vector<4x256xf32>
    %dot_general3A_775 = arith.constant dense<0.000000e+00> : vector<584x256xf32>
    %dot_general3A_776 = tpu.matmul %div3A_771, %get3A_774, %dot_general3A_775 {dimension_numbers = #tpu.dot_dimension_numbers<[1], [0], [0], [1], [0, 0, 1, 1], [], []>, transpose_lhs_hint = false} : vector<584x4xf32>, vector<4x256xf32>, vector<584x256xf32> -> vector<584x256xf32>
    %get3A_777 = arith.constant 2920 : index
    %get3A_778 = arith.constant 0 : index
    %get3A_779 = vector.load %arg43[%get3A_777, %get3A_778] : memref<5840x256xf32, #tpu.memory_space<vmem>>, vector<584x256xf32>
    %get3A_780 = arith.constant 0 : index
    %get3A_781 = arith.constant 0 : index
    %get3A_782 = vector.load %arg12[%get3A_780, %get3A_781] : memref<256x256xf32, #tpu.memory_space<vmem>>, vector<256x256xf32>
    %dot_general3A_783 = arith.constant dense<0.000000e+00> : vector<584x256xf32>
    %dot_general3A_784 = tpu.matmul %get3A_779, %get3A_782, %dot_general3A_783 {dimension_numbers = #tpu.dot_dimension_numbers<[1], [0], [0], [1], [0, 0, 1, 1], [], []>, transpose_lhs_hint = false} : vector<584x256xf32>, vector<256x256xf32>, vector<584x256xf32> -> vector<584x256xf32>
    %get3A_785 = arith.constant 0 : index
    %get3A_786 = arith.constant 0 : index
    %get3A_787 = vector.load %arg13[%get3A_785, %get3A_786] : memref<1x256xf32, #tpu.memory_space<vmem>>, vector<1x256xf32>
    %add3A_788 = vector.broadcast %get3A_787 : vector<1x256xf32> to vector<584x256xf32>
    %add3A_789 = arith.addf %dot_general3A_784, %add3A_788 : vector<584x256xf32>
    %mul3A_790 = arith.mulf %dot_general3A_776, %add3A_789 : vector<584x256xf32>
    %add3A_791 = arith.addf %add3A_770, %mul3A_790 : vector<584x256xf32>
    %div3A_792 = arith.divf %exp3A_650, %add3A_665 : vector<584x4xf32>
    %get3A_793 = arith.constant 0 : index
    %get3A_794 = arith.constant 0 : index
    %get3A_795 = vector.load %arg7[%get3A_793, %get3A_794] : memref<4x256xf32, #tpu.memory_space<vmem>>, vector<4x256xf32>
    %dot_general3A_796 = arith.constant dense<0.000000e+00> : vector<584x256xf32>
    %dot_general3A_797 = tpu.matmul %div3A_792, %get3A_795, %dot_general3A_796 {dimension_numbers = #tpu.dot_dimension_numbers<[1], [0], [0], [1], [0, 0, 1, 1], [], []>, transpose_lhs_hint = false} : vector<584x4xf32>, vector<4x256xf32>, vector<584x256xf32> -> vector<584x256xf32>
    %get3A_798 = arith.constant 3504 : index
    %get3A_799 = arith.constant 0 : index
    %get3A_800 = vector.load %arg43[%get3A_798, %get3A_799] : memref<5840x256xf32, #tpu.memory_space<vmem>>, vector<584x256xf32>
    %get3A_801 = arith.constant 0 : index
    %get3A_802 = arith.constant 0 : index
    %get3A_803 = vector.load %arg12[%get3A_801, %get3A_802] : memref<256x256xf32, #tpu.memory_space<vmem>>, vector<256x256xf32>
    %dot_general3A_804 = arith.constant dense<0.000000e+00> : vector<584x256xf32>
    %dot_general3A_805 = tpu.matmul %get3A_800, %get3A_803, %dot_general3A_804 {dimension_numbers = #tpu.dot_dimension_numbers<[1], [0], [0], [1], [0, 0, 1, 1], [], []>, transpose_lhs_hint = false} : vector<584x256xf32>, vector<256x256xf32>, vector<584x256xf32> -> vector<584x256xf32>
    %get3A_806 = arith.constant 0 : index
    %get3A_807 = arith.constant 0 : index
    %get3A_808 = vector.load %arg13[%get3A_806, %get3A_807] : memref<1x256xf32, #tpu.memory_space<vmem>>, vector<1x256xf32>
    %add3A_809 = vector.broadcast %get3A_808 : vector<1x256xf32> to vector<584x256xf32>
    %add3A_810 = arith.addf %dot_general3A_805, %add3A_809 : vector<584x256xf32>
    %mul3A_811 = arith.mulf %dot_general3A_797, %add3A_810 : vector<584x256xf32>
    %add3A_812 = arith.addf %add3A_791, %mul3A_811 : vector<584x256xf32>
    %div3A_813 = arith.divf %exp3A_652, %add3A_665 : vector<584x4xf32>
    %get3A_814 = arith.constant 0 : index
    %get3A_815 = arith.constant 0 : index
    %get3A_816 = vector.load %arg7[%get3A_814, %get3A_815] : memref<4x256xf32, #tpu.memory_space<vmem>>, vector<4x256xf32>
    %dot_general3A_817 = arith.constant dense<0.000000e+00> : vector<584x256xf32>
    %dot_general3A_818 = tpu.matmul %div3A_813, %get3A_816, %dot_general3A_817 {dimension_numbers = #tpu.dot_dimension_numbers<[1], [0], [0], [1], [0, 0, 1, 1], [], []>, transpose_lhs_hint = false} : vector<584x4xf32>, vector<4x256xf32>, vector<584x256xf32> -> vector<584x256xf32>
    %get3A_819 = arith.constant 4088 : index
    %get3A_820 = arith.constant 0 : index
    %get3A_821 = vector.load %arg43[%get3A_819, %get3A_820] : memref<5840x256xf32, #tpu.memory_space<vmem>>, vector<584x256xf32>
    %get3A_822 = arith.constant 0 : index
    %get3A_823 = arith.constant 0 : index
    %get3A_824 = vector.load %arg12[%get3A_822, %get3A_823] : memref<256x256xf32, #tpu.memory_space<vmem>>, vector<256x256xf32>
    %dot_general3A_825 = arith.constant dense<0.000000e+00> : vector<584x256xf32>
    %dot_general3A_826 = tpu.matmul %get3A_821, %get3A_824, %dot_general3A_825 {dimension_numbers = #tpu.dot_dimension_numbers<[1], [0], [0], [1], [0, 0, 1, 1], [], []>, transpose_lhs_hint = false} : vector<584x256xf32>, vector<256x256xf32>, vector<584x256xf32> -> vector<584x256xf32>
    %get3A_827 = arith.constant 0 : index
    %get3A_828 = arith.constant 0 : index
    %get3A_829 = vector.load %arg13[%get3A_827, %get3A_828] : memref<1x256xf32, #tpu.memory_space<vmem>>, vector<1x256xf32>
    %add3A_830 = vector.broadcast %get3A_829 : vector<1x256xf32> to vector<584x256xf32>
    %add3A_831 = arith.addf %dot_general3A_826, %add3A_830 : vector<584x256xf32>
    %mul3A_832 = arith.mulf %dot_general3A_818, %add3A_831 : vector<584x256xf32>
    %add3A_833 = arith.addf %add3A_812, %mul3A_832 : vector<584x256xf32>
    %div3A_834 = arith.divf %exp3A_654, %add3A_665 : vector<584x4xf32>
    %get3A_835 = arith.constant 0 : index
    %get3A_836 = arith.constant 0 : index
    %get3A_837 = vector.load %arg7[%get3A_835, %get3A_836] : memref<4x256xf32, #tpu.memory_space<vmem>>, vector<4x256xf32>
    %dot_general3A_838 = arith.constant dense<0.000000e+00> : vector<584x256xf32>
    %dot_general3A_839 = tpu.matmul %div3A_834, %get3A_837, %dot_general3A_838 {dimension_numbers = #tpu.dot_dimension_numbers<[1], [0], [0], [1], [0, 0, 1, 1], [], []>, transpose_lhs_hint = false} : vector<584x4xf32>, vector<4x256xf32>, vector<584x256xf32> -> vector<584x256xf32>
    %get3A_840 = arith.constant 4672 : index
    %get3A_841 = arith.constant 0 : index
    %get3A_842 = vector.load %arg43[%get3A_840, %get3A_841] : memref<5840x256xf32, #tpu.memory_space<vmem>>, vector<584x256xf32>
    %get3A_843 = arith.constant 0 : index
    %get3A_844 = arith.constant 0 : index
    %get3A_845 = vector.load %arg12[%get3A_843, %get3A_844] : memref<256x256xf32, #tpu.memory_space<vmem>>, vector<256x256xf32>
    %dot_general3A_846 = arith.constant dense<0.000000e+00> : vector<584x256xf32>
    %dot_general3A_847 = tpu.matmul %get3A_842, %get3A_845, %dot_general3A_846 {dimension_numbers = #tpu.dot_dimension_numbers<[1], [0], [0], [1], [0, 0, 1, 1], [], []>, transpose_lhs_hint = false} : vector<584x256xf32>, vector<256x256xf32>, vector<584x256xf32> -> vector<584x256xf32>
    %get3A_848 = arith.constant 0 : index
    %get3A_849 = arith.constant 0 : index
    %get3A_850 = vector.load %arg13[%get3A_848, %get3A_849] : memref<1x256xf32, #tpu.memory_space<vmem>>, vector<1x256xf32>
    %add3A_851 = vector.broadcast %get3A_850 : vector<1x256xf32> to vector<584x256xf32>
    %add3A_852 = arith.addf %dot_general3A_847, %add3A_851 : vector<584x256xf32>
    %mul3A_853 = arith.mulf %dot_general3A_839, %add3A_852 : vector<584x256xf32>
    %add3A_854 = arith.addf %add3A_833, %mul3A_853 : vector<584x256xf32>
    %div3A_855 = arith.divf %exp3A_656, %add3A_665 : vector<584x4xf32>
    %get3A_856 = arith.constant 0 : index
    %get3A_857 = arith.constant 0 : index
    %get3A_858 = vector.load %arg7[%get3A_856, %get3A_857] : memref<4x256xf32, #tpu.memory_space<vmem>>, vector<4x256xf32>
    %dot_general3A_859 = arith.constant dense<0.000000e+00> : vector<584x256xf32>
    %dot_general3A_860 = tpu.matmul %div3A_855, %get3A_858, %dot_general3A_859 {dimension_numbers = #tpu.dot_dimension_numbers<[1], [0], [0], [1], [0, 0, 1, 1], [], []>, transpose_lhs_hint = false} : vector<584x4xf32>, vector<4x256xf32>, vector<584x256xf32> -> vector<584x256xf32>
    %get3A_861 = arith.constant 5256 : index
    %get3A_862 = arith.constant 0 : index
    %get3A_863 = vector.load %arg43[%get3A_861, %get3A_862] : memref<5840x256xf32, #tpu.memory_space<vmem>>, vector<584x256xf32>
    %get3A_864 = arith.constant 0 : index
    %get3A_865 = arith.constant 0 : index
    %get3A_866 = vector.load %arg12[%get3A_864, %get3A_865] : memref<256x256xf32, #tpu.memory_space<vmem>>, vector<256x256xf32>
    %dot_general3A_867 = arith.constant dense<0.000000e+00> : vector<584x256xf32>
    %dot_general3A_868 = tpu.matmul %get3A_863, %get3A_866, %dot_general3A_867 {dimension_numbers = #tpu.dot_dimension_numbers<[1], [0], [0], [1], [0, 0, 1, 1], [], []>, transpose_lhs_hint = false} : vector<584x256xf32>, vector<256x256xf32>, vector<584x256xf32> -> vector<584x256xf32>
    %get3A_869 = arith.constant 0 : index
    %get3A_870 = arith.constant 0 : index
    %get3A_871 = vector.load %arg13[%get3A_869, %get3A_870] : memref<1x256xf32, #tpu.memory_space<vmem>>, vector<1x256xf32>
    %add3A_872 = vector.broadcast %get3A_871 : vector<1x256xf32> to vector<584x256xf32>
    %add3A_873 = arith.addf %dot_general3A_868, %add3A_872 : vector<584x256xf32>
    %mul3A_874 = arith.mulf %dot_general3A_860, %add3A_873 : vector<584x256xf32>
    %add3A_875 = arith.addf %add3A_854, %mul3A_874 : vector<584x256xf32>
    %get3A_876 = arith.constant 0 : index
    %get3A_877 = arith.constant 0 : index
    %get3A_878 = vector.load %arg14[%get3A_876, %get3A_877] : memref<256x256xf32, #tpu.memory_space<vmem>>, vector<256x256xf32>
    %dot_general3A_879 = arith.constant dense<0.000000e+00> : vector<584x256xf32>
    %dot_general3A_880 = tpu.matmul %add3A_875, %get3A_878, %dot_general3A_879 {dimension_numbers = #tpu.dot_dimension_numbers<[1], [0], [0], [1], [0, 0, 1, 1], [], []>, transpose_lhs_hint = false} : vector<584x256xf32>, vector<256x256xf32>, vector<584x256xf32> -> vector<584x256xf32>
    %get3A_881 = arith.constant 0 : index
    %get3A_882 = arith.constant 0 : index
    %get3A_883 = vector.load %arg15[%get3A_881, %get3A_882] : memref<1x256xf32, #tpu.memory_space<vmem>>, vector<1x256xf32>
    %add3A_884 = vector.broadcast %get3A_883 : vector<1x256xf32> to vector<584x256xf32>
    %add3A_885 = arith.addf %dot_general3A_880, %add3A_884 : vector<584x256xf32>
    %add3A_886 = arith.addf %add3A_9, %add3A_885 : vector<584x256xf32>
    %get3A_887 = arith.constant 0 : index
    %get3A_888 = arith.constant 0 : index
    %get3A_889 = vector.load %arg21[%get3A_887, %get3A_888] : memref<1x256xf32, #tpu.memory_space<vmem>>, vector<1x256xf32>
    %get3A_890 = arith.constant 0 : index
    %get3A_891 = arith.constant 0 : index
    %get3A_892 = vector.load %arg22[%get3A_890, %get3A_891] : memref<1x256xf32, #tpu.memory_space<vmem>>, vector<1x256xf32>
    %reduce_sum3A = arith.constant dense<0.000000e+00> : vector<584xf32>
    %reduce_sum3A_893 = vector.multi_reduction <add>, %add3A_886, %reduce_sum3A [1] : vector<584x256xf32> to vector<584xf32>
    %broadcast_in_dim3A_894 = vector.shape_cast %reduce_sum3A_893 : vector<584xf32> to vector<584x1xf32>
    %div3A_895 = arith.constant 2.560000e+02 : f32
    %div3A_896 = vector.broadcast %div3A_895 : f32 to vector<584x1xf32>
    %div3A_897 = arith.divf %broadcast_in_dim3A_894, %div3A_896 : vector<584x1xf32>
    %sub3A_898 = vector.broadcast %div3A_897 : vector<584x1xf32> to vector<584x256xf32>
    %sub3A_899 = arith.subf %add3A_886, %sub3A_898 : vector<584x256xf32>
    %sub3A_900 = vector.broadcast %div3A_897 : vector<584x1xf32> to vector<584x256xf32>
    %sub3A_901 = arith.subf %add3A_886, %sub3A_900 : vector<584x256xf32>
    %mul3A_902 = arith.mulf %sub3A_899, %sub3A_901 : vector<584x256xf32>
    %reduce_sum3A_903 = arith.constant dense<0.000000e+00> : vector<584xf32>
    %reduce_sum3A_904 = vector.multi_reduction <add>, %mul3A_902, %reduce_sum3A_903 [1] : vector<584x256xf32> to vector<584xf32>
    %broadcast_in_dim3A_905 = vector.shape_cast %reduce_sum3A_904 : vector<584xf32> to vector<584x1xf32>
    %div3A_906 = arith.constant 2.560000e+02 : f32
    %div3A_907 = vector.broadcast %div3A_906 : f32 to vector<584x1xf32>
    %div3A_908 = arith.divf %broadcast_in_dim3A_905, %div3A_907 : vector<584x1xf32>
    %sub3A_909 = vector.broadcast %div3A_897 : vector<584x1xf32> to vector<584x256xf32>
    %sub3A_910 = arith.subf %add3A_886, %sub3A_909 : vector<584x256xf32>
    %add3A_911 = arith.constant 9.99999974E-6 : f32
    %add3A_912 = vector.broadcast %add3A_911 : f32 to vector<584x1xf32>
    %add3A_913 = arith.addf %div3A_908, %add3A_912 : vector<584x1xf32>
    %sqrt3A = math.sqrt %add3A_913 : vector<584x1xf32>
    %div3A_914 = vector.broadcast %sqrt3A : vector<584x1xf32> to vector<584x256xf32>
    %div3A_915 = arith.divf %sub3A_910, %div3A_914 : vector<584x256xf32>
    %mul3A_916 = vector.broadcast %get3A_889 : vector<1x256xf32> to vector<584x256xf32>
    %mul3A_917 = arith.mulf %div3A_915, %mul3A_916 : vector<584x256xf32>
    %add3A_918 = vector.broadcast %get3A_892 : vector<1x256xf32> to vector<584x256xf32>
    %add3A_919 = arith.addf %mul3A_917, %add3A_918 : vector<584x256xf32>
    %get3A_920 = arith.constant 0 : index
    %get3A_921 = arith.constant 0 : index
    %get3A_922 = vector.load %arg17[%get3A_920, %get3A_921] : memref<256x1024xf32, #tpu.memory_space<vmem>>, vector<256x1024xf32>
    %dot_general3A_923 = arith.constant dense<0.000000e+00> : vector<584x1024xf32>
    %dot_general3A_924 = tpu.matmul %add3A_919, %get3A_922, %dot_general3A_923 {dimension_numbers = #tpu.dot_dimension_numbers<[1], [0], [0], [1], [0, 0, 1, 1], [], []>, transpose_lhs_hint = false} : vector<584x256xf32>, vector<256x1024xf32>, vector<584x1024xf32> -> vector<584x1024xf32>
    %get3A_925 = arith.constant 0 : index
    %get3A_926 = arith.constant 0 : index
    %get3A_927 = vector.load %arg18[%get3A_925, %get3A_926] : memref<1x1024xf32, #tpu.memory_space<vmem>>, vector<1x1024xf32>
    %add3A_928 = vector.broadcast %get3A_927 : vector<1x1024xf32> to vector<584x1024xf32>
    %add3A_929 = arith.addf %dot_general3A_924, %add3A_928 : vector<584x1024xf32>
    %max3A_930 = arith.constant 0.000000e+00 : f32
    %max3A_931 = vector.broadcast %max3A_930 : f32 to vector<584x1024xf32>
    %max3A_932 = arith.maximumf %add3A_929, %max3A_931 : vector<584x1024xf32>
    %get3A_933 = arith.constant 0 : index
    %get3A_934 = arith.constant 0 : index
    %get3A_935 = vector.load %arg19[%get3A_933, %get3A_934] : memref<1024x256xf32, #tpu.memory_space<vmem>>, vector<1024x256xf32>
    %dot_general3A_936 = arith.constant dense<0.000000e+00> : vector<584x256xf32>
    %dot_general3A_937 = tpu.matmul %max3A_932, %get3A_935, %dot_general3A_936 {dimension_numbers = #tpu.dot_dimension_numbers<[1], [0], [0], [1], [0, 0, 1, 1], [], []>, transpose_lhs_hint = false} : vector<584x1024xf32>, vector<1024x256xf32>, vector<584x256xf32> -> vector<584x256xf32>
    %get3A_938 = arith.constant 0 : index
    %get3A_939 = arith.constant 0 : index
    %get3A_940 = vector.load %arg20[%get3A_938, %get3A_939] : memref<1x256xf32, #tpu.memory_space<vmem>>, vector<1x256xf32>
    %add3A_941 = vector.broadcast %get3A_940 : vector<1x256xf32> to vector<584x256xf32>
    %add3A_942 = arith.addf %dot_general3A_937, %add3A_941 : vector<584x256xf32>
    %add3A_943 = arith.addf %add3A_919, %add3A_942 : vector<584x256xf32>
    %get3A_944 = arith.constant 0 : index
    %get3A_945 = arith.constant 0 : index
    %get3A_946 = vector.load %arg23[%get3A_944, %get3A_945] : memref<1x256xf32, #tpu.memory_space<vmem>>, vector<1x256xf32>
    %get3A_947 = arith.constant 0 : index
    %get3A_948 = arith.constant 0 : index
    %get3A_949 = vector.load %arg24[%get3A_947, %get3A_948] : memref<1x256xf32, #tpu.memory_space<vmem>>, vector<1x256xf32>
    %reduce_sum3A_950 = arith.constant dense<0.000000e+00> : vector<584xf32>
    %reduce_sum3A_951 = vector.multi_reduction <add>, %add3A_943, %reduce_sum3A_950 [1] : vector<584x256xf32> to vector<584xf32>
    %broadcast_in_dim3A_952 = vector.shape_cast %reduce_sum3A_951 : vector<584xf32> to vector<584x1xf32>
    %div3A_953 = arith.constant 2.560000e+02 : f32
    %div3A_954 = vector.broadcast %div3A_953 : f32 to vector<584x1xf32>
    %div3A_955 = arith.divf %broadcast_in_dim3A_952, %div3A_954 : vector<584x1xf32>
    %sub3A_956 = vector.broadcast %div3A_955 : vector<584x1xf32> to vector<584x256xf32>
    %sub3A_957 = arith.subf %add3A_943, %sub3A_956 : vector<584x256xf32>
    %sub3A_958 = vector.broadcast %div3A_955 : vector<584x1xf32> to vector<584x256xf32>
    %sub3A_959 = arith.subf %add3A_943, %sub3A_958 : vector<584x256xf32>
    %mul3A_960 = arith.mulf %sub3A_957, %sub3A_959 : vector<584x256xf32>
    %reduce_sum3A_961 = arith.constant dense<0.000000e+00> : vector<584xf32>
    %reduce_sum3A_962 = vector.multi_reduction <add>, %mul3A_960, %reduce_sum3A_961 [1] : vector<584x256xf32> to vector<584xf32>
    %broadcast_in_dim3A_963 = vector.shape_cast %reduce_sum3A_962 : vector<584xf32> to vector<584x1xf32>
    %div3A_964 = arith.constant 2.560000e+02 : f32
    %div3A_965 = vector.broadcast %div3A_964 : f32 to vector<584x1xf32>
    %div3A_966 = arith.divf %broadcast_in_dim3A_963, %div3A_965 : vector<584x1xf32>
    %sub3A_967 = vector.broadcast %div3A_955 : vector<584x1xf32> to vector<584x256xf32>
    %sub3A_968 = arith.subf %add3A_943, %sub3A_967 : vector<584x256xf32>
    %add3A_969 = arith.constant 9.99999974E-6 : f32
    %add3A_970 = vector.broadcast %add3A_969 : f32 to vector<584x1xf32>
    %add3A_971 = arith.addf %div3A_966, %add3A_970 : vector<584x1xf32>
    %sqrt3A_972 = math.sqrt %add3A_971 : vector<584x1xf32>
    %div3A_973 = vector.broadcast %sqrt3A_972 : vector<584x1xf32> to vector<584x256xf32>
    %div3A_974 = arith.divf %sub3A_968, %div3A_973 : vector<584x256xf32>
    %mul3A_975 = vector.broadcast %get3A_946 : vector<1x256xf32> to vector<584x256xf32>
    %mul3A_976 = arith.mulf %div3A_974, %mul3A_975 : vector<584x256xf32>
    %add3A_977 = vector.broadcast %get3A_949 : vector<1x256xf32> to vector<584x256xf32>
    %add3A_978 = arith.addf %mul3A_976, %add3A_977 : vector<584x256xf32>
    %get3A_979 = arith.constant 0 : index
    %get3A_980 = arith.constant 0 : index
    %get3A_981 = vector.load %arg33[%get3A_979, %get3A_980] : memref<128x64xf32, #tpu.memory_space<vmem>>, vector<128x64xf32>
    %dot_general3A_982 = arith.constant dense<0.000000e+00> : vector<584x64xf32>
    %dot_general3A_983 = tpu.matmul %get3A_171, %get3A_981, %dot_general3A_982 {dimension_numbers = #tpu.dot_dimension_numbers<[1], [0], [0], [1], [0, 0, 1, 1], [], []>, transpose_lhs_hint = false} : vector<584x128xf32>, vector<128x64xf32>, vector<584x64xf32> -> vector<584x64xf32>
    %get3A_984 = arith.constant 0 : index
    %get3A_985 = arith.constant 0 : index
    %get3A_986 = vector.load %arg25[%get3A_984, %get3A_985] : memref<256x256xf32, #tpu.memory_space<vmem>>, vector<256x256xf32>
    %dot_general3A_987 = arith.constant dense<0.000000e+00> : vector<584x256xf32>
    %dot_general3A_988 = tpu.matmul %add3A_978, %get3A_986, %dot_general3A_987 {dimension_numbers = #tpu.dot_dimension_numbers<[1], [0], [0], [1], [0, 0, 1, 1], [], []>, transpose_lhs_hint = false} : vector<584x256xf32>, vector<256x256xf32>, vector<584x256xf32> -> vector<584x256xf32>
    %get3A_989 = arith.constant 0 : index
    %get3A_990 = arith.constant 0 : index
    %get3A_991 = vector.load %arg26[%get3A_989, %get3A_990] : memref<1x256xf32, #tpu.memory_space<vmem>>, vector<1x256xf32>
    %add3A_992 = vector.broadcast %get3A_991 : vector<1x256xf32> to vector<584x256xf32>
    %add3A_993 = arith.addf %dot_general3A_988, %add3A_992 : vector<584x256xf32>
    %get3A_994 = arith.constant 0 : index
    %get3A_995 = arith.constant 0 : index
    %get3A_996 = vector.load %arg43[%get3A_994, %get3A_995] : memref<5840x256xf32, #tpu.memory_space<vmem>>, vector<584x256xf32>
    %get3A_997 = arith.constant 0 : index
    %get3A_998 = arith.constant 0 : index
    %get3A_999 = vector.load %arg27[%get3A_997, %get3A_998] : memref<256x256xf32, #tpu.memory_space<vmem>>, vector<256x256xf32>
    %dot_general3A_1000 = arith.constant dense<0.000000e+00> : vector<584x256xf32>
    %dot_general3A_1001 = tpu.matmul %get3A_996, %get3A_999, %dot_general3A_1000 {dimension_numbers = #tpu.dot_dimension_numbers<[1], [0], [0], [1], [0, 0, 1, 1], [], []>, transpose_lhs_hint = false} : vector<584x256xf32>, vector<256x256xf32>, vector<584x256xf32> -> vector<584x256xf32>
    %get3A_1002 = arith.constant 0 : index
    %get3A_1003 = arith.constant 0 : index
    %get3A_1004 = vector.load %arg28[%get3A_1002, %get3A_1003] : memref<1x256xf32, #tpu.memory_space<vmem>>, vector<1x256xf32>
    %add3A_1005 = vector.broadcast %get3A_1004 : vector<1x256xf32> to vector<584x256xf32>
    %add3A_1006 = arith.addf %dot_general3A_1001, %add3A_1005 : vector<584x256xf32>
    %mul3A_1007 = arith.mulf %add3A_993, %add3A_1006 : vector<584x256xf32>
    %get3A_1008 = arith.constant 0 : index
    %get3A_1009 = arith.constant 0 : index
    %get3A_1010 = vector.load %arg4[%get3A_1008, %get3A_1009] : memref<256x4xf32, #tpu.memory_space<vmem>>, vector<256x4xf32>
    %dot_general3A_1011 = arith.constant dense<0.000000e+00> : vector<584x4xf32>
    %dot_general3A_1012 = tpu.matmul %mul3A_1007, %get3A_1010, %dot_general3A_1011 {dimension_numbers = #tpu.dot_dimension_numbers<[1], [0], [0], [1], [0, 0, 1, 1], [], []>, transpose_lhs_hint = false} : vector<584x256xf32>, vector<256x4xf32>, vector<584x4xf32> -> vector<584x4xf32>
    %mul3A_1013 = arith.constant 1.250000e-01 : f32
    %mul3A_1014 = vector.broadcast %mul3A_1013 : f32 to vector<584x4xf32>
    %mul3A_1015 = arith.mulf %dot_general3A_1012, %mul3A_1014 : vector<584x4xf32>
    %get3A_1016 = arith.constant 0 : index
    %get3A_1017 = arith.constant 0 : index
    %get3A_1018 = vector.load %arg44[%get3A_1016, %get3A_1017] : memref<5840x64xf32, #tpu.memory_space<vmem>>, vector<584x64xf32>
    %mul3A_1019 = arith.mulf %get3A_1018, %dot_general3A_983 : vector<584x64xf32>
    %get3A_1020 = arith.constant 0 : index
    %get3A_1021 = arith.constant 0 : index
    %get3A_1022 = vector.load %arg5[%get3A_1020, %get3A_1021] : memref<64x4xf32, #tpu.memory_space<vmem>>, vector<64x4xf32>
    %dot_general3A_1023 = arith.constant dense<0.000000e+00> : vector<584x4xf32>
    %dot_general3A_1024 = tpu.matmul %mul3A_1019, %get3A_1022, %dot_general3A_1023 {dimension_numbers = #tpu.dot_dimension_numbers<[1], [0], [0], [1], [0, 0, 1, 1], [], []>, transpose_lhs_hint = false} : vector<584x64xf32>, vector<64x4xf32>, vector<584x4xf32> -> vector<584x4xf32>
    %add3A_1025 = arith.addf %mul3A_1015, %dot_general3A_1024 : vector<584x4xf32>
    %get3A_1026 = arith.constant 584 : index
    %get3A_1027 = arith.constant 0 : index
    %get3A_1028 = vector.load %arg43[%get3A_1026, %get3A_1027] : memref<5840x256xf32, #tpu.memory_space<vmem>>, vector<584x256xf32>
    %get3A_1029 = arith.constant 0 : index
    %get3A_1030 = arith.constant 0 : index
    %get3A_1031 = vector.load %arg27[%get3A_1029, %get3A_1030] : memref<256x256xf32, #tpu.memory_space<vmem>>, vector<256x256xf32>
    %dot_general3A_1032 = arith.constant dense<0.000000e+00> : vector<584x256xf32>
    %dot_general3A_1033 = tpu.matmul %get3A_1028, %get3A_1031, %dot_general3A_1032 {dimension_numbers = #tpu.dot_dimension_numbers<[1], [0], [0], [1], [0, 0, 1, 1], [], []>, transpose_lhs_hint = false} : vector<584x256xf32>, vector<256x256xf32>, vector<584x256xf32> -> vector<584x256xf32>
    %get3A_1034 = arith.constant 0 : index
    %get3A_1035 = arith.constant 0 : index
    %get3A_1036 = vector.load %arg28[%get3A_1034, %get3A_1035] : memref<1x256xf32, #tpu.memory_space<vmem>>, vector<1x256xf32>
    %add3A_1037 = vector.broadcast %get3A_1036 : vector<1x256xf32> to vector<584x256xf32>
    %add3A_1038 = arith.addf %dot_general3A_1033, %add3A_1037 : vector<584x256xf32>
    %mul3A_1039 = arith.mulf %add3A_993, %add3A_1038 : vector<584x256xf32>
    %get3A_1040 = arith.constant 0 : index
    %get3A_1041 = arith.constant 0 : index
    %get3A_1042 = vector.load %arg4[%get3A_1040, %get3A_1041] : memref<256x4xf32, #tpu.memory_space<vmem>>, vector<256x4xf32>
    %dot_general3A_1043 = arith.constant dense<0.000000e+00> : vector<584x4xf32>
    %dot_general3A_1044 = tpu.matmul %mul3A_1039, %get3A_1042, %dot_general3A_1043 {dimension_numbers = #tpu.dot_dimension_numbers<[1], [0], [0], [1], [0, 0, 1, 1], [], []>, transpose_lhs_hint = false} : vector<584x256xf32>, vector<256x4xf32>, vector<584x4xf32> -> vector<584x4xf32>
    %mul3A_1045 = arith.constant 1.250000e-01 : f32
    %mul3A_1046 = vector.broadcast %mul3A_1045 : f32 to vector<584x4xf32>
    %mul3A_1047 = arith.mulf %dot_general3A_1044, %mul3A_1046 : vector<584x4xf32>
    %get3A_1048 = arith.constant 584 : index
    %get3A_1049 = arith.constant 0 : index
    %get3A_1050 = vector.load %arg44[%get3A_1048, %get3A_1049] : memref<5840x64xf32, #tpu.memory_space<vmem>>, vector<584x64xf32>
    %mul3A_1051 = arith.mulf %get3A_1050, %dot_general3A_983 : vector<584x64xf32>
    %get3A_1052 = arith.constant 0 : index
    %get3A_1053 = arith.constant 0 : index
    %get3A_1054 = vector.load %arg5[%get3A_1052, %get3A_1053] : memref<64x4xf32, #tpu.memory_space<vmem>>, vector<64x4xf32>
    %dot_general3A_1055 = arith.constant dense<0.000000e+00> : vector<584x4xf32>
    %dot_general3A_1056 = tpu.matmul %mul3A_1051, %get3A_1054, %dot_general3A_1055 {dimension_numbers = #tpu.dot_dimension_numbers<[1], [0], [0], [1], [0, 0, 1, 1], [], []>, transpose_lhs_hint = false} : vector<584x64xf32>, vector<64x4xf32>, vector<584x4xf32> -> vector<584x4xf32>
    %add3A_1057 = arith.addf %mul3A_1047, %dot_general3A_1056 : vector<584x4xf32>
    %get3A_1058 = arith.constant 1168 : index
    %get3A_1059 = arith.constant 0 : index
    %get3A_1060 = vector.load %arg43[%get3A_1058, %get3A_1059] : memref<5840x256xf32, #tpu.memory_space<vmem>>, vector<584x256xf32>
    %get3A_1061 = arith.constant 0 : index
    %get3A_1062 = arith.constant 0 : index
    %get3A_1063 = vector.load %arg27[%get3A_1061, %get3A_1062] : memref<256x256xf32, #tpu.memory_space<vmem>>, vector<256x256xf32>
    %dot_general3A_1064 = arith.constant dense<0.000000e+00> : vector<584x256xf32>
    %dot_general3A_1065 = tpu.matmul %get3A_1060, %get3A_1063, %dot_general3A_1064 {dimension_numbers = #tpu.dot_dimension_numbers<[1], [0], [0], [1], [0, 0, 1, 1], [], []>, transpose_lhs_hint = false} : vector<584x256xf32>, vector<256x256xf32>, vector<584x256xf32> -> vector<584x256xf32>
    %get3A_1066 = arith.constant 0 : index
    %get3A_1067 = arith.constant 0 : index
    %get3A_1068 = vector.load %arg28[%get3A_1066, %get3A_1067] : memref<1x256xf32, #tpu.memory_space<vmem>>, vector<1x256xf32>
    %add3A_1069 = vector.broadcast %get3A_1068 : vector<1x256xf32> to vector<584x256xf32>
    %add3A_1070 = arith.addf %dot_general3A_1065, %add3A_1069 : vector<584x256xf32>
    %mul3A_1071 = arith.mulf %add3A_993, %add3A_1070 : vector<584x256xf32>
    %get3A_1072 = arith.constant 0 : index
    %get3A_1073 = arith.constant 0 : index
    %get3A_1074 = vector.load %arg4[%get3A_1072, %get3A_1073] : memref<256x4xf32, #tpu.memory_space<vmem>>, vector<256x4xf32>
    %dot_general3A_1075 = arith.constant dense<0.000000e+00> : vector<584x4xf32>
    %dot_general3A_1076 = tpu.matmul %mul3A_1071, %get3A_1074, %dot_general3A_1075 {dimension_numbers = #tpu.dot_dimension_numbers<[1], [0], [0], [1], [0, 0, 1, 1], [], []>, transpose_lhs_hint = false} : vector<584x256xf32>, vector<256x4xf32>, vector<584x4xf32> -> vector<584x4xf32>
    %mul3A_1077 = arith.constant 1.250000e-01 : f32
    %mul3A_1078 = vector.broadcast %mul3A_1077 : f32 to vector<584x4xf32>
    %mul3A_1079 = arith.mulf %dot_general3A_1076, %mul3A_1078 : vector<584x4xf32>
    %get3A_1080 = arith.constant 1168 : index
    %get3A_1081 = arith.constant 0 : index
    %get3A_1082 = vector.load %arg44[%get3A_1080, %get3A_1081] : memref<5840x64xf32, #tpu.memory_space<vmem>>, vector<584x64xf32>
    %mul3A_1083 = arith.mulf %get3A_1082, %dot_general3A_983 : vector<584x64xf32>
    %get3A_1084 = arith.constant 0 : index
    %get3A_1085 = arith.constant 0 : index
    %get3A_1086 = vector.load %arg5[%get3A_1084, %get3A_1085] : memref<64x4xf32, #tpu.memory_space<vmem>>, vector<64x4xf32>
    %dot_general3A_1087 = arith.constant dense<0.000000e+00> : vector<584x4xf32>
    %dot_general3A_1088 = tpu.matmul %mul3A_1083, %get3A_1086, %dot_general3A_1087 {dimension_numbers = #tpu.dot_dimension_numbers<[1], [0], [0], [1], [0, 0, 1, 1], [], []>, transpose_lhs_hint = false} : vector<584x64xf32>, vector<64x4xf32>, vector<584x4xf32> -> vector<584x4xf32>
    %add3A_1089 = arith.addf %mul3A_1079, %dot_general3A_1088 : vector<584x4xf32>
    %get3A_1090 = arith.constant 1752 : index
    %get3A_1091 = arith.constant 0 : index
    %get3A_1092 = vector.load %arg43[%get3A_1090, %get3A_1091] : memref<5840x256xf32, #tpu.memory_space<vmem>>, vector<584x256xf32>
    %get3A_1093 = arith.constant 0 : index
    %get3A_1094 = arith.constant 0 : index
    %get3A_1095 = vector.load %arg27[%get3A_1093, %get3A_1094] : memref<256x256xf32, #tpu.memory_space<vmem>>, vector<256x256xf32>
    %dot_general3A_1096 = arith.constant dense<0.000000e+00> : vector<584x256xf32>
    %dot_general3A_1097 = tpu.matmul %get3A_1092, %get3A_1095, %dot_general3A_1096 {dimension_numbers = #tpu.dot_dimension_numbers<[1], [0], [0], [1], [0, 0, 1, 1], [], []>, transpose_lhs_hint = false} : vector<584x256xf32>, vector<256x256xf32>, vector<584x256xf32> -> vector<584x256xf32>
    %get3A_1098 = arith.constant 0 : index
    %get3A_1099 = arith.constant 0 : index
    %get3A_1100 = vector.load %arg28[%get3A_1098, %get3A_1099] : memref<1x256xf32, #tpu.memory_space<vmem>>, vector<1x256xf32>
    %add3A_1101 = vector.broadcast %get3A_1100 : vector<1x256xf32> to vector<584x256xf32>
    %add3A_1102 = arith.addf %dot_general3A_1097, %add3A_1101 : vector<584x256xf32>
    %mul3A_1103 = arith.mulf %add3A_993, %add3A_1102 : vector<584x256xf32>
    %get3A_1104 = arith.constant 0 : index
    %get3A_1105 = arith.constant 0 : index
    %get3A_1106 = vector.load %arg4[%get3A_1104, %get3A_1105] : memref<256x4xf32, #tpu.memory_space<vmem>>, vector<256x4xf32>
    %dot_general3A_1107 = arith.constant dense<0.000000e+00> : vector<584x4xf32>
    %dot_general3A_1108 = tpu.matmul %mul3A_1103, %get3A_1106, %dot_general3A_1107 {dimension_numbers = #tpu.dot_dimension_numbers<[1], [0], [0], [1], [0, 0, 1, 1], [], []>, transpose_lhs_hint = false} : vector<584x256xf32>, vector<256x4xf32>, vector<584x4xf32> -> vector<584x4xf32>
    %mul3A_1109 = arith.constant 1.250000e-01 : f32
    %mul3A_1110 = vector.broadcast %mul3A_1109 : f32 to vector<584x4xf32>
    %mul3A_1111 = arith.mulf %dot_general3A_1108, %mul3A_1110 : vector<584x4xf32>
    %get3A_1112 = arith.constant 1752 : index
    %get3A_1113 = arith.constant 0 : index
    %get3A_1114 = vector.load %arg44[%get3A_1112, %get3A_1113] : memref<5840x64xf32, #tpu.memory_space<vmem>>, vector<584x64xf32>
    %mul3A_1115 = arith.mulf %get3A_1114, %dot_general3A_983 : vector<584x64xf32>
    %get3A_1116 = arith.constant 0 : index
    %get3A_1117 = arith.constant 0 : index
    %get3A_1118 = vector.load %arg5[%get3A_1116, %get3A_1117] : memref<64x4xf32, #tpu.memory_space<vmem>>, vector<64x4xf32>
    %dot_general3A_1119 = arith.constant dense<0.000000e+00> : vector<584x4xf32>
    %dot_general3A_1120 = tpu.matmul %mul3A_1115, %get3A_1118, %dot_general3A_1119 {dimension_numbers = #tpu.dot_dimension_numbers<[1], [0], [0], [1], [0, 0, 1, 1], [], []>, transpose_lhs_hint = false} : vector<584x64xf32>, vector<64x4xf32>, vector<584x4xf32> -> vector<584x4xf32>
    %add3A_1121 = arith.addf %mul3A_1111, %dot_general3A_1120 : vector<584x4xf32>
    %get3A_1122 = arith.constant 2336 : index
    %get3A_1123 = arith.constant 0 : index
    %get3A_1124 = vector.load %arg43[%get3A_1122, %get3A_1123] : memref<5840x256xf32, #tpu.memory_space<vmem>>, vector<584x256xf32>
    %get3A_1125 = arith.constant 0 : index
    %get3A_1126 = arith.constant 0 : index
    %get3A_1127 = vector.load %arg27[%get3A_1125, %get3A_1126] : memref<256x256xf32, #tpu.memory_space<vmem>>, vector<256x256xf32>
    %dot_general3A_1128 = arith.constant dense<0.000000e+00> : vector<584x256xf32>
    %dot_general3A_1129 = tpu.matmul %get3A_1124, %get3A_1127, %dot_general3A_1128 {dimension_numbers = #tpu.dot_dimension_numbers<[1], [0], [0], [1], [0, 0, 1, 1], [], []>, transpose_lhs_hint = false} : vector<584x256xf32>, vector<256x256xf32>, vector<584x256xf32> -> vector<584x256xf32>
    %get3A_1130 = arith.constant 0 : index
    %get3A_1131 = arith.constant 0 : index
    %get3A_1132 = vector.load %arg28[%get3A_1130, %get3A_1131] : memref<1x256xf32, #tpu.memory_space<vmem>>, vector<1x256xf32>
    %add3A_1133 = vector.broadcast %get3A_1132 : vector<1x256xf32> to vector<584x256xf32>
    %add3A_1134 = arith.addf %dot_general3A_1129, %add3A_1133 : vector<584x256xf32>
    %mul3A_1135 = arith.mulf %add3A_993, %add3A_1134 : vector<584x256xf32>
    %get3A_1136 = arith.constant 0 : index
    %get3A_1137 = arith.constant 0 : index
    %get3A_1138 = vector.load %arg4[%get3A_1136, %get3A_1137] : memref<256x4xf32, #tpu.memory_space<vmem>>, vector<256x4xf32>
    %dot_general3A_1139 = arith.constant dense<0.000000e+00> : vector<584x4xf32>
    %dot_general3A_1140 = tpu.matmul %mul3A_1135, %get3A_1138, %dot_general3A_1139 {dimension_numbers = #tpu.dot_dimension_numbers<[1], [0], [0], [1], [0, 0, 1, 1], [], []>, transpose_lhs_hint = false} : vector<584x256xf32>, vector<256x4xf32>, vector<584x4xf32> -> vector<584x4xf32>
    %mul3A_1141 = arith.constant 1.250000e-01 : f32
    %mul3A_1142 = vector.broadcast %mul3A_1141 : f32 to vector<584x4xf32>
    %mul3A_1143 = arith.mulf %dot_general3A_1140, %mul3A_1142 : vector<584x4xf32>
    %get3A_1144 = arith.constant 2336 : index
    %get3A_1145 = arith.constant 0 : index
    %get3A_1146 = vector.load %arg44[%get3A_1144, %get3A_1145] : memref<5840x64xf32, #tpu.memory_space<vmem>>, vector<584x64xf32>
    %mul3A_1147 = arith.mulf %get3A_1146, %dot_general3A_983 : vector<584x64xf32>
    %get3A_1148 = arith.constant 0 : index
    %get3A_1149 = arith.constant 0 : index
    %get3A_1150 = vector.load %arg5[%get3A_1148, %get3A_1149] : memref<64x4xf32, #tpu.memory_space<vmem>>, vector<64x4xf32>
    %dot_general3A_1151 = arith.constant dense<0.000000e+00> : vector<584x4xf32>
    %dot_general3A_1152 = tpu.matmul %mul3A_1147, %get3A_1150, %dot_general3A_1151 {dimension_numbers = #tpu.dot_dimension_numbers<[1], [0], [0], [1], [0, 0, 1, 1], [], []>, transpose_lhs_hint = false} : vector<584x64xf32>, vector<64x4xf32>, vector<584x4xf32> -> vector<584x4xf32>
    %add3A_1153 = arith.addf %mul3A_1143, %dot_general3A_1152 : vector<584x4xf32>
    %get3A_1154 = arith.constant 2920 : index
    %get3A_1155 = arith.constant 0 : index
    %get3A_1156 = vector.load %arg43[%get3A_1154, %get3A_1155] : memref<5840x256xf32, #tpu.memory_space<vmem>>, vector<584x256xf32>
    %get3A_1157 = arith.constant 0 : index
    %get3A_1158 = arith.constant 0 : index
    %get3A_1159 = vector.load %arg27[%get3A_1157, %get3A_1158] : memref<256x256xf32, #tpu.memory_space<vmem>>, vector<256x256xf32>
    %dot_general3A_1160 = arith.constant dense<0.000000e+00> : vector<584x256xf32>
    %dot_general3A_1161 = tpu.matmul %get3A_1156, %get3A_1159, %dot_general3A_1160 {dimension_numbers = #tpu.dot_dimension_numbers<[1], [0], [0], [1], [0, 0, 1, 1], [], []>, transpose_lhs_hint = false} : vector<584x256xf32>, vector<256x256xf32>, vector<584x256xf32> -> vector<584x256xf32>
    %get3A_1162 = arith.constant 0 : index
    %get3A_1163 = arith.constant 0 : index
    %get3A_1164 = vector.load %arg28[%get3A_1162, %get3A_1163] : memref<1x256xf32, #tpu.memory_space<vmem>>, vector<1x256xf32>
    %add3A_1165 = vector.broadcast %get3A_1164 : vector<1x256xf32> to vector<584x256xf32>
    %add3A_1166 = arith.addf %dot_general3A_1161, %add3A_1165 : vector<584x256xf32>
    %mul3A_1167 = arith.mulf %add3A_993, %add3A_1166 : vector<584x256xf32>
    %get3A_1168 = arith.constant 0 : index
    %get3A_1169 = arith.constant 0 : index
    %get3A_1170 = vector.load %arg4[%get3A_1168, %get3A_1169] : memref<256x4xf32, #tpu.memory_space<vmem>>, vector<256x4xf32>
    %dot_general3A_1171 = arith.constant dense<0.000000e+00> : vector<584x4xf32>
    %dot_general3A_1172 = tpu.matmul %mul3A_1167, %get3A_1170, %dot_general3A_1171 {dimension_numbers = #tpu.dot_dimension_numbers<[1], [0], [0], [1], [0, 0, 1, 1], [], []>, transpose_lhs_hint = false} : vector<584x256xf32>, vector<256x4xf32>, vector<584x4xf32> -> vector<584x4xf32>
    %mul3A_1173 = arith.constant 1.250000e-01 : f32
    %mul3A_1174 = vector.broadcast %mul3A_1173 : f32 to vector<584x4xf32>
    %mul3A_1175 = arith.mulf %dot_general3A_1172, %mul3A_1174 : vector<584x4xf32>
    %get3A_1176 = arith.constant 2920 : index
    %get3A_1177 = arith.constant 0 : index
    %get3A_1178 = vector.load %arg44[%get3A_1176, %get3A_1177] : memref<5840x64xf32, #tpu.memory_space<vmem>>, vector<584x64xf32>
    %mul3A_1179 = arith.mulf %get3A_1178, %dot_general3A_983 : vector<584x64xf32>
    %get3A_1180 = arith.constant 0 : index
    %get3A_1181 = arith.constant 0 : index
    %get3A_1182 = vector.load %arg5[%get3A_1180, %get3A_1181] : memref<64x4xf32, #tpu.memory_space<vmem>>, vector<64x4xf32>
    %dot_general3A_1183 = arith.constant dense<0.000000e+00> : vector<584x4xf32>
    %dot_general3A_1184 = tpu.matmul %mul3A_1179, %get3A_1182, %dot_general3A_1183 {dimension_numbers = #tpu.dot_dimension_numbers<[1], [0], [0], [1], [0, 0, 1, 1], [], []>, transpose_lhs_hint = false} : vector<584x64xf32>, vector<64x4xf32>, vector<584x4xf32> -> vector<584x4xf32>
    %add3A_1185 = arith.addf %mul3A_1175, %dot_general3A_1184 : vector<584x4xf32>
    %get3A_1186 = arith.constant 3504 : index
    %get3A_1187 = arith.constant 0 : index
    %get3A_1188 = vector.load %arg43[%get3A_1186, %get3A_1187] : memref<5840x256xf32, #tpu.memory_space<vmem>>, vector<584x256xf32>
    %get3A_1189 = arith.constant 0 : index
    %get3A_1190 = arith.constant 0 : index
    %get3A_1191 = vector.load %arg27[%get3A_1189, %get3A_1190] : memref<256x256xf32, #tpu.memory_space<vmem>>, vector<256x256xf32>
    %dot_general3A_1192 = arith.constant dense<0.000000e+00> : vector<584x256xf32>
    %dot_general3A_1193 = tpu.matmul %get3A_1188, %get3A_1191, %dot_general3A_1192 {dimension_numbers = #tpu.dot_dimension_numbers<[1], [0], [0], [1], [0, 0, 1, 1], [], []>, transpose_lhs_hint = false} : vector<584x256xf32>, vector<256x256xf32>, vector<584x256xf32> -> vector<584x256xf32>
    %get3A_1194 = arith.constant 0 : index
    %get3A_1195 = arith.constant 0 : index
    %get3A_1196 = vector.load %arg28[%get3A_1194, %get3A_1195] : memref<1x256xf32, #tpu.memory_space<vmem>>, vector<1x256xf32>
    %add3A_1197 = vector.broadcast %get3A_1196 : vector<1x256xf32> to vector<584x256xf32>
    %add3A_1198 = arith.addf %dot_general3A_1193, %add3A_1197 : vector<584x256xf32>
    %mul3A_1199 = arith.mulf %add3A_993, %add3A_1198 : vector<584x256xf32>
    %get3A_1200 = arith.constant 0 : index
    %get3A_1201 = arith.constant 0 : index
    %get3A_1202 = vector.load %arg4[%get3A_1200, %get3A_1201] : memref<256x4xf32, #tpu.memory_space<vmem>>, vector<256x4xf32>
    %dot_general3A_1203 = arith.constant dense<0.000000e+00> : vector<584x4xf32>
    %dot_general3A_1204 = tpu.matmul %mul3A_1199, %get3A_1202, %dot_general3A_1203 {dimension_numbers = #tpu.dot_dimension_numbers<[1], [0], [0], [1], [0, 0, 1, 1], [], []>, transpose_lhs_hint = false} : vector<584x256xf32>, vector<256x4xf32>, vector<584x4xf32> -> vector<584x4xf32>
    %mul3A_1205 = arith.constant 1.250000e-01 : f32
    %mul3A_1206 = vector.broadcast %mul3A_1205 : f32 to vector<584x4xf32>
    %mul3A_1207 = arith.mulf %dot_general3A_1204, %mul3A_1206 : vector<584x4xf32>
    %get3A_1208 = arith.constant 3504 : index
    %get3A_1209 = arith.constant 0 : index
    %get3A_1210 = vector.load %arg44[%get3A_1208, %get3A_1209] : memref<5840x64xf32, #tpu.memory_space<vmem>>, vector<584x64xf32>
    %mul3A_1211 = arith.mulf %get3A_1210, %dot_general3A_983 : vector<584x64xf32>
    %get3A_1212 = arith.constant 0 : index
    %get3A_1213 = arith.constant 0 : index
    %get3A_1214 = vector.load %arg5[%get3A_1212, %get3A_1213] : memref<64x4xf32, #tpu.memory_space<vmem>>, vector<64x4xf32>
    %dot_general3A_1215 = arith.constant dense<0.000000e+00> : vector<584x4xf32>
    %dot_general3A_1216 = tpu.matmul %mul3A_1211, %get3A_1214, %dot_general3A_1215 {dimension_numbers = #tpu.dot_dimension_numbers<[1], [0], [0], [1], [0, 0, 1, 1], [], []>, transpose_lhs_hint = false} : vector<584x64xf32>, vector<64x4xf32>, vector<584x4xf32> -> vector<584x4xf32>
    %add3A_1217 = arith.addf %mul3A_1207, %dot_general3A_1216 : vector<584x4xf32>
    %get3A_1218 = arith.constant 4088 : index
    %get3A_1219 = arith.constant 0 : index
    %get3A_1220 = vector.load %arg43[%get3A_1218, %get3A_1219] : memref<5840x256xf32, #tpu.memory_space<vmem>>, vector<584x256xf32>
    %get3A_1221 = arith.constant 0 : index
    %get3A_1222 = arith.constant 0 : index
    %get3A_1223 = vector.load %arg27[%get3A_1221, %get3A_1222] : memref<256x256xf32, #tpu.memory_space<vmem>>, vector<256x256xf32>
    %dot_general3A_1224 = arith.constant dense<0.000000e+00> : vector<584x256xf32>
    %dot_general3A_1225 = tpu.matmul %get3A_1220, %get3A_1223, %dot_general3A_1224 {dimension_numbers = #tpu.dot_dimension_numbers<[1], [0], [0], [1], [0, 0, 1, 1], [], []>, transpose_lhs_hint = false} : vector<584x256xf32>, vector<256x256xf32>, vector<584x256xf32> -> vector<584x256xf32>
    %get3A_1226 = arith.constant 0 : index
    %get3A_1227 = arith.constant 0 : index
    %get3A_1228 = vector.load %arg28[%get3A_1226, %get3A_1227] : memref<1x256xf32, #tpu.memory_space<vmem>>, vector<1x256xf32>
    %add3A_1229 = vector.broadcast %get3A_1228 : vector<1x256xf32> to vector<584x256xf32>
    %add3A_1230 = arith.addf %dot_general3A_1225, %add3A_1229 : vector<584x256xf32>
    %mul3A_1231 = arith.mulf %add3A_993, %add3A_1230 : vector<584x256xf32>
    %get3A_1232 = arith.constant 0 : index
    %get3A_1233 = arith.constant 0 : index
    %get3A_1234 = vector.load %arg4[%get3A_1232, %get3A_1233] : memref<256x4xf32, #tpu.memory_space<vmem>>, vector<256x4xf32>
    %dot_general3A_1235 = arith.constant dense<0.000000e+00> : vector<584x4xf32>
    %dot_general3A_1236 = tpu.matmul %mul3A_1231, %get3A_1234, %dot_general3A_1235 {dimension_numbers = #tpu.dot_dimension_numbers<[1], [0], [0], [1], [0, 0, 1, 1], [], []>, transpose_lhs_hint = false} : vector<584x256xf32>, vector<256x4xf32>, vector<584x4xf32> -> vector<584x4xf32>
    %mul3A_1237 = arith.constant 1.250000e-01 : f32
    %mul3A_1238 = vector.broadcast %mul3A_1237 : f32 to vector<584x4xf32>
    %mul3A_1239 = arith.mulf %dot_general3A_1236, %mul3A_1238 : vector<584x4xf32>
    %get3A_1240 = arith.constant 4088 : index
    %get3A_1241 = arith.constant 0 : index
    %get3A_1242 = vector.load %arg44[%get3A_1240, %get3A_1241] : memref<5840x64xf32, #tpu.memory_space<vmem>>, vector<584x64xf32>
    %mul3A_1243 = arith.mulf %get3A_1242, %dot_general3A_983 : vector<584x64xf32>
    %get3A_1244 = arith.constant 0 : index
    %get3A_1245 = arith.constant 0 : index
    %get3A_1246 = vector.load %arg5[%get3A_1244, %get3A_1245] : memref<64x4xf32, #tpu.memory_space<vmem>>, vector<64x4xf32>
    %dot_general3A_1247 = arith.constant dense<0.000000e+00> : vector<584x4xf32>
    %dot_general3A_1248 = tpu.matmul %mul3A_1243, %get3A_1246, %dot_general3A_1247 {dimension_numbers = #tpu.dot_dimension_numbers<[1], [0], [0], [1], [0, 0, 1, 1], [], []>, transpose_lhs_hint = false} : vector<584x64xf32>, vector<64x4xf32>, vector<584x4xf32> -> vector<584x4xf32>
    %add3A_1249 = arith.addf %mul3A_1239, %dot_general3A_1248 : vector<584x4xf32>
    %get3A_1250 = arith.constant 4672 : index
    %get3A_1251 = arith.constant 0 : index
    %get3A_1252 = vector.load %arg43[%get3A_1250, %get3A_1251] : memref<5840x256xf32, #tpu.memory_space<vmem>>, vector<584x256xf32>
    %get3A_1253 = arith.constant 0 : index
    %get3A_1254 = arith.constant 0 : index
    %get3A_1255 = vector.load %arg27[%get3A_1253, %get3A_1254] : memref<256x256xf32, #tpu.memory_space<vmem>>, vector<256x256xf32>
    %dot_general3A_1256 = arith.constant dense<0.000000e+00> : vector<584x256xf32>
    %dot_general3A_1257 = tpu.matmul %get3A_1252, %get3A_1255, %dot_general3A_1256 {dimension_numbers = #tpu.dot_dimension_numbers<[1], [0], [0], [1], [0, 0, 1, 1], [], []>, transpose_lhs_hint = false} : vector<584x256xf32>, vector<256x256xf32>, vector<584x256xf32> -> vector<584x256xf32>
    %get3A_1258 = arith.constant 0 : index
    %get3A_1259 = arith.constant 0 : index
    %get3A_1260 = vector.load %arg28[%get3A_1258, %get3A_1259] : memref<1x256xf32, #tpu.memory_space<vmem>>, vector<1x256xf32>
    %add3A_1261 = vector.broadcast %get3A_1260 : vector<1x256xf32> to vector<584x256xf32>
    %add3A_1262 = arith.addf %dot_general3A_1257, %add3A_1261 : vector<584x256xf32>
    %mul3A_1263 = arith.mulf %add3A_993, %add3A_1262 : vector<584x256xf32>
    %get3A_1264 = arith.constant 0 : index
    %get3A_1265 = arith.constant 0 : index
    %get3A_1266 = vector.load %arg4[%get3A_1264, %get3A_1265] : memref<256x4xf32, #tpu.memory_space<vmem>>, vector<256x4xf32>
    %dot_general3A_1267 = arith.constant dense<0.000000e+00> : vector<584x4xf32>
    %dot_general3A_1268 = tpu.matmul %mul3A_1263, %get3A_1266, %dot_general3A_1267 {dimension_numbers = #tpu.dot_dimension_numbers<[1], [0], [0], [1], [0, 0, 1, 1], [], []>, transpose_lhs_hint = false} : vector<584x256xf32>, vector<256x4xf32>, vector<584x4xf32> -> vector<584x4xf32>
    %mul3A_1269 = arith.constant 1.250000e-01 : f32
    %mul3A_1270 = vector.broadcast %mul3A_1269 : f32 to vector<584x4xf32>
    %mul3A_1271 = arith.mulf %dot_general3A_1268, %mul3A_1270 : vector<584x4xf32>
    %get3A_1272 = arith.constant 4672 : index
    %get3A_1273 = arith.constant 0 : index
    %get3A_1274 = vector.load %arg44[%get3A_1272, %get3A_1273] : memref<5840x64xf32, #tpu.memory_space<vmem>>, vector<584x64xf32>
    %mul3A_1275 = arith.mulf %get3A_1274, %dot_general3A_983 : vector<584x64xf32>
    %get3A_1276 = arith.constant 0 : index
    %get3A_1277 = arith.constant 0 : index
    %get3A_1278 = vector.load %arg5[%get3A_1276, %get3A_1277] : memref<64x4xf32, #tpu.memory_space<vmem>>, vector<64x4xf32>
    %dot_general3A_1279 = arith.constant dense<0.000000e+00> : vector<584x4xf32>
    %dot_general3A_1280 = tpu.matmul %mul3A_1275, %get3A_1278, %dot_general3A_1279 {dimension_numbers = #tpu.dot_dimension_numbers<[1], [0], [0], [1], [0, 0, 1, 1], [], []>, transpose_lhs_hint = false} : vector<584x64xf32>, vector<64x4xf32>, vector<584x4xf32> -> vector<584x4xf32>
    %add3A_1281 = arith.addf %mul3A_1271, %dot_general3A_1280 : vector<584x4xf32>
    %get3A_1282 = arith.constant 5256 : index
    %get3A_1283 = arith.constant 0 : index
    %get3A_1284 = vector.load %arg43[%get3A_1282, %get3A_1283] : memref<5840x256xf32, #tpu.memory_space<vmem>>, vector<584x256xf32>
    %get3A_1285 = arith.constant 0 : index
    %get3A_1286 = arith.constant 0 : index
    %get3A_1287 = vector.load %arg27[%get3A_1285, %get3A_1286] : memref<256x256xf32, #tpu.memory_space<vmem>>, vector<256x256xf32>
    %dot_general3A_1288 = arith.constant dense<0.000000e+00> : vector<584x256xf32>
    %dot_general3A_1289 = tpu.matmul %get3A_1284, %get3A_1287, %dot_general3A_1288 {dimension_numbers = #tpu.dot_dimension_numbers<[1], [0], [0], [1], [0, 0, 1, 1], [], []>, transpose_lhs_hint = false} : vector<584x256xf32>, vector<256x256xf32>, vector<584x256xf32> -> vector<584x256xf32>
    %get3A_1290 = arith.constant 0 : index
    %get3A_1291 = arith.constant 0 : index
    %get3A_1292 = vector.load %arg28[%get3A_1290, %get3A_1291] : memref<1x256xf32, #tpu.memory_space<vmem>>, vector<1x256xf32>
    %add3A_1293 = vector.broadcast %get3A_1292 : vector<1x256xf32> to vector<584x256xf32>
    %add3A_1294 = arith.addf %dot_general3A_1289, %add3A_1293 : vector<584x256xf32>
    %mul3A_1295 = arith.mulf %add3A_993, %add3A_1294 : vector<584x256xf32>
    %get3A_1296 = arith.constant 0 : index
    %get3A_1297 = arith.constant 0 : index
    %get3A_1298 = vector.load %arg4[%get3A_1296, %get3A_1297] : memref<256x4xf32, #tpu.memory_space<vmem>>, vector<256x4xf32>
    %dot_general3A_1299 = arith.constant dense<0.000000e+00> : vector<584x4xf32>
    %dot_general3A_1300 = tpu.matmul %mul3A_1295, %get3A_1298, %dot_general3A_1299 {dimension_numbers = #tpu.dot_dimension_numbers<[1], [0], [0], [1], [0, 0, 1, 1], [], []>, transpose_lhs_hint = false} : vector<584x256xf32>, vector<256x4xf32>, vector<584x4xf32> -> vector<584x4xf32>
    %mul3A_1301 = arith.constant 1.250000e-01 : f32
    %mul3A_1302 = vector.broadcast %mul3A_1301 : f32 to vector<584x4xf32>
    %mul3A_1303 = arith.mulf %dot_general3A_1300, %mul3A_1302 : vector<584x4xf32>
    %get3A_1304 = arith.constant 5256 : index
    %get3A_1305 = arith.constant 0 : index
    %get3A_1306 = vector.load %arg44[%get3A_1304, %get3A_1305] : memref<5840x64xf32, #tpu.memory_space<vmem>>, vector<584x64xf32>
    %mul3A_1307 = arith.mulf %get3A_1306, %dot_general3A_983 : vector<584x64xf32>
    %get3A_1308 = arith.constant 0 : index
    %get3A_1309 = arith.constant 0 : index
    %get3A_1310 = vector.load %arg5[%get3A_1308, %get3A_1309] : memref<64x4xf32, #tpu.memory_space<vmem>>, vector<64x4xf32>
    %dot_general3A_1311 = arith.constant dense<0.000000e+00> : vector<584x4xf32>
    %dot_general3A_1312 = tpu.matmul %mul3A_1307, %get3A_1310, %dot_general3A_1311 {dimension_numbers = #tpu.dot_dimension_numbers<[1], [0], [0], [1], [0, 0, 1, 1], [], []>, transpose_lhs_hint = false} : vector<584x64xf32>, vector<64x4xf32>, vector<584x4xf32> -> vector<584x4xf32>
    %add3A_1313 = arith.addf %mul3A_1303, %dot_general3A_1312 : vector<584x4xf32>
    %max3A_1314 = arith.maximumf %add3A_1025, %add3A_1057 : vector<584x4xf32>
    %max3A_1315 = arith.maximumf %max3A_1314, %add3A_1089 : vector<584x4xf32>
    %max3A_1316 = arith.maximumf %max3A_1315, %add3A_1121 : vector<584x4xf32>
    %max3A_1317 = arith.maximumf %max3A_1316, %add3A_1153 : vector<584x4xf32>
    %max3A_1318 = arith.maximumf %max3A_1317, %add3A_1185 : vector<584x4xf32>
    %max3A_1319 = arith.maximumf %max3A_1318, %add3A_1217 : vector<584x4xf32>
    %max3A_1320 = arith.maximumf %max3A_1319, %add3A_1249 : vector<584x4xf32>
    %max3A_1321 = arith.maximumf %max3A_1320, %add3A_1281 : vector<584x4xf32>
    %max3A_1322 = arith.maximumf %max3A_1321, %add3A_1313 : vector<584x4xf32>
    %sub3A_1323 = arith.subf %add3A_1025, %max3A_1322 : vector<584x4xf32>
    %exp3A_1324 = math.exp %sub3A_1323 : vector<584x4xf32>
    %sub3A_1325 = arith.subf %add3A_1057, %max3A_1322 : vector<584x4xf32>
    %exp3A_1326 = math.exp %sub3A_1325 : vector<584x4xf32>
    %sub3A_1327 = arith.subf %add3A_1089, %max3A_1322 : vector<584x4xf32>
    %exp3A_1328 = math.exp %sub3A_1327 : vector<584x4xf32>
    %sub3A_1329 = arith.subf %add3A_1121, %max3A_1322 : vector<584x4xf32>
    %exp3A_1330 = math.exp %sub3A_1329 : vector<584x4xf32>
    %sub3A_1331 = arith.subf %add3A_1153, %max3A_1322 : vector<584x4xf32>
    %exp3A_1332 = math.exp %sub3A_1331 : vector<584x4xf32>
    %sub3A_1333 = arith.subf %add3A_1185, %max3A_1322 : vector<584x4xf32>
    %exp3A_1334 = math.exp %sub3A_1333 : vector<584x4xf32>
    %sub3A_1335 = arith.subf %add3A_1217, %max3A_1322 : vector<584x4xf32>
    %exp3A_1336 = math.exp %sub3A_1335 : vector<584x4xf32>
    %sub3A_1337 = arith.subf %add3A_1249, %max3A_1322 : vector<584x4xf32>
    %exp3A_1338 = math.exp %sub3A_1337 : vector<584x4xf32>
    %sub3A_1339 = arith.subf %add3A_1281, %max3A_1322 : vector<584x4xf32>
    %exp3A_1340 = math.exp %sub3A_1339 : vector<584x4xf32>
    %sub3A_1341 = arith.subf %add3A_1313, %max3A_1322 : vector<584x4xf32>
    %exp3A_1342 = math.exp %sub3A_1341 : vector<584x4xf32>
    %add3A_1343 = arith.addf %exp3A_1324, %exp3A_1326 : vector<584x4xf32>
    %add3A_1344 = arith.addf %add3A_1343, %exp3A_1328 : vector<584x4xf32>
    %add3A_1345 = arith.addf %add3A_1344, %exp3A_1330 : vector<584x4xf32>
    %add3A_1346 = arith.addf %add3A_1345, %exp3A_1332 : vector<584x4xf32>
    %add3A_1347 = arith.addf %add3A_1346, %exp3A_1334 : vector<584x4xf32>
    %add3A_1348 = arith.addf %add3A_1347, %exp3A_1336 : vector<584x4xf32>
    %add3A_1349 = arith.addf %add3A_1348, %exp3A_1338 : vector<584x4xf32>
    %add3A_1350 = arith.addf %add3A_1349, %exp3A_1340 : vector<584x4xf32>
    %add3A_1351 = arith.addf %add3A_1350, %exp3A_1342 : vector<584x4xf32>
    %broadcast_in_dim3A_1352 = arith.constant 0.000000e+00 : f32
    %broadcast_in_dim3A_1353 = vector.broadcast %broadcast_in_dim3A_1352 : f32 to vector<584x256xf32>
    %div3A_1354 = arith.divf %exp3A_1324, %add3A_1351 : vector<584x4xf32>
    %get3A_1355 = arith.constant 0 : index
    %get3A_1356 = arith.constant 0 : index
    %get3A_1357 = vector.load %arg7[%get3A_1355, %get3A_1356] : memref<4x256xf32, #tpu.memory_space<vmem>>, vector<4x256xf32>
    %dot_general3A_1358 = arith.constant dense<0.000000e+00> : vector<584x256xf32>
    %dot_general3A_1359 = tpu.matmul %div3A_1354, %get3A_1357, %dot_general3A_1358 {dimension_numbers = #tpu.dot_dimension_numbers<[1], [0], [0], [1], [0, 0, 1, 1], [], []>, transpose_lhs_hint = false} : vector<584x4xf32>, vector<4x256xf32>, vector<584x256xf32> -> vector<584x256xf32>
    %get3A_1360 = arith.constant 0 : index
    %get3A_1361 = arith.constant 0 : index
    %get3A_1362 = vector.load %arg43[%get3A_1360, %get3A_1361] : memref<5840x256xf32, #tpu.memory_space<vmem>>, vector<584x256xf32>
    %get3A_1363 = arith.constant 0 : index
    %get3A_1364 = arith.constant 0 : index
    %get3A_1365 = vector.load %arg29[%get3A_1363, %get3A_1364] : memref<256x256xf32, #tpu.memory_space<vmem>>, vector<256x256xf32>
    %dot_general3A_1366 = arith.constant dense<0.000000e+00> : vector<584x256xf32>
    %dot_general3A_1367 = tpu.matmul %get3A_1362, %get3A_1365, %dot_general3A_1366 {dimension_numbers = #tpu.dot_dimension_numbers<[1], [0], [0], [1], [0, 0, 1, 1], [], []>, transpose_lhs_hint = false} : vector<584x256xf32>, vector<256x256xf32>, vector<584x256xf32> -> vector<584x256xf32>
    %get3A_1368 = arith.constant 0 : index
    %get3A_1369 = arith.constant 0 : index
    %get3A_1370 = vector.load %arg30[%get3A_1368, %get3A_1369] : memref<1x256xf32, #tpu.memory_space<vmem>>, vector<1x256xf32>
    %add3A_1371 = vector.broadcast %get3A_1370 : vector<1x256xf32> to vector<584x256xf32>
    %add3A_1372 = arith.addf %dot_general3A_1367, %add3A_1371 : vector<584x256xf32>
    %mul3A_1373 = arith.mulf %dot_general3A_1359, %add3A_1372 : vector<584x256xf32>
    %add3A_1374 = arith.addf %broadcast_in_dim3A_1353, %mul3A_1373 : vector<584x256xf32>
    %div3A_1375 = arith.divf %exp3A_1326, %add3A_1351 : vector<584x4xf32>
    %get3A_1376 = arith.constant 0 : index
    %get3A_1377 = arith.constant 0 : index
    %get3A_1378 = vector.load %arg7[%get3A_1376, %get3A_1377] : memref<4x256xf32, #tpu.memory_space<vmem>>, vector<4x256xf32>
    %dot_general3A_1379 = arith.constant dense<0.000000e+00> : vector<584x256xf32>
    %dot_general3A_1380 = tpu.matmul %div3A_1375, %get3A_1378, %dot_general3A_1379 {dimension_numbers = #tpu.dot_dimension_numbers<[1], [0], [0], [1], [0, 0, 1, 1], [], []>, transpose_lhs_hint = false} : vector<584x4xf32>, vector<4x256xf32>, vector<584x256xf32> -> vector<584x256xf32>
    %get3A_1381 = arith.constant 584 : index
    %get3A_1382 = arith.constant 0 : index
    %get3A_1383 = vector.load %arg43[%get3A_1381, %get3A_1382] : memref<5840x256xf32, #tpu.memory_space<vmem>>, vector<584x256xf32>
    %get3A_1384 = arith.constant 0 : index
    %get3A_1385 = arith.constant 0 : index
    %get3A_1386 = vector.load %arg29[%get3A_1384, %get3A_1385] : memref<256x256xf32, #tpu.memory_space<vmem>>, vector<256x256xf32>
    %dot_general3A_1387 = arith.constant dense<0.000000e+00> : vector<584x256xf32>
    %dot_general3A_1388 = tpu.matmul %get3A_1383, %get3A_1386, %dot_general3A_1387 {dimension_numbers = #tpu.dot_dimension_numbers<[1], [0], [0], [1], [0, 0, 1, 1], [], []>, transpose_lhs_hint = false} : vector<584x256xf32>, vector<256x256xf32>, vector<584x256xf32> -> vector<584x256xf32>
    %get3A_1389 = arith.constant 0 : index
    %get3A_1390 = arith.constant 0 : index
    %get3A_1391 = vector.load %arg30[%get3A_1389, %get3A_1390] : memref<1x256xf32, #tpu.memory_space<vmem>>, vector<1x256xf32>
    %add3A_1392 = vector.broadcast %get3A_1391 : vector<1x256xf32> to vector<584x256xf32>
    %add3A_1393 = arith.addf %dot_general3A_1388, %add3A_1392 : vector<584x256xf32>
    %mul3A_1394 = arith.mulf %dot_general3A_1380, %add3A_1393 : vector<584x256xf32>
    %add3A_1395 = arith.addf %add3A_1374, %mul3A_1394 : vector<584x256xf32>
    %div3A_1396 = arith.divf %exp3A_1328, %add3A_1351 : vector<584x4xf32>
    %get3A_1397 = arith.constant 0 : index
    %get3A_1398 = arith.constant 0 : index
    %get3A_1399 = vector.load %arg7[%get3A_1397, %get3A_1398] : memref<4x256xf32, #tpu.memory_space<vmem>>, vector<4x256xf32>
    %dot_general3A_1400 = arith.constant dense<0.000000e+00> : vector<584x256xf32>
    %dot_general3A_1401 = tpu.matmul %div3A_1396, %get3A_1399, %dot_general3A_1400 {dimension_numbers = #tpu.dot_dimension_numbers<[1], [0], [0], [1], [0, 0, 1, 1], [], []>, transpose_lhs_hint = false} : vector<584x4xf32>, vector<4x256xf32>, vector<584x256xf32> -> vector<584x256xf32>
    %get3A_1402 = arith.constant 1168 : index
    %get3A_1403 = arith.constant 0 : index
    %get3A_1404 = vector.load %arg43[%get3A_1402, %get3A_1403] : memref<5840x256xf32, #tpu.memory_space<vmem>>, vector<584x256xf32>
    %get3A_1405 = arith.constant 0 : index
    %get3A_1406 = arith.constant 0 : index
    %get3A_1407 = vector.load %arg29[%get3A_1405, %get3A_1406] : memref<256x256xf32, #tpu.memory_space<vmem>>, vector<256x256xf32>
    %dot_general3A_1408 = arith.constant dense<0.000000e+00> : vector<584x256xf32>
    %dot_general3A_1409 = tpu.matmul %get3A_1404, %get3A_1407, %dot_general3A_1408 {dimension_numbers = #tpu.dot_dimension_numbers<[1], [0], [0], [1], [0, 0, 1, 1], [], []>, transpose_lhs_hint = false} : vector<584x256xf32>, vector<256x256xf32>, vector<584x256xf32> -> vector<584x256xf32>
    %get3A_1410 = arith.constant 0 : index
    %get3A_1411 = arith.constant 0 : index
    %get3A_1412 = vector.load %arg30[%get3A_1410, %get3A_1411] : memref<1x256xf32, #tpu.memory_space<vmem>>, vector<1x256xf32>
    %add3A_1413 = vector.broadcast %get3A_1412 : vector<1x256xf32> to vector<584x256xf32>
    %add3A_1414 = arith.addf %dot_general3A_1409, %add3A_1413 : vector<584x256xf32>
    %mul3A_1415 = arith.mulf %dot_general3A_1401, %add3A_1414 : vector<584x256xf32>
    %add3A_1416 = arith.addf %add3A_1395, %mul3A_1415 : vector<584x256xf32>
    %div3A_1417 = arith.divf %exp3A_1330, %add3A_1351 : vector<584x4xf32>
    %get3A_1418 = arith.constant 0 : index
    %get3A_1419 = arith.constant 0 : index
    %get3A_1420 = vector.load %arg7[%get3A_1418, %get3A_1419] : memref<4x256xf32, #tpu.memory_space<vmem>>, vector<4x256xf32>
    %dot_general3A_1421 = arith.constant dense<0.000000e+00> : vector<584x256xf32>
    %dot_general3A_1422 = tpu.matmul %div3A_1417, %get3A_1420, %dot_general3A_1421 {dimension_numbers = #tpu.dot_dimension_numbers<[1], [0], [0], [1], [0, 0, 1, 1], [], []>, transpose_lhs_hint = false} : vector<584x4xf32>, vector<4x256xf32>, vector<584x256xf32> -> vector<584x256xf32>
    %get3A_1423 = arith.constant 1752 : index
    %get3A_1424 = arith.constant 0 : index
    %get3A_1425 = vector.load %arg43[%get3A_1423, %get3A_1424] : memref<5840x256xf32, #tpu.memory_space<vmem>>, vector<584x256xf32>
    %get3A_1426 = arith.constant 0 : index
    %get3A_1427 = arith.constant 0 : index
    %get3A_1428 = vector.load %arg29[%get3A_1426, %get3A_1427] : memref<256x256xf32, #tpu.memory_space<vmem>>, vector<256x256xf32>
    %dot_general3A_1429 = arith.constant dense<0.000000e+00> : vector<584x256xf32>
    %dot_general3A_1430 = tpu.matmul %get3A_1425, %get3A_1428, %dot_general3A_1429 {dimension_numbers = #tpu.dot_dimension_numbers<[1], [0], [0], [1], [0, 0, 1, 1], [], []>, transpose_lhs_hint = false} : vector<584x256xf32>, vector<256x256xf32>, vector<584x256xf32> -> vector<584x256xf32>
    %get3A_1431 = arith.constant 0 : index
    %get3A_1432 = arith.constant 0 : index
    %get3A_1433 = vector.load %arg30[%get3A_1431, %get3A_1432] : memref<1x256xf32, #tpu.memory_space<vmem>>, vector<1x256xf32>
    %add3A_1434 = vector.broadcast %get3A_1433 : vector<1x256xf32> to vector<584x256xf32>
    %add3A_1435 = arith.addf %dot_general3A_1430, %add3A_1434 : vector<584x256xf32>
    %mul3A_1436 = arith.mulf %dot_general3A_1422, %add3A_1435 : vector<584x256xf32>
    %add3A_1437 = arith.addf %add3A_1416, %mul3A_1436 : vector<584x256xf32>
    %div3A_1438 = arith.divf %exp3A_1332, %add3A_1351 : vector<584x4xf32>
    %get3A_1439 = arith.constant 0 : index
    %get3A_1440 = arith.constant 0 : index
    %get3A_1441 = vector.load %arg7[%get3A_1439, %get3A_1440] : memref<4x256xf32, #tpu.memory_space<vmem>>, vector<4x256xf32>
    %dot_general3A_1442 = arith.constant dense<0.000000e+00> : vector<584x256xf32>
    %dot_general3A_1443 = tpu.matmul %div3A_1438, %get3A_1441, %dot_general3A_1442 {dimension_numbers = #tpu.dot_dimension_numbers<[1], [0], [0], [1], [0, 0, 1, 1], [], []>, transpose_lhs_hint = false} : vector<584x4xf32>, vector<4x256xf32>, vector<584x256xf32> -> vector<584x256xf32>
    %get3A_1444 = arith.constant 2336 : index
    %get3A_1445 = arith.constant 0 : index
    %get3A_1446 = vector.load %arg43[%get3A_1444, %get3A_1445] : memref<5840x256xf32, #tpu.memory_space<vmem>>, vector<584x256xf32>
    %get3A_1447 = arith.constant 0 : index
    %get3A_1448 = arith.constant 0 : index
    %get3A_1449 = vector.load %arg29[%get3A_1447, %get3A_1448] : memref<256x256xf32, #tpu.memory_space<vmem>>, vector<256x256xf32>
    %dot_general3A_1450 = arith.constant dense<0.000000e+00> : vector<584x256xf32>
    %dot_general3A_1451 = tpu.matmul %get3A_1446, %get3A_1449, %dot_general3A_1450 {dimension_numbers = #tpu.dot_dimension_numbers<[1], [0], [0], [1], [0, 0, 1, 1], [], []>, transpose_lhs_hint = false} : vector<584x256xf32>, vector<256x256xf32>, vector<584x256xf32> -> vector<584x256xf32>
    %get3A_1452 = arith.constant 0 : index
    %get3A_1453 = arith.constant 0 : index
    %get3A_1454 = vector.load %arg30[%get3A_1452, %get3A_1453] : memref<1x256xf32, #tpu.memory_space<vmem>>, vector<1x256xf32>
    %add3A_1455 = vector.broadcast %get3A_1454 : vector<1x256xf32> to vector<584x256xf32>
    %add3A_1456 = arith.addf %dot_general3A_1451, %add3A_1455 : vector<584x256xf32>
    %mul3A_1457 = arith.mulf %dot_general3A_1443, %add3A_1456 : vector<584x256xf32>
    %add3A_1458 = arith.addf %add3A_1437, %mul3A_1457 : vector<584x256xf32>
    %div3A_1459 = arith.divf %exp3A_1334, %add3A_1351 : vector<584x4xf32>
    %get3A_1460 = arith.constant 0 : index
    %get3A_1461 = arith.constant 0 : index
    %get3A_1462 = vector.load %arg7[%get3A_1460, %get3A_1461] : memref<4x256xf32, #tpu.memory_space<vmem>>, vector<4x256xf32>
    %dot_general3A_1463 = arith.constant dense<0.000000e+00> : vector<584x256xf32>
    %dot_general3A_1464 = tpu.matmul %div3A_1459, %get3A_1462, %dot_general3A_1463 {dimension_numbers = #tpu.dot_dimension_numbers<[1], [0], [0], [1], [0, 0, 1, 1], [], []>, transpose_lhs_hint = false} : vector<584x4xf32>, vector<4x256xf32>, vector<584x256xf32> -> vector<584x256xf32>
    %get3A_1465 = arith.constant 2920 : index
    %get3A_1466 = arith.constant 0 : index
    %get3A_1467 = vector.load %arg43[%get3A_1465, %get3A_1466] : memref<5840x256xf32, #tpu.memory_space<vmem>>, vector<584x256xf32>
    %get3A_1468 = arith.constant 0 : index
    %get3A_1469 = arith.constant 0 : index
    %get3A_1470 = vector.load %arg29[%get3A_1468, %get3A_1469] : memref<256x256xf32, #tpu.memory_space<vmem>>, vector<256x256xf32>
    %dot_general3A_1471 = arith.constant dense<0.000000e+00> : vector<584x256xf32>
    %dot_general3A_1472 = tpu.matmul %get3A_1467, %get3A_1470, %dot_general3A_1471 {dimension_numbers = #tpu.dot_dimension_numbers<[1], [0], [0], [1], [0, 0, 1, 1], [], []>, transpose_lhs_hint = false} : vector<584x256xf32>, vector<256x256xf32>, vector<584x256xf32> -> vector<584x256xf32>
    %get3A_1473 = arith.constant 0 : index
    %get3A_1474 = arith.constant 0 : index
    %get3A_1475 = vector.load %arg30[%get3A_1473, %get3A_1474] : memref<1x256xf32, #tpu.memory_space<vmem>>, vector<1x256xf32>
    %add3A_1476 = vector.broadcast %get3A_1475 : vector<1x256xf32> to vector<584x256xf32>
    %add3A_1477 = arith.addf %dot_general3A_1472, %add3A_1476 : vector<584x256xf32>
    %mul3A_1478 = arith.mulf %dot_general3A_1464, %add3A_1477 : vector<584x256xf32>
    %add3A_1479 = arith.addf %add3A_1458, %mul3A_1478 : vector<584x256xf32>
    %div3A_1480 = arith.divf %exp3A_1336, %add3A_1351 : vector<584x4xf32>
    %get3A_1481 = arith.constant 0 : index
    %get3A_1482 = arith.constant 0 : index
    %get3A_1483 = vector.load %arg7[%get3A_1481, %get3A_1482] : memref<4x256xf32, #tpu.memory_space<vmem>>, vector<4x256xf32>
    %dot_general3A_1484 = arith.constant dense<0.000000e+00> : vector<584x256xf32>
    %dot_general3A_1485 = tpu.matmul %div3A_1480, %get3A_1483, %dot_general3A_1484 {dimension_numbers = #tpu.dot_dimension_numbers<[1], [0], [0], [1], [0, 0, 1, 1], [], []>, transpose_lhs_hint = false} : vector<584x4xf32>, vector<4x256xf32>, vector<584x256xf32> -> vector<584x256xf32>
    %get3A_1486 = arith.constant 3504 : index
    %get3A_1487 = arith.constant 0 : index
    %get3A_1488 = vector.load %arg43[%get3A_1486, %get3A_1487] : memref<5840x256xf32, #tpu.memory_space<vmem>>, vector<584x256xf32>
    %get3A_1489 = arith.constant 0 : index
    %get3A_1490 = arith.constant 0 : index
    %get3A_1491 = vector.load %arg29[%get3A_1489, %get3A_1490] : memref<256x256xf32, #tpu.memory_space<vmem>>, vector<256x256xf32>
    %dot_general3A_1492 = arith.constant dense<0.000000e+00> : vector<584x256xf32>
    %dot_general3A_1493 = tpu.matmul %get3A_1488, %get3A_1491, %dot_general3A_1492 {dimension_numbers = #tpu.dot_dimension_numbers<[1], [0], [0], [1], [0, 0, 1, 1], [], []>, transpose_lhs_hint = false} : vector<584x256xf32>, vector<256x256xf32>, vector<584x256xf32> -> vector<584x256xf32>
    %get3A_1494 = arith.constant 0 : index
    %get3A_1495 = arith.constant 0 : index
    %get3A_1496 = vector.load %arg30[%get3A_1494, %get3A_1495] : memref<1x256xf32, #tpu.memory_space<vmem>>, vector<1x256xf32>
    %add3A_1497 = vector.broadcast %get3A_1496 : vector<1x256xf32> to vector<584x256xf32>
    %add3A_1498 = arith.addf %dot_general3A_1493, %add3A_1497 : vector<584x256xf32>
    %mul3A_1499 = arith.mulf %dot_general3A_1485, %add3A_1498 : vector<584x256xf32>
    %add3A_1500 = arith.addf %add3A_1479, %mul3A_1499 : vector<584x256xf32>
    %div3A_1501 = arith.divf %exp3A_1338, %add3A_1351 : vector<584x4xf32>
    %get3A_1502 = arith.constant 0 : index
    %get3A_1503 = arith.constant 0 : index
    %get3A_1504 = vector.load %arg7[%get3A_1502, %get3A_1503] : memref<4x256xf32, #tpu.memory_space<vmem>>, vector<4x256xf32>
    %dot_general3A_1505 = arith.constant dense<0.000000e+00> : vector<584x256xf32>
    %dot_general3A_1506 = tpu.matmul %div3A_1501, %get3A_1504, %dot_general3A_1505 {dimension_numbers = #tpu.dot_dimension_numbers<[1], [0], [0], [1], [0, 0, 1, 1], [], []>, transpose_lhs_hint = false} : vector<584x4xf32>, vector<4x256xf32>, vector<584x256xf32> -> vector<584x256xf32>
    %get3A_1507 = arith.constant 4088 : index
    %get3A_1508 = arith.constant 0 : index
    %get3A_1509 = vector.load %arg43[%get3A_1507, %get3A_1508] : memref<5840x256xf32, #tpu.memory_space<vmem>>, vector<584x256xf32>
    %get3A_1510 = arith.constant 0 : index
    %get3A_1511 = arith.constant 0 : index
    %get3A_1512 = vector.load %arg29[%get3A_1510, %get3A_1511] : memref<256x256xf32, #tpu.memory_space<vmem>>, vector<256x256xf32>
    %dot_general3A_1513 = arith.constant dense<0.000000e+00> : vector<584x256xf32>
    %dot_general3A_1514 = tpu.matmul %get3A_1509, %get3A_1512, %dot_general3A_1513 {dimension_numbers = #tpu.dot_dimension_numbers<[1], [0], [0], [1], [0, 0, 1, 1], [], []>, transpose_lhs_hint = false} : vector<584x256xf32>, vector<256x256xf32>, vector<584x256xf32> -> vector<584x256xf32>
    %get3A_1515 = arith.constant 0 : index
    %get3A_1516 = arith.constant 0 : index
    %get3A_1517 = vector.load %arg30[%get3A_1515, %get3A_1516] : memref<1x256xf32, #tpu.memory_space<vmem>>, vector<1x256xf32>
    %add3A_1518 = vector.broadcast %get3A_1517 : vector<1x256xf32> to vector<584x256xf32>
    %add3A_1519 = arith.addf %dot_general3A_1514, %add3A_1518 : vector<584x256xf32>
    %mul3A_1520 = arith.mulf %dot_general3A_1506, %add3A_1519 : vector<584x256xf32>
    %add3A_1521 = arith.addf %add3A_1500, %mul3A_1520 : vector<584x256xf32>
    %div3A_1522 = arith.divf %exp3A_1340, %add3A_1351 : vector<584x4xf32>
    %get3A_1523 = arith.constant 0 : index
    %get3A_1524 = arith.constant 0 : index
    %get3A_1525 = vector.load %arg7[%get3A_1523, %get3A_1524] : memref<4x256xf32, #tpu.memory_space<vmem>>, vector<4x256xf32>
    %dot_general3A_1526 = arith.constant dense<0.000000e+00> : vector<584x256xf32>
    %dot_general3A_1527 = tpu.matmul %div3A_1522, %get3A_1525, %dot_general3A_1526 {dimension_numbers = #tpu.dot_dimension_numbers<[1], [0], [0], [1], [0, 0, 1, 1], [], []>, transpose_lhs_hint = false} : vector<584x4xf32>, vector<4x256xf32>, vector<584x256xf32> -> vector<584x256xf32>
    %get3A_1528 = arith.constant 4672 : index
    %get3A_1529 = arith.constant 0 : index
    %get3A_1530 = vector.load %arg43[%get3A_1528, %get3A_1529] : memref<5840x256xf32, #tpu.memory_space<vmem>>, vector<584x256xf32>
    %get3A_1531 = arith.constant 0 : index
    %get3A_1532 = arith.constant 0 : index
    %get3A_1533 = vector.load %arg29[%get3A_1531, %get3A_1532] : memref<256x256xf32, #tpu.memory_space<vmem>>, vector<256x256xf32>
    %dot_general3A_1534 = arith.constant dense<0.000000e+00> : vector<584x256xf32>
    %dot_general3A_1535 = tpu.matmul %get3A_1530, %get3A_1533, %dot_general3A_1534 {dimension_numbers = #tpu.dot_dimension_numbers<[1], [0], [0], [1], [0, 0, 1, 1], [], []>, transpose_lhs_hint = false} : vector<584x256xf32>, vector<256x256xf32>, vector<584x256xf32> -> vector<584x256xf32>
    %get3A_1536 = arith.constant 0 : index
    %get3A_1537 = arith.constant 0 : index
    %get3A_1538 = vector.load %arg30[%get3A_1536, %get3A_1537] : memref<1x256xf32, #tpu.memory_space<vmem>>, vector<1x256xf32>
    %add3A_1539 = vector.broadcast %get3A_1538 : vector<1x256xf32> to vector<584x256xf32>
    %add3A_1540 = arith.addf %dot_general3A_1535, %add3A_1539 : vector<584x256xf32>
    %mul3A_1541 = arith.mulf %dot_general3A_1527, %add3A_1540 : vector<584x256xf32>
    %add3A_1542 = arith.addf %add3A_1521, %mul3A_1541 : vector<584x256xf32>
    %div3A_1543 = arith.divf %exp3A_1342, %add3A_1351 : vector<584x4xf32>
    %get3A_1544 = arith.constant 0 : index
    %get3A_1545 = arith.constant 0 : index
    %get3A_1546 = vector.load %arg7[%get3A_1544, %get3A_1545] : memref<4x256xf32, #tpu.memory_space<vmem>>, vector<4x256xf32>
    %dot_general3A_1547 = arith.constant dense<0.000000e+00> : vector<584x256xf32>
    %dot_general3A_1548 = tpu.matmul %div3A_1543, %get3A_1546, %dot_general3A_1547 {dimension_numbers = #tpu.dot_dimension_numbers<[1], [0], [0], [1], [0, 0, 1, 1], [], []>, transpose_lhs_hint = false} : vector<584x4xf32>, vector<4x256xf32>, vector<584x256xf32> -> vector<584x256xf32>
    %get3A_1549 = arith.constant 5256 : index
    %get3A_1550 = arith.constant 0 : index
    %get3A_1551 = vector.load %arg43[%get3A_1549, %get3A_1550] : memref<5840x256xf32, #tpu.memory_space<vmem>>, vector<584x256xf32>
    %get3A_1552 = arith.constant 0 : index
    %get3A_1553 = arith.constant 0 : index
    %get3A_1554 = vector.load %arg29[%get3A_1552, %get3A_1553] : memref<256x256xf32, #tpu.memory_space<vmem>>, vector<256x256xf32>
    %dot_general3A_1555 = arith.constant dense<0.000000e+00> : vector<584x256xf32>
    %dot_general3A_1556 = tpu.matmul %get3A_1551, %get3A_1554, %dot_general3A_1555 {dimension_numbers = #tpu.dot_dimension_numbers<[1], [0], [0], [1], [0, 0, 1, 1], [], []>, transpose_lhs_hint = false} : vector<584x256xf32>, vector<256x256xf32>, vector<584x256xf32> -> vector<584x256xf32>
    %get3A_1557 = arith.constant 0 : index
    %get3A_1558 = arith.constant 0 : index
    %get3A_1559 = vector.load %arg30[%get3A_1557, %get3A_1558] : memref<1x256xf32, #tpu.memory_space<vmem>>, vector<1x256xf32>
    %add3A_1560 = vector.broadcast %get3A_1559 : vector<1x256xf32> to vector<584x256xf32>
    %add3A_1561 = arith.addf %dot_general3A_1556, %add3A_1560 : vector<584x256xf32>
    %mul3A_1562 = arith.mulf %dot_general3A_1548, %add3A_1561 : vector<584x256xf32>
    %add3A_1563 = arith.addf %add3A_1542, %mul3A_1562 : vector<584x256xf32>
    %get3A_1564 = arith.constant 0 : index
    %get3A_1565 = arith.constant 0 : index
    %get3A_1566 = vector.load %arg31[%get3A_1564, %get3A_1565] : memref<256x256xf32, #tpu.memory_space<vmem>>, vector<256x256xf32>
    %dot_general3A_1567 = arith.constant dense<0.000000e+00> : vector<584x256xf32>
    %dot_general3A_1568 = tpu.matmul %add3A_1563, %get3A_1566, %dot_general3A_1567 {dimension_numbers = #tpu.dot_dimension_numbers<[1], [0], [0], [1], [0, 0, 1, 1], [], []>, transpose_lhs_hint = false} : vector<584x256xf32>, vector<256x256xf32>, vector<584x256xf32> -> vector<584x256xf32>
    %get3A_1569 = arith.constant 0 : index
    %get3A_1570 = arith.constant 0 : index
    %get3A_1571 = vector.load %arg32[%get3A_1569, %get3A_1570] : memref<1x256xf32, #tpu.memory_space<vmem>>, vector<1x256xf32>
    %add3A_1572 = vector.broadcast %get3A_1571 : vector<1x256xf32> to vector<584x256xf32>
    %add3A_1573 = arith.addf %dot_general3A_1568, %add3A_1572 : vector<584x256xf32>
    %add3A_1574 = arith.addf %add3A_978, %add3A_1573 : vector<584x256xf32>
    %get3A_1575 = arith.constant 0 : index
    %get3A_1576 = arith.constant 0 : index
    %get3A_1577 = vector.load %arg38[%get3A_1575, %get3A_1576] : memref<1x256xf32, #tpu.memory_space<vmem>>, vector<1x256xf32>
    %get3A_1578 = arith.constant 0 : index
    %get3A_1579 = arith.constant 0 : index
    %get3A_1580 = vector.load %arg39[%get3A_1578, %get3A_1579] : memref<1x256xf32, #tpu.memory_space<vmem>>, vector<1x256xf32>
    %reduce_sum3A_1581 = arith.constant dense<0.000000e+00> : vector<584xf32>
    %reduce_sum3A_1582 = vector.multi_reduction <add>, %add3A_1574, %reduce_sum3A_1581 [1] : vector<584x256xf32> to vector<584xf32>
    %broadcast_in_dim3A_1583 = vector.shape_cast %reduce_sum3A_1582 : vector<584xf32> to vector<584x1xf32>
    %div3A_1584 = arith.constant 2.560000e+02 : f32
    %div3A_1585 = vector.broadcast %div3A_1584 : f32 to vector<584x1xf32>
    %div3A_1586 = arith.divf %broadcast_in_dim3A_1583, %div3A_1585 : vector<584x1xf32>
    %sub3A_1587 = vector.broadcast %div3A_1586 : vector<584x1xf32> to vector<584x256xf32>
    %sub3A_1588 = arith.subf %add3A_1574, %sub3A_1587 : vector<584x256xf32>
    %sub3A_1589 = vector.broadcast %div3A_1586 : vector<584x1xf32> to vector<584x256xf32>
    %sub3A_1590 = arith.subf %add3A_1574, %sub3A_1589 : vector<584x256xf32>
    %mul3A_1591 = arith.mulf %sub3A_1588, %sub3A_1590 : vector<584x256xf32>
    %reduce_sum3A_1592 = arith.constant dense<0.000000e+00> : vector<584xf32>
    %reduce_sum3A_1593 = vector.multi_reduction <add>, %mul3A_1591, %reduce_sum3A_1592 [1] : vector<584x256xf32> to vector<584xf32>
    %broadcast_in_dim3A_1594 = vector.shape_cast %reduce_sum3A_1593 : vector<584xf32> to vector<584x1xf32>
    %div3A_1595 = arith.constant 2.560000e+02 : f32
    %div3A_1596 = vector.broadcast %div3A_1595 : f32 to vector<584x1xf32>
    %div3A_1597 = arith.divf %broadcast_in_dim3A_1594, %div3A_1596 : vector<584x1xf32>
    %sub3A_1598 = vector.broadcast %div3A_1586 : vector<584x1xf32> to vector<584x256xf32>
    %sub3A_1599 = arith.subf %add3A_1574, %sub3A_1598 : vector<584x256xf32>
    %add3A_1600 = arith.constant 9.99999974E-6 : f32
    %add3A_1601 = vector.broadcast %add3A_1600 : f32 to vector<584x1xf32>
    %add3A_1602 = arith.addf %div3A_1597, %add3A_1601 : vector<584x1xf32>
    %sqrt3A_1603 = math.sqrt %add3A_1602 : vector<584x1xf32>
    %div3A_1604 = vector.broadcast %sqrt3A_1603 : vector<584x1xf32> to vector<584x256xf32>
    %div3A_1605 = arith.divf %sub3A_1599, %div3A_1604 : vector<584x256xf32>
    %mul3A_1606 = vector.broadcast %get3A_1577 : vector<1x256xf32> to vector<584x256xf32>
    %mul3A_1607 = arith.mulf %div3A_1605, %mul3A_1606 : vector<584x256xf32>
    %add3A_1608 = vector.broadcast %get3A_1580 : vector<1x256xf32> to vector<584x256xf32>
    %add3A_1609 = arith.addf %mul3A_1607, %add3A_1608 : vector<584x256xf32>
    %get3A_1610 = arith.constant 0 : index
    %get3A_1611 = arith.constant 0 : index
    %get3A_1612 = vector.load %arg34[%get3A_1610, %get3A_1611] : memref<256x1024xf32, #tpu.memory_space<vmem>>, vector<256x1024xf32>
    %dot_general3A_1613 = arith.constant dense<0.000000e+00> : vector<584x1024xf32>
    %dot_general3A_1614 = tpu.matmul %add3A_1609, %get3A_1612, %dot_general3A_1613 {dimension_numbers = #tpu.dot_dimension_numbers<[1], [0], [0], [1], [0, 0, 1, 1], [], []>, transpose_lhs_hint = false} : vector<584x256xf32>, vector<256x1024xf32>, vector<584x1024xf32> -> vector<584x1024xf32>
    %get3A_1615 = arith.constant 0 : index
    %get3A_1616 = arith.constant 0 : index
    %get3A_1617 = vector.load %arg35[%get3A_1615, %get3A_1616] : memref<1x1024xf32, #tpu.memory_space<vmem>>, vector<1x1024xf32>
    %add3A_1618 = vector.broadcast %get3A_1617 : vector<1x1024xf32> to vector<584x1024xf32>
    %add3A_1619 = arith.addf %dot_general3A_1614, %add3A_1618 : vector<584x1024xf32>
    %max3A_1620 = arith.constant 0.000000e+00 : f32
    %max3A_1621 = vector.broadcast %max3A_1620 : f32 to vector<584x1024xf32>
    %max3A_1622 = arith.maximumf %add3A_1619, %max3A_1621 : vector<584x1024xf32>
    %get3A_1623 = arith.constant 0 : index
    %get3A_1624 = arith.constant 0 : index
    %get3A_1625 = vector.load %arg36[%get3A_1623, %get3A_1624] : memref<1024x256xf32, #tpu.memory_space<vmem>>, vector<1024x256xf32>
    %dot_general3A_1626 = arith.constant dense<0.000000e+00> : vector<584x256xf32>
    %dot_general3A_1627 = tpu.matmul %max3A_1622, %get3A_1625, %dot_general3A_1626 {dimension_numbers = #tpu.dot_dimension_numbers<[1], [0], [0], [1], [0, 0, 1, 1], [], []>, transpose_lhs_hint = false} : vector<584x1024xf32>, vector<1024x256xf32>, vector<584x256xf32> -> vector<584x256xf32>
    %get3A_1628 = arith.constant 0 : index
    %get3A_1629 = arith.constant 0 : index
    %get3A_1630 = vector.load %arg37[%get3A_1628, %get3A_1629] : memref<1x256xf32, #tpu.memory_space<vmem>>, vector<1x256xf32>
    %add3A_1631 = vector.broadcast %get3A_1630 : vector<1x256xf32> to vector<584x256xf32>
    %add3A_1632 = arith.addf %dot_general3A_1627, %add3A_1631 : vector<584x256xf32>
    %add3A_1633 = arith.addf %add3A_1609, %add3A_1632 : vector<584x256xf32>
    %get3A_1634 = arith.constant 0 : index
    %get3A_1635 = arith.constant 0 : index
    %get3A_1636 = vector.load %arg40[%get3A_1634, %get3A_1635] : memref<1x256xf32, #tpu.memory_space<vmem>>, vector<1x256xf32>
    %get3A_1637 = arith.constant 0 : index
    %get3A_1638 = arith.constant 0 : index
    %get3A_1639 = vector.load %arg41[%get3A_1637, %get3A_1638] : memref<1x256xf32, #tpu.memory_space<vmem>>, vector<1x256xf32>
    %reduce_sum3A_1640 = arith.constant dense<0.000000e+00> : vector<584xf32>
    %reduce_sum3A_1641 = vector.multi_reduction <add>, %add3A_1633, %reduce_sum3A_1640 [1] : vector<584x256xf32> to vector<584xf32>
    %broadcast_in_dim3A_1642 = vector.shape_cast %reduce_sum3A_1641 : vector<584xf32> to vector<584x1xf32>
    %div3A_1643 = arith.constant 2.560000e+02 : f32
    %div3A_1644 = vector.broadcast %div3A_1643 : f32 to vector<584x1xf32>
    %div3A_1645 = arith.divf %broadcast_in_dim3A_1642, %div3A_1644 : vector<584x1xf32>
    %sub3A_1646 = vector.broadcast %div3A_1645 : vector<584x1xf32> to vector<584x256xf32>
    %sub3A_1647 = arith.subf %add3A_1633, %sub3A_1646 : vector<584x256xf32>
    %sub3A_1648 = vector.broadcast %div3A_1645 : vector<584x1xf32> to vector<584x256xf32>
    %sub3A_1649 = arith.subf %add3A_1633, %sub3A_1648 : vector<584x256xf32>
    %mul3A_1650 = arith.mulf %sub3A_1647, %sub3A_1649 : vector<584x256xf32>
    %reduce_sum3A_1651 = arith.constant dense<0.000000e+00> : vector<584xf32>
    %reduce_sum3A_1652 = vector.multi_reduction <add>, %mul3A_1650, %reduce_sum3A_1651 [1] : vector<584x256xf32> to vector<584xf32>
    %broadcast_in_dim3A_1653 = vector.shape_cast %reduce_sum3A_1652 : vector<584xf32> to vector<584x1xf32>
    %div3A_1654 = arith.constant 2.560000e+02 : f32
    %div3A_1655 = vector.broadcast %div3A_1654 : f32 to vector<584x1xf32>
    %div3A_1656 = arith.divf %broadcast_in_dim3A_1653, %div3A_1655 : vector<584x1xf32>
    %sub3A_1657 = vector.broadcast %div3A_1645 : vector<584x1xf32> to vector<584x256xf32>
    %sub3A_1658 = arith.subf %add3A_1633, %sub3A_1657 : vector<584x256xf32>
    %add3A_1659 = arith.constant 9.99999974E-6 : f32
    %add3A_1660 = vector.broadcast %add3A_1659 : f32 to vector<584x1xf32>
    %add3A_1661 = arith.addf %div3A_1656, %add3A_1660 : vector<584x1xf32>
    %sqrt3A_1662 = math.sqrt %add3A_1661 : vector<584x1xf32>
    %div3A_1663 = vector.broadcast %sqrt3A_1662 : vector<584x1xf32> to vector<584x256xf32>
    %div3A_1664 = arith.divf %sub3A_1658, %div3A_1663 : vector<584x256xf32>
    %mul3A_1665 = vector.broadcast %get3A_1636 : vector<1x256xf32> to vector<584x256xf32>
    %mul3A_1666 = arith.mulf %div3A_1664, %mul3A_1665 : vector<584x256xf32>
    %add3A_1667 = vector.broadcast %get3A_1639 : vector<1x256xf32> to vector<584x256xf32>
    %add3A_1668 = arith.addf %mul3A_1666, %add3A_1667 : vector<584x256xf32>
    %swap3A_1669 = arith.constant 0 : index
    %swap3A_1670 = arith.constant 0 : index
    %swap3A_1671 = vector.load %arg42[%swap3A_1669, %swap3A_1670] : memref<584x256xf32, #tpu.memory_space<vmem>>, vector<584x256xf32>
    tpu.vector_store %arg42[%swap3A_1669, %swap3A_1670], %add3A_1668 {strides = array<i32>} : memref<584x256xf32, #tpu.memory_space<vmem>>, vector<584x256xf32>,
    return
  }
}

</mosaic_0001>

<sc_bundles>
// kernel: kernel.5.cloned.1.call-start
scs
__scs_entry_jumppad:
0x0: {  	(pc) =	sbr.rel $0x88, $3  }
0x1: {  	(tag) =	ssettag $0x0;
	lr =	simm.s32 $0x1  }
0x2: {  	[smem:$0x3F7A] =	sst lr;
	_ =	strace $0xD0000000  }
0x3: {  	_ = 	snop  }
0x4: {  	_ = 	snop  }
0x5: {  	_ = 	snop  }
0x6: {  	_ = 	snop  }
0x7: {  	_ = 	snop  }
__scs_overlays_trampoline_lowered:
0x8: {  	[smem:$0x3F89] =	sst s0  }
0x9: {  	[smem:$0x3F8A] =	sst s1  }
0xa: {  	[smem:$0x3F8B] =	sst s2  }
0xb: {  	[smem:$0x3F8C] =	sst s3  }
0xc: {  	[smem:$0x3F8D] =	sst s4  }
0xd: {  	[smem:$0x3F8E] =	sst s5  }
0xe: {  	[smem:$0x3F8F] =	sst s6  }
0xf: {  	[smem:$0x3F90] =	sst s7  }
0x10: {  	[smem:$0x3F91] =	sst s8  }
0x11: {  	[smem:$0x3F92] =	sst s9;
	s0 =	simm.s32 @!p0 $0x0  }
0x12: {  	s1 =	sld [smem:$0x3F78];
	s0 =	simm.s32 @p0 $0x1  }
0x13: {  	[smem:$0x3F93] =	sst s0;
	s0 =	simm.s32 @!p1 $0x0  }
0x14: {  	s2 =	sld [smem:$0x3F77];
	s0 =	simm.s32 @p1 $0x1  }
0x15: {  	[smem:$0x3F94] =	sst s0;
	s0 =	simm.s32 @!p2 $0x0  }
0x16: {  	s3 =	sld [smem:$0x3FDB];
	s0 =	simm.s32 @p2 $0x1  }
0x17: {  	s4 =	simm.s32 $0x1BF5;
	[smem:$0x3F96] =	sst s0  }
0x18: {  	s0 =	sld [smem:$0x3F79];
	_ =	swait.ge [sflag:s4], $0x0  }
0x19: {  	s7 =	sld [smem:$0x3F7A]  }
0x1a: {  	s8 =	sadd.s32 $0xFFFFE003, lr  }
0x1b: {  	s9 =	sadd.s32 $0xFFFFFEF7, lr;
	s5 =	simm.s32 $0xFFFFFFFF;
	p2 =	slt.u32 s8, $0xFFFFF086  }
0x1c: {  	p1 =	slt.u32 s9, $0xF7A;
	s5 =	simm.s32 @!p2 $0x0  }
0x1d: {  	s5 =	simm.s32 @p1 $0x1;
	p0 =	seq.s32 s7, s2  }
0x1e: {  	s7 =	smul.u32 @!p0 $0xF7A, s2;
	p2 =	seq.s32 @!p0 s5, $0x0  }
0x1f: {  	s9 =	smul.u32 $0xF7A, s1;
	s8 =	simm.s32 @!p0 $0x1BF5;
	p2 =	por !p2, p0  }
0x20: {  	[sflag:s8] =	ssyncset.s32 @!p0 $0xFFFFF086;
	s6 =	sadd.s32 @!p0 s3, s7;
	s7 =	simm.s32 @!p0 $0x108  }
0x21: {  	s3 =	sadd.s32 s3, s9;
	s6 =	sadd.s32 @!p0 $0x88, s6;
	s7 =	simm.s32 @p2 $0x1082  }
0x22: {  	[simem:s7], [sflag:s8] =	dma.local @!p0 [hbm:s6], $0xF7A  }
0x23: {  	s9 =	sor.u32 $0xD0000000, s2;
	s6 =	simm.s32 $0x108;
	_ =	swait.ge @!p0 [sflag:s8], $0x0  }
0x24: {  	s3 =	sadd.s32 $0x88, s3;
	s6 =	simm.s32 @!p1 $0x1082;
	[sflag:s4] =	ssyncset.s32 $0xFFFFF086  }
0x25: {  	[simem:s6], [sflag:s4] =	dma.local [hbm:s3], $0xF7A  }
0x26: {  	[smem:$0x3F7A] =	sst s1;
	(tag) =	ssettag s2;
	_ =	strace s9  }
0x27: {  	s1 =	sld [smem:$0x3F8A]  }
0x28: {  	s2 =	sld [smem:$0x3F8B]  }
0x29: {  	s4 =	sld [smem:$0x3F8D]  }
0x2a: {  	p0 =	seq.s32 s5, $0x0;
	s5 =	sld [smem:$0x3F8E]  }
0x2b: {  	s6 =	sld [smem:$0x3F8F]  }
0x2c: {  	s7 =	sld [smem:$0x3F90]  }
0x2d: {  	s3 =	simm.s32 $0x108;
	s8 =	sld [smem:$0x3F91]  }
0x2e: {  	s3 =	simm.s32 @!p0 $0x1082;
	s9 =	sld [smem:$0x3F92]  }
0x2f: {  	lr =	sadd.s32 s0, s3;
	s0 =	sld [smem:$0x3F89]  }
0x30: {  	s3 =	sld [smem:$0x3F8C]  }
0x31: {  	[smem:$0x3F95] =	sst s10  }
0x32: {  	s10 =	sld [smem:$0x3F93];
	_ =	sdelay $0x3  }
0x33: {  	p0 =	seq.s32 s10, $0x1;
	s10 =	sld [smem:$0x3F95];
	_ =	sdelay $0x3  }
0x34: {  	[smem:$0x3F95] =	sst s10  }
0x35: {  	s10 =	sld [smem:$0x3F94];
	_ =	sdelay $0x3  }
0x36: {  	p1 =	seq.s32 s10, $0x1;
	s10 =	sld [smem:$0x3F95];
	_ =	sdelay $0x3  }
0x37: {  	[smem:$0x3F95] =	sst s10  }
0x38: {  	s10 =	sld [smem:$0x3F96]  }
0x39: {  	_ = 	snop;
	(pc) =	sbr.ind lr, $3  }
0x3a: {  	_ = 	snop  }
0x3b: {  	_ = 	snop  }
0x3c: {  	p2 =	seq.s32 s10, $0x1;
	s10 =	sld [smem:$0x3F95]  }
0x3d: {  	_ =	shalt  }
0x3e: {  	_ =	shalt  }
0x3f: {  	_ =	shalt  }
0x40: {  	_ =	shalt  }
0x41: {  	_ =	shalt  }
0x42: {  	_ =	shalt  }
0x43: {  	_ =	shalt  }
0x44: {  	_ =	shalt  }
0x45: {  	_ =	shalt  }
0x46: {  	_ =	shalt  }
0x47: {  	_ =	shalt  }
0x48: {  	_ =	shalt  }
0x49: {  	_ =	shalt  }
0x4a: {  	_ =	shalt  }
0x4b: {  	_ =	shalt  }
0x4c: {  	_ =	shalt  }
0x4d: {  	_ =	shalt  }
0x4e: {  	_ =	shalt  }
0x4f: {  	_ =	shalt  }
0x50: {  	_ =	shalt  }
0x51: {  	_ =	shalt  }
0x52: {  	_ =	shalt  }
0x53: {  	_ =	shalt  }
0x54: {  	_ =	shalt  }
0x55: {  	_ =	shalt  }
0x56: {  	_ =	shalt  }
0x57: {  	_ =	shalt  }
0x58: {  	_ =	shalt  }
0x59: {  	_ =	shalt  }
0x5a: {  	_ =	shalt  }
0x5b: {  	_ =	shalt  }
0x5c: {  	_ =	shalt  }
0x5d: {  	_ =	shalt  }
0x5e: {  	_ =	shalt  }
0x5f: {  	_ =	shalt  }
0x60: {  	_ =	shalt  }
0x61: {  	_ =	shalt  }
0x62: {  	_ =	shalt  }
0x63: {  	_ =	shalt  }
0x64: {  	_ =	shalt  }
0x65: {  	_ =	shalt  }
0x66: {  	_ =	shalt  }
0x67: {  	_ =	shalt  }
0x68: {  	_ =	shalt  }
0x69: {  	_ =	shalt  }
0x6a: {  	_ =	shalt  }
0x6b: {  	_ =	shalt  }
0x6c: {  	_ =	shalt  }
0x6d: {  	_ =	shalt  }
0x6e: {  	_ =	shalt  }
0x6f: {  	_ =	shalt  }
0x70: {  	_ =	shalt  }
0x71: {  	_ =	shalt  }
0x72: {  	_ =	shalt  }
0x73: {  	_ =	shalt  }
0x74: {  	_ =	shalt  }
0x75: {  	_ =	shalt  }
0x76: {  	_ =	shalt  }
0x77: {  	_ =	shalt  }
0x78: {  	_ =	shalt  }
0x79: {  	_ =	shalt  }
0x7a: {  	_ =	shalt  }
0x7b: {  	_ =	shalt  }
0x7c: {  	_ =	shalt  }
0x7d: {  	_ =	shalt  }
0x7e: {  	_ =	shalt  }
0x7f: {  	_ =	shalt  }
0x80: {  	_ =	shalt  }
0x81: {  	_ =	shalt  }
0x82: {  	_ =	shalt  }
0x83: {  	_ =	shalt  }
0x84: {  	_ =	shalt  }
0x85: {  	_ =	shalt  }
0x86: {  	_ =	shalt  }
0x87: {  	_ =	shalt  }
.Lfunc_end0:
.L_simem_size_0:
called_computation_lowered:
.L_overlay_start_0:
0x88: {  	s2 =	sld [smem:$0x3FD9]  }
0x89: {  	s3 =	sld [smem:$0x3FFE];
	_ =	sdelay $0x1  }
0x8a: {  	s1 =	srdreg.scid  }
0x8b: {  	s0 =	sand.u32 $0x1, s1  }
0x8c: {  	s14 =	sshll.u32 s0, $0xA;
	s2 =	sadd.s32 s3, s2  }
0x8d: {  	s2 =	sadd.s32 s2, s14  }
0x8e: {  	[smem:$0x3FA1] =	sst s2  }
0x8f: {  	_ = 	snop  }
0x90: {  	s2 =	sld [smem:$0x3FD0];
	_ =	sdelay $0x2  }
0x91: {  	s4 =	simm.s32 $0xA;
	s5 =	simm.s32 $0x10;
	s15 =	sld [smem:$0x3FC9]  }
0x92: {  	[smem:s5], [sflag:s4] =	dma.local [hbm:s2], $0x1  }
0x93: {  	_ =	swait.eq [sflag:s4], $0x1  }
0x94: {  	[sflag:s4] =	ssyncset.done $0x0  }
0x95: {  	[sflag:s4] =	ssyncadd.s32 $0xFFFFFFFF  }
0x96: {  	s16 =	sld [smem:$0x10];
	(tm) =	ssettm $0x1  }
0x97: {  	s17 =	sld [smem:$0x3FFB];
	_ =	sdelay $0x3  }
0x98: {  	_ =	strace s17  }
0x99: {  	s4 =	sld [smem:$0x3FFC];
	_ =	sdelay $0x3  }
0x9a: {  	_ =	strace s4  }
0x9b: {  	s4 =	sld [smem:$0x3FFD];
	_ =	sdelay $0x3  }
0x9c: {  	_ =	strace s4  }
0x9d: {  	_ =	strace $0x8FFFFFFF  }
0x9e: {  	s18 =	sld [smem:$0x3FDB];
	_ =	sdelay $0x1  }
0x9f: {  	s19 =	simm.s32 $_scs_section_size  }
0xa0: {  	s6 =	simm.s32 $_size__tile_overlayer_lowered;
	s7 =	simm.s32 $_tile_overlayer_lowered  }
0xa1: {  	s22 =	simm.s32 $0x1BFF;
	s21 =	sshll.u32 s7, $0x1;
	s4 =	sadd.s32 s19, s18  }
0xa2: {  	s8 =	simm.s32 $0x0;
	s20 =	sshll.u32 s6, $0x1;
	s6 =	sadd.s32 s21, s4  }
0xa3: {  	[timem:s8], [sflag:s22] =	dma.local [hbm:s6], s20  }
0xa4: {  	_ =	swait.ge [sflag:s22], s20  }
0xa5: {  	s5 =	ssub.s32 $0x0, s20;
	[sflag:s22] =	ssyncset.done $0x0  }
0xa6: {  	[sflag:s22] =	ssyncadd.s32 s5;
	_ =	sdelay $0x1  }
0xa7: {  	s23 =	simm.s32 $0x1B8B  }
0xa8: {  	_ =	swait.ge [sflag:s23], $0x1  }
0xa9: {  	[sflag:s23] =	ssyncset.done $0x0  }
0xaa: {  	s25 =	simm.s32 $0x1B8E;
	s24 =	sld [smem:$0x3FFE];
	[sflag:s23] =	ssyncadd.s32 $0xFFFFFFFF  }
0xab: {  	s26 =	simm.s32 $execute0_lowered;
	[smem:$0x3FD2] =	sst s25  }
0xac: {  	s6 =	sshll.u32 s26, $0x1;
	_ =	strace $0x80000046;
	[dreg:$0x1] =	wrdreg $0xFFFFFFFF  }
0xad: {  	s28 =	simm.s32 $_size_execute0_lowered;
	s4 =	sadd.s32 s4, s6;
	[dreg:$0x0] =	wrdreg $0x0  }
0xae: {  	s6 =	sshll.u32 s28, $0x1;
	[dreg:$0x2] =	wrdreg s4  }
0xaf: {  	[dreg:$0x3] =	wrdreg s6  }
0xb0: {  	[dreg:$0x4] =	wrdreg $0xC0  }
0xb1: {  	_ =	task [dreg:s8], $0x5FFFF  }
0xb2: {  	[dreg:$0x1] =	wrdreg $0xFFFFFFFF  }
0xb3: {  	[dreg:$0x0] =	wrdreg $0x60  }
0xb4: {  	[dreg:$0x2] =	wrdreg s16  }
0xb5: {  	[dreg:$0x3] =	wrdreg s15  }
0xb6: {  	[dreg:$0x4] =	wrdreg s24  }
0xb7: {  	[dreg:$0x5] =	wrdreg $0x9  }
0xb8: {  	_ =	task.clear_ibuf [dreg:s8], $0x6FFFF;
	_ =	strace $0x90000046  }
0xb9: {  	s29 =	simm.s32 $0x9;
	_ =	strace $0x80000048  }
0xba: {  	_ =	swait.ge [sflag:s29], $0x1  }
0xbb: {  	[sflag:s29] =	ssyncadd.s32 $0xFFFFFFFF  }
0xbc: {  	_ =	strace $0x90000048  }
0xbd: {  	_ =	sfence  }
0xbe: {  	s30 =	sld [smem:$0x0];
	_ =	sdelay $0x2  }
0xbf: {  	s31 =	sshll.u32 s1, $0xD;
	s1 =	sshrl.u32 s1, $0x2  }
0xc0: {  	s3 =	sand.u32 $0x4000, s31;
	s1 =	sadd.s32 s1, s30  }
0xc1: {  	s0 =	sor.u32 s3, s0;
	s1 =	sshll.u32 s1, $0x11  }
0xc2: {  	s0 =	sor.u32 s1, s0  }
0xc3: {  	s0 =	sadd.s32 $0x8F2B, s0  }
0xc4: {  	[sflag:s0] =	ssyncadd.remote.s32 $0x1  }
0xc5: {  	_ =	sfence.sel $0xFFFF  }
0xc6: {  	[dreg:$0x0] =	wrdreg $0xFFFFFFFF;
	(pc) =	sbr.abs _section_cstart, $3  }
0xc7: {  	[dreg:$0x1] =	wrdreg $0xFFFFFFFF  }
0xc8: {  	_ =	task.clear_ibuf [dreg:s8], $0x2FFFF;
	_ =	strace $0x9FFFFFFF  }
0xc9: {  	(tm) =	ssettm $0x7FFFFFFF  }
tec
execute0_lowered:
.L_overlay_start_1:
0x0: {  	(tag) =	ssettag $0x1  }
0x1: {  	s8 =	rddreg [dreg:$0x0]  }
0x2: {  	s1 =	rddreg [dreg:$0x1]  }
0x3: {  	s5 =	rddreg [dreg:$0x2]  }
0x4: {  	s0 =	rddreg [dreg:$0x3];
	s3 =	simm.s32 $0x0;
	s4 =	srdreg.scid  }
0x5: {  	s2 =	stileid.u32;
	s14 =	simm.s32 $0x880;
	s15 =	simm.s32 $0x1080  }
0x6: {  	s16 =	simm.s32 $0x1880;
	s17 =	simm.s32 $0x2080;
	s18 =	simm.s32 $0x2880  }
0x7: {  	s19 =	simm.s32 $0x3080;
	s20 =	simm.s32 $0x3880;
	s21 =	simm.s32 $0x4080  }
0x8: {  	s22 =	simm.s32 $0x4880;
	s28 =	simm.s32 $0x6880;
	s29 =	simm.s32 $0x1  }
0x9: {  	s30 =	simm.s32 $0x2;
	s6 =	sand.u32 $0x1, s4;
	s23 =	sshll.u32 s2, $0x1  }
0xa: {  	[smem:$0x7FF] =	sst s3;
	s4 =	sadd.s32 $0x5400, s5;
	s7 =	sor.u32 s6, s23  }
0xb: {  	s9 =	sadd.s32 $0x25400, s5;
	s11 =	sadd.s32 $0x59400, s5;
	s10 =	smul.u32 $0xD0, s7  }
0xc: {  	_ =	strace $0x80000047;
	s24 =	ssub.s32 $0x2, s6;
	s25 =	smul.u32 $0x1A00, s7  }
0xd: {  	s23 =	simm.s32 $0x5080;
	s12 =	sshrl.u32 s24, $0x1;
	s7 =	smul.u32 $0xD00, s7  }
0xe: {  	s12 =	ssub.s32 s24, s12;
	s24 =	simm.s32 $0x5880;
	s13 =	sshrl.u32 s10, $0x3  }
0xf: {  	s10 =	sadd.s32 $0x68, s10;
	s6 =	sadd.s32 s9, s25;
	s7 =	sadd.s32 s11, s7  }
0x10: {  	s25 =	simm.s32 $0x6080;
	s5 =	sadd.s32 s8, s13;
	s26 =	sshrl.u32 s10, $0x3  }
0x11: {  	v2 =	vlaneseq.u32;
	s31 =	sshll.u32 s10, $0x5;
	s10 =	sshll.u32 s10, $0x4;
	s13 =	simm.s32 $0x80  }
0x12: {  	vm0 =	vmmov $0xffff;
	v1 =	vshrl.u32 v2, $0x3;
	s8 =	sadd.s32 s8, s26;
	s9 =	sadd.s32 s9, s31;
	s10 =	sadd.s32 s11, s10  }
0x13: {  	v0 =	vand.u32 $0x7, v2;
	v2 =	vor.u32 $0x8, v2;
	v1 =	vmul.u32 $0x8, v1;
	s11 =	smax.u32 s12, $0x1;
	s12 =	simm.s32 $0x3;
	s26 =	simm.s32 $0x68  }
.LBB2_1:
0x14: {  	[tilespmem:s3], [sflag:$0x3] =	stream.linear.gather [hbm4b:s5+s3], $0x68, $0x38;
	[tilespmem:$0x9C80] =	vst v63  }
0x15: {  	_ =	swait.ge [sflag:s12], $0x68  }
0x16: {  	[sflag:s12] =	ssyncset.done $0x0  }
0x17: {  	[sflag:s12] =	ssyncadd.s32 $0xFFFFFF98  }
0x18: {  	v3 =	vld [tilespmem:$0x0];
	_ =	sdelay $0x4  }
0x19: {  	v4 =	vshll.u32 v3, $0x1  }
0x1a: {  	v3 =	vand.u32 $0x7, v3;
	v4 =	vand.u32 $0xFFFFFFF0, v4  }
0x1b: {  	v3 =	vor.u32 v3, v4  }
0x1c: {  	v4 =	vperm.xlane v3, v0;
	_ =	sdelay $0x1  }
0x1d: {  	v3 =	vperm.xlane v3, v2;
	v4 =	vadd.s32 v1, v4;
	_ =	sdelay $0x1  }
0x1e: {  	v3 =	vadd.s32 v1, v3;
	_ =	sdelay $0x2  }
0x1f: {  	[tilespmem:s13], [sflag:$0x1] =	stream.indirect_vreg.gather [hbm4b:s1+s3], $0x80, v4, vm0, $0xb8;
	[tilespmem:$0x9C80] =	vst v63  }
0x20: {  	_ = 	snop  }
0x21: {  	[tilespmem:s14], [sflag:$0x1] =	stream.indirect_vreg.gather [hbm4b:s1+s3], $0x80, v3, vm0, $0xb8;
	[tilespmem:$0x9C80] =	vst v63  }
0x22: {  	v3 =	vld [tilespmem:$0x10];
	_ =	sdelay $0x4  }
0x23: {  	v51 =	vshll.u32 v3, $0x1  }
0x24: {  	v3 =	vand.u32 $0x7, v3;
	v4 =	vand.u32 $0xFFFFFFF0, v51  }
0x25: {  	v3 =	vor.u32 v3, v4  }
0x26: {  	v4 =	vperm.xlane v3, v0;
	_ =	sdelay $0x1  }
0x27: {  	v3 =	vperm.xlane v3, v2;
	v4 =	vadd.s32 v1, v4;
	_ =	sdelay $0x1  }
0x28: {  	v3 =	vadd.s32 v1, v3;
	_ =	sdelay $0x2  }
0x29: {  	[tilespmem:s15], [sflag:$0x1] =	stream.indirect_vreg.gather [hbm4b:s1+s3], $0x80, v4, vm0, $0xb8;
	[tilespmem:$0x9C80] =	vst v63  }
0x2a: {  	_ = 	snop  }
0x2b: {  	[tilespmem:s16], [sflag:$0x1] =	stream.indirect_vreg.gather [hbm4b:s1+s3], $0x80, v3, vm0, $0xb8;
	[tilespmem:$0x9C80] =	vst v63  }
0x2c: {  	v3 =	vld [tilespmem:$0x20];
	_ =	sdelay $0x4  }
0x2d: {  	v52 =	vshll.u32 v3, $0x1  }
0x2e: {  	v3 =	vand.u32 $0x7, v3;
	v4 =	vand.u32 $0xFFFFFFF0, v52  }
0x2f: {  	v3 =	vor.u32 v3, v4  }
0x30: {  	v4 =	vperm.xlane v3, v0;
	_ =	sdelay $0x1  }
0x31: {  	v3 =	vperm.xlane v3, v2;
	v4 =	vadd.s32 v1, v4;
	_ =	sdelay $0x1  }
0x32: {  	v3 =	vadd.s32 v1, v3;
	_ =	sdelay $0x2  }
0x33: {  	[tilespmem:s17], [sflag:$0x1] =	stream.indirect_vreg.gather [hbm4b:s1+s3], $0x80, v4, vm0, $0xb8;
	[tilespmem:$0x9C80] =	vst v63  }
0x34: {  	_ = 	snop  }
0x35: {  	[tilespmem:s18], [sflag:$0x1] =	stream.indirect_vreg.gather [hbm4b:s1+s3], $0x80, v3, vm0, $0xb8;
	[tilespmem:$0x9C80] =	vst v63  }
0x36: {  	v3 =	vld [tilespmem:$0x30];
	_ =	sdelay $0x4  }
0x37: {  	v53 =	vshll.u32 v3, $0x1  }
0x38: {  	v3 =	vand.u32 $0x7, v3;
	v4 =	vand.u32 $0xFFFFFFF0, v53  }
0x39: {  	v3 =	vor.u32 v3, v4  }
0x3a: {  	v4 =	vperm.xlane v3, v0;
	_ =	sdelay $0x1  }
0x3b: {  	v3 =	vperm.xlane v3, v2;
	v4 =	vadd.s32 v1, v4;
	_ =	sdelay $0x1  }
0x3c: {  	v3 =	vadd.s32 v1, v3;
	_ =	sdelay $0x2  }
0x3d: {  	[tilespmem:s19], [sflag:$0x1] =	stream.indirect_vreg.gather [hbm4b:s1+s3], $0x80, v4, vm0, $0xb8;
	[tilespmem:$0x9C80] =	vst v63  }
0x3e: {  	_ = 	snop  }
0x3f: {  	[tilespmem:s20], [sflag:$0x1] =	stream.indirect_vreg.gather [hbm4b:s1+s3], $0x80, v3, vm0, $0xb8;
	[tilespmem:$0x9C80] =	vst v63  }
0x40: {  	v3 =	vld [tilespmem:$0x40];
	_ =	sdelay $0x4  }
0x41: {  	v54 =	vshll.u32 v3, $0x1  }
0x42: {  	v3 =	vand.u32 $0x7, v3;
	v4 =	vand.u32 $0xFFFFFFF0, v54  }
0x43: {  	v3 =	vor.u32 v3, v4  }
0x44: {  	v4 =	vperm.xlane v3, v0;
	_ =	sdelay $0x1  }
0x45: {  	v3 =	vperm.xlane v3, v2;
	v4 =	vadd.s32 v1, v4;
	_ =	sdelay $0x1  }
0x46: {  	v3 =	vadd.s32 v1, v3;
	_ =	sdelay $0x2  }
0x47: {  	[tilespmem:s21], [sflag:$0x1] =	stream.indirect_vreg.gather [hbm4b:s1+s3], $0x80, v4, vm0, $0xb8;
	[tilespmem:$0x9C80] =	vst v63  }
0x48: {  	_ = 	snop  }
0x49: {  	[tilespmem:s22], [sflag:$0x1] =	stream.indirect_vreg.gather [hbm4b:s1+s3], $0x80, v3, vm0, $0xb8;
	[tilespmem:$0x9C80] =	vst v63  }
0x4a: {  	v3 =	vld [tilespmem:$0x50];
	_ =	sdelay $0x4  }
0x4b: {  	v55 =	vshll.u32 v3, $0x1  }
0x4c: {  	v3 =	vand.u32 $0x7, v3;
	v4 =	vand.u32 $0xFFFFFFF0, v55  }
0x4d: {  	v3 =	vor.u32 v3, v4  }
0x4e: {  	v4 =	vperm.xlane v3, v0;
	_ =	sdelay $0x1  }
0x4f: {  	v3 =	vperm.xlane v3, v2;
	v4 =	vadd.s32 v1, v4;
	_ =	sdelay $0x1  }
0x50: {  	v3 =	vadd.s32 v1, v3;
	_ =	sdelay $0x2  }
0x51: {  	[tilespmem:s23], [sflag:$0x1] =	stream.indirect_vreg.gather [hbm4b:s1+s3], $0x80, v4, vm0, $0xb8;
	[tilespmem:$0x9C80] =	vst v63  }
0x52: {  	_ = 	snop  }
0x53: {  	[tilespmem:s24], [sflag:$0x1] =	stream.indirect_vreg.gather [hbm4b:s1+s3], $0x80, v3, vm0, $0xb8;
	[tilespmem:$0x9C80] =	vst v63  }
0x54: {  	v3 =	vld.msk [tilespmem:$0x60], $0xff;
	_ =	sdelay $0x4  }
0x55: {  	v56 =	vshll.u32 v3, $0x1  }
0x56: {  	v3 =	vand.u32 $0x7, v3;
	v4 =	vand.u32 $0xFFFFFFF0, v56  }
0x57: {  	v3 =	vor.u32 v3, v4  }
0x58: {  	v3 =	vperm.xlane v3, v0;
	_ =	sdelay $0x1  }
0x59: {  	v3 =	vadd.s32 v1, v3;
	_ =	sdelay $0x4  }
0x5a: {  	[tilespmem:s25], [sflag:$0x1] =	stream.indirect_vreg.gather [hbm4b:s1+s3], $0x80, v3, vm0, $0xb8;
	[tilespmem:$0x9C80] =	vst v63  }
0x5b: {  	_ = 	snop  }
0x5c: {  	[tilespmem:s28], [sflag:$0x2] =	stream.indirect.gather [hbm4b:s4+s26], $0x80, s3, s26, $0xb8;
	[tilespmem:$0x9C80] =	vst v63  }
0x5d: {  	_ =	swait.ge [sflag:s29], $0x6800  }
0x5e: {  	[sflag:s29] =	ssyncset.done $0x0  }
0x5f: {  	[sflag:s29] =	ssyncadd.s32 $0xFFFF9800  }
0x60: {  	_ =	swait.ge [sflag:s30], $0x3400  }
0x61: {  	[sflag:s30] =	ssyncset.done $0x0  }
0x62: {  	[sflag:s30] =	ssyncadd.s32 $0xFFFFCC00  }
0x63: {  	[hbm4b:s6+s3] =	stream.linear.scatter [tilespmem:s13], [sflag:$0x3], $0x6800, $0x38;
	[tilespmem:$0x9C80] =	vst v63  }
0x64: {  	_ =	swait.ge [sflag:s12], $0x6800  }
0x65: {  	[sflag:s12] =	ssyncset.done $0x0  }
0x66: {  	[sflag:s12] =	ssyncadd.s32 $0xFFFF9800  }
0x67: {  	[hbm4b:s7+s3] =	stream.linear.scatter [tilespmem:s28], [sflag:$0x3], $0x3400, $0x38;
	[tilespmem:$0x9C80] =	vst v63  }
0x68: {  	_ =	swait.ge [sflag:s12], $0x3400  }
0x69: {  	[sflag:s12] =	ssyncset.done $0x0  }
0x6a: {  	[sflag:s12] =	ssyncadd.s32 $0xFFFFCC00  }
0x6b: {  	[tilespmem:s3], [sflag:$0x3] =	stream.linear.gather [hbm4b:s8+s3], $0x68, $0x38;
	[tilespmem:$0x9C80] =	vst v63  }
0x6c: {  	_ =	swait.ge [sflag:s12], $0x68  }
0x6d: {  	[sflag:s12] =	ssyncset.done $0x0  }
0x6e: {  	[sflag:s12] =	ssyncadd.s32 $0xFFFFFF98  }
0x6f: {  	v3 =	vld [tilespmem:$0x0];
	_ =	sdelay $0x4  }
0x70: {  	v57 =	vshll.u32 v3, $0x1  }
0x71: {  	v3 =	vand.u32 $0x7, v3;
	v4 =	vand.u32 $0xFFFFFFF0, v57  }
0x72: {  	v3 =	vor.u32 v3, v4  }
0x73: {  	v4 =	vperm.xlane v3, v0;
	_ =	sdelay $0x1  }
0x74: {  	v3 =	vperm.xlane v3, v2;
	v4 =	vadd.s32 v1, v4;
	_ =	sdelay $0x1  }
0x75: {  	v3 =	vadd.s32 v1, v3;
	_ =	sdelay $0x2  }
0x76: {  	[tilespmem:s13], [sflag:$0x1] =	stream.indirect_vreg.gather [hbm4b:s1+s3], $0x80, v4, vm0, $0xb8;
	[tilespmem:$0x9C80] =	vst v63  }
0x77: {  	_ = 	snop  }
0x78: {  	[tilespmem:s14], [sflag:$0x1] =	stream.indirect_vreg.gather [hbm4b:s1+s3], $0x80, v3, vm0, $0xb8;
	[tilespmem:$0x9C80] =	vst v63  }
0x79: {  	v3 =	vld [tilespmem:$0x10];
	_ =	sdelay $0x4  }
0x7a: {  	v58 =	vshll.u32 v3, $0x1  }
0x7b: {  	v3 =	vand.u32 $0x7, v3;
	v4 =	vand.u32 $0xFFFFFFF0, v58  }
0x7c: {  	v3 =	vor.u32 v3, v4  }
0x7d: {  	v4 =	vperm.xlane v3, v0;
	_ =	sdelay $0x1  }
0x7e: {  	v3 =	vperm.xlane v3, v2;
	v4 =	vadd.s32 v1, v4;
	_ =	sdelay $0x1  }
0x7f: {  	v3 =	vadd.s32 v1, v3;
	_ =	sdelay $0x2  }
0x80: {  	[tilespmem:s15], [sflag:$0x1] =	stream.indirect_vreg.gather [hbm4b:s1+s3], $0x80, v4, vm0, $0xb8;
	[tilespmem:$0x9C80] =	vst v63  }
0x81: {  	_ = 	snop  }
0x82: {  	[tilespmem:s16], [sflag:$0x1] =	stream.indirect_vreg.gather [hbm4b:s1+s3], $0x80, v3, vm0, $0xb8;
	[tilespmem:$0x9C80] =	vst v63  }
0x83: {  	v3 =	vld [tilespmem:$0x20];
	_ =	sdelay $0x4  }
0x84: {  	v59 =	vshll.u32 v3, $0x1  }
0x85: {  	v3 =	vand.u32 $0x7, v3;
	v4 =	vand.u32 $0xFFFFFFF0, v59  }
0x86: {  	v3 =	vor.u32 v3, v4  }
0x87: {  	v4 =	vperm.xlane v3, v0;
	_ =	sdelay $0x1  }
0x88: {  	v3 =	vperm.xlane v3, v2;
	v4 =	vadd.s32 v1, v4;
	_ =	sdelay $0x1  }
0x89: {  	v3 =	vadd.s32 v1, v3;
	_ =	sdelay $0x2  }
0x8a: {  	[tilespmem:s17], [sflag:$0x1] =	stream.indirect_vreg.gather [hbm4b:s1+s3], $0x80, v4, vm0, $0xb8;
	[tilespmem:$0x9C80] =	vst v63  }
0x8b: {  	_ = 	snop  }
0x8c: {  	[tilespmem:s18], [sflag:$0x1] =	stream.indirect_vreg.gather [hbm4b:s1+s3], $0x80, v3, vm0, $0xb8;
	[tilespmem:$0x9C80] =	vst v63  }
0x8d: {  	v3 =	vld [tilespmem:$0x30];
	_ =	sdelay $0x4  }
0x8e: {  	v60 =	vshll.u32 v3, $0x1  }
0x8f: {  	v3 =	vand.u32 $0x7, v3;
	v4 =	vand.u32 $0xFFFFFFF0, v60  }
0x90: {  	v3 =	vor.u32 v3, v4  }
0x91: {  	v4 =	vperm.xlane v3, v0;
	_ =	sdelay $0x1  }
0x92: {  	v3 =	vperm.xlane v3, v2;
	v4 =	vadd.s32 v1, v4;
	_ =	sdelay $0x1  }
0x93: {  	v3 =	vadd.s32 v1, v3;
	_ =	sdelay $0x2  }
0x94: {  	[tilespmem:s19], [sflag:$0x1] =	stream.indirect_vreg.gather [hbm4b:s1+s3], $0x80, v4, vm0, $0xb8;
	[tilespmem:$0x9C80] =	vst v63  }
0x95: {  	_ = 	snop  }
0x96: {  	[tilespmem:s20], [sflag:$0x1] =	stream.indirect_vreg.gather [hbm4b:s1+s3], $0x80, v3, vm0, $0xb8;
	[tilespmem:$0x9C80] =	vst v63  }
0x97: {  	v3 =	vld [tilespmem:$0x40];
	_ =	sdelay $0x4  }
0x98: {  	v61 =	vshll.u32 v3, $0x1  }
0x99: {  	v3 =	vand.u32 $0x7, v3;
	v4 =	vand.u32 $0xFFFFFFF0, v61  }
0x9a: {  	v3 =	vor.u32 v3, v4  }
0x9b: {  	v4 =	vperm.xlane v3, v0;
	_ =	sdelay $0x1  }
0x9c: {  	v3 =	vperm.xlane v3, v2;
	v4 =	vadd.s32 v1, v4;
	_ =	sdelay $0x1  }
0x9d: {  	v3 =	vadd.s32 v1, v3;
	_ =	sdelay $0x2  }
0x9e: {  	[tilespmem:s21], [sflag:$0x1] =	stream.indirect_vreg.gather [hbm4b:s1+s3], $0x80, v4, vm0, $0xb8;
	[tilespmem:$0x9C80] =	vst v63  }
0x9f: {  	_ = 	snop  }
0xa0: {  	[tilespmem:s22], [sflag:$0x1] =	stream.indirect_vreg.gather [hbm4b:s1+s3], $0x80, v3, vm0, $0xb8;
	[tilespmem:$0x9C80] =	vst v63  }
0xa1: {  	v3 =	vld [tilespmem:$0x50];
	_ =	sdelay $0x4  }
0xa2: {  	v62 =	vshll.u32 v3, $0x1  }
0xa3: {  	v3 =	vand.u32 $0x7, v3;
	v4 =	vand.u32 $0xFFFFFFF0, v62  }
0xa4: {  	v3 =	vor.u32 v3, v4  }
0xa5: {  	v4 =	vperm.xlane v3, v0;
	_ =	sdelay $0x1  }
0xa6: {  	v3 =	vperm.xlane v3, v2;
	v4 =	vadd.s32 v1, v4;
	_ =	sdelay $0x1  }
0xa7: {  	v3 =	vadd.s32 v1, v3;
	_ =	sdelay $0x2  }
0xa8: {  	[tilespmem:s23], [sflag:$0x1] =	stream.indirect_vreg.gather [hbm4b:s1+s3], $0x80, v4, vm0, $0xb8;
	[tilespmem:$0x9C80] =	vst v63  }
0xa9: {  	_ = 	snop  }
0xaa: {  	[tilespmem:s24], [sflag:$0x1] =	stream.indirect_vreg.gather [hbm4b:s1+s3], $0x80, v3, vm0, $0xb8;
	[tilespmem:$0x9C80] =	vst v63  }
0xab: {  	v3 =	vld.msk [tilespmem:$0x60], $0xff;
	_ =	sdelay $0x4  }
0xac: {  	v63 =	vshll.u32 v3, $0x1  }
0xad: {  	v3 =	vand.u32 $0x7, v3;
	v4 =	vand.u32 $0xFFFFFFF0, v63  }
0xae: {  	v3 =	vor.u32 v3, v4  }
0xaf: {  	v3 =	vperm.xlane v3, v0;
	_ =	sdelay $0x1  }
0xb0: {  	v3 =	vadd.s32 v1, v3;
	_ =	sdelay $0x4  }
0xb1: {  	[tilespmem:s25], [sflag:$0x1] =	stream.indirect_vreg.gather [hbm4b:s1+s3], $0x80, v3, vm0, $0xb8;
	[tilespmem:$0x9C80] =	vst v63  }
0xb2: {  	_ = 	snop  }
0xb3: {  	[tilespmem:s28], [sflag:$0x2] =	stream.indirect.gather [hbm4b:s4+s26], $0x80, s3, s26, $0xb8;
	[tilespmem:$0x9C80] =	vst v63  }
0xb4: {  	_ =	swait.ge [sflag:s29], $0x6800  }
0xb5: {  	[sflag:s29] =	ssyncset.done $0x0  }
0xb6: {  	[sflag:s29] =	ssyncadd.s32 $0xFFFF9800  }
0xb7: {  	_ =	swait.ge [sflag:s30], $0x3400  }
0xb8: {  	[sflag:s30] =	ssyncset.done $0x0  }
0xb9: {  	[sflag:s30] =	ssyncadd.s32 $0xFFFFCC00  }
0xba: {  	[hbm4b:s9+s3] =	stream.linear.scatter [tilespmem:s13], [sflag:$0x3], $0x6800, $0x38;
	[tilespmem:$0x9C80] =	vst v63  }
0xbb: {  	_ =	swait.ge [sflag:s12], $0x6800  }
0xbc: {  	p0 =	sne.s32 s11, $0x1;
	[sflag:s12] =	ssyncset.done $0x0  }
.Ltmp0:
0xbd: {  	[sflag:s12] =	ssyncadd.s32 $0xFFFF9800;
	(pc) =	sbr.rel @p0 .LBB2_1-.Ltmp0, $4  }
0xbe: {  	[hbm4b:s10+s3] =	stream.linear.scatter [tilespmem:s28], [sflag:$0x3], $0x3400, $0x38;
	[tilespmem:$0x9C80] =	vst v63  }
0xbf: {  	_ =	swait.ge [sflag:s12], $0x3400  }
0xc0: {  	[sflag:s12] =	ssyncset.done $0x0  }
0xc1: {  	s11 =	sadd.s32 $0xFFFFFFFF, s11;
	[sflag:s12] =	ssyncadd.s32 $0xFFFFCC00  }
0xc2: {  	_ =	sfence.sel $0x180000  }
0xc3: {  	[bflag:$0x0] =	sbarrier.arrive $0xFFFF  }
0xc4: {  	p0 =	sne.s32 s2, $0x0;
	_ =	strace $0x90000047  }
0xc5: {  	s0 =	sadd.s32 @!p0 $0x100000, s0;
	[bflag:$0x2] =	sbarrier.arrive $0xFFFF  }
0xc6: {  	[sflag:s0] =	ssyncadd.tile.s32 @!p0 $0x1;
	_ =	shalt  }
.Lfunc_end2:
_tile_overlayer_lowered:
.L_overlay_start_2:
0xc7: {  	(tag) =	ssettag $0x2  }
0xc8: {  	s0 =	rddreg [dreg:$0x0];
	s2 =	stileid.u32  }
0xc9: {  	s1 =	rddreg [dreg:$0x1];
	p0 =	sne.s32 s2, $0x0  }
0xca: {  	s3 =	rddreg [dreg:$0x2];
	[bflag:$0x3] =	sbarrier.arrive $0xFFFF;
	s2 =	simm.s32 @!p0 $0x1C03  }
0xcb: {  	[timem:s3], [sflag:s2] =	dma.local @!p0 [hbm:s0], s1  }
0xcc: {  	s0 =	simm.s32 @!p0 $0x3  }
0xcd: {  	_ =	swait.ge @!p0 [sflag:s0], s1  }
0xce: {  	s1 =	ssub.s32 @!p0 $0x0, s1;
	[sflag:s0] =	ssyncset.done @!p0 $0x0  }
0xcf: {  	[sflag:s0] =	ssyncadd.s32 @!p0 s1  }
0xd0: {  	[bflag:$0x3] =	sbarrier.arrive $0xFFFF  }
0xd1: {  	_ =	shalt  }

</sc_bundles>
